<compile_context>
chip_gen: v7x
topology: tpu7x:2x2x1
jax: 0.10.2.dev20260603
libtpu: 0.0.44.dev20260713+nightly
codegen_flags: <defaults>
</compile_context>

<pallas_src>
import functools

import jax
import jax.numpy as jnp
from jax import lax
from jax.experimental import pallas as pl
from jax.experimental.pallas import tpu as pltpu
from jax.experimental.pallas import tpu_sc as plsc

C_IN = 100000
D = 64
BATCH = 16384
HIST = 200

NC = 2
NS = 16
NW = NC * NS

BPW = BATCH // NW
SB = 2
SPLITS = ((0, 128), (128, 72))
N_SLABS = BPW // SB
NSLAB_ALL = BATCH // SB

NIDX = 4
NROW = 2


def _sc_gather(x, table):
  mesh = plsc.VectorSubcoreMesh(core_axis_name="c", subcore_axis_name="s")

  @functools.partial(
      pl.kernel,
      mesh=mesh,
      out_type=jax.ShapeDtypeStruct((NSLAB_ALL, HIST, 2 * D), jnp.float32),
      scratch_types=[
          pltpu.VMEM((NIDX, SB, HIST), jnp.int32),
          pltpu.VMEM((NROW, SB, HIST, D), jnp.float32),
          [pltpu.SemaphoreType.DMA] * NIDX,
          [pltpu.SemaphoreType.DMA] * NROW,
          [pltpu.SemaphoreType.DMA] * NROW,
      ],
      compiler_params=pltpu.CompilerParams(use_tc_tiling_on_sc=False),
  )
  def k(x_hbm, table_hbm, out_hbm, idx_v, rows_v, idx_sems, g_sems, o_sems):
    wid = lax.axis_index("s") * NC + lax.axis_index("c")
    bbase = wid * BPW
    sbase = wid * N_SLABS

    def idx_fire(g, q):
      gw = lax.rem(g, N_SLABS) if not isinstance(g, int) else g % N_SLABS
      return pltpu.async_copy(
          x_hbm.at[pl.ds(bbase + gw * SB, SB)], idx_v.at[q], idx_sems[q])

    def idx_wait(q):
      pltpu.make_async_copy(
          x_hbm.at[pl.ds(bbase, SB)], idx_v.at[q], idx_sems[q]).wait()

    def gathers_fire(g, b, q):
      for e in range(SB):
        for off, ln in SPLITS:
          pltpu.async_copy(
              table_hbm.at[idx_v.at[q, e, pl.ds(off, ln)]],
              rows_v.at[b, e, pl.ds(off, ln)],
              g_sems[b])

    def gathers_drain(b, q):
      for e in range(SB):
        for off, ln in SPLITS:
          pltpu.make_async_copy(
              table_hbm.at[idx_v.at[q, e, pl.ds(off, ln)]],
              rows_v.at[b, e, pl.ds(off, ln)],
              g_sems[b]).wait()

    def out_fire(g, b):
      for e in range(SB):
        pltpu.async_copy(
            rows_v.at[b, e],
            out_hbm.at[sbase + g, pl.ds(0, HIST), pl.ds(e * D, D)],
            o_sems[b])

    def out_wait(b):
      for e in range(SB):
        pltpu.make_async_copy(
            rows_v.at[b, e],
            out_hbm.at[sbase, pl.ds(0, HIST), pl.ds(e * D, D)],
            o_sems[b]).wait()

    idx_fire(0, 0)
    idx_fire(1, 1)
    idx_fire(2, 2)
    idx_wait(0)
    gathers_fire(0, 0, 0)
    idx_fire(3, 3)
    idx_wait(1)
    gathers_fire(1, 1, 1)
    gathers_drain(0, 0)
    out_fire(0, 0)
    idx_fire(4, 0)

    @pl.loop(2, N_SLABS - 2, step=NIDX)
    def _(og):
      for u in range(NIDX):
        g = og + u
        b = (2 + u) % NROW
        q = (2 + u) % NIDX
        pb = (1 + u) % NROW
        pq = (1 + u) % NIDX
        out_wait(b)
        idx_wait(q)
        gathers_fire(g, b, q)
        gathers_drain(pb, pq)
        out_fire(g - 1, pb)
        idx_fire(g + 3, pq)

    out_wait(0)
    idx_wait(2)
    gathers_fire(N_SLABS - 2, 0, 2)
    gathers_drain(1, 1)
    out_fire(N_SLABS - 3, 1)

    out_wait(1)
    idx_wait(3)
    gathers_fire(N_SLABS - 1, 1, 3)
    gathers_drain(0, 2)
    out_fire(N_SLABS - 2, 0)

    gathers_drain(1, 3)
    out_fire(N_SLABS - 1, 1)
    out_wait(0)
    out_wait(1)
    idx_wait(0)

  return k(x, table)


SBLK = 128


HB = 40


def _tc_finish(packed):
  def body(in_ref, out_ref):
    x = in_ref[...]
    sl = lax.broadcasted_iota(jnp.int32, (SBLK, SB * SBLK), 0)
    bl = lax.broadcasted_iota(jnp.int32, (SBLK, SB * SBLK), 1)
    acc = None
    for e in range(SB):
      onehot = (bl == SB * sl + e).astype(jnp.float32)
      xe = x[:, :, e * D:(e + 1) * D]
      for part in (xe,):
        z = lax.dot_general(
            part, onehot, (((0,), (0,)), ((), ())),
            preferred_element_type=jnp.float32)
        acc = z if acc is None else acc + z
    out_ref[...] = acc

  return pl.pallas_call(
      body,
      grid=(NSLAB_ALL // SBLK, HIST // HB),
      in_specs=[pl.BlockSpec((SBLK, HB, 2 * D), lambda i, j: (i, j, 0))],
      out_specs=pl.BlockSpec((HB, D, SB * SBLK), lambda i, j: (j, 0, i)),
      out_shape=jax.ShapeDtypeStruct((HIST, D, BATCH), jnp.float32),
  )(packed)


def kernel(x, w):
  packed = _sc_gather(x, w)
  out_t = _tc_finish(packed)
  return lax.stop_gradient(out_t.transpose(2, 0, 1))

# --- scband reference (transcript-rebuilt; emitter-appended) ---
"""Pipeline reference for scband-fixed-embedding-16621523436363 (READ-ONLY COPY).

The authoritative reference and input builder live on the scoring server;
editing this copy changes nothing except your own understanding.
"""

import jax, jax.numpy as jnp
import numpy as np
import math

C_IN = 100000
D_MODEL = 64
BATCH = 16384
HIST = 200

def _build_fixed_table():
    position = np.arange(C_IN, dtype=np.float32)[:, None]
    div_term = np.exp(np.arange(0, D_MODEL, 2, dtype=np.float32) * -(math.log(10000.0) / D_MODEL))
    w = np.zeros((C_IN, D_MODEL), dtype=np.float32)
    w[:, 0::2] = np.sin(position * div_term)
    w[:, 1::2] = np.cos(position * div_term)
    return jnp.asarray(w)

def setup_inputs(seed: int = 0) -> dict:
    key = jax.random.key(seed)
    x = jax.random.randint(key, (BATCH, HIST), 0, C_IN, dtype=jnp.int32)
    w = _build_fixed_table()
    return {"x": x, "w": w}

def reference(x, w):
    # nn.Embedding lookup with a fixed (non-trainable) sinusoidal table, then .detach()
    out = jnp.take(w, x, axis=0)
    return jax.lax.stop_gradient(out)

if __name__ == "__main__":
    import jax
    _d = setup_inputs()
    print(jax.jit(kernel)(*tuple(_d.values())))

</pallas_src>

<mosaic_0001>
#map = affine_map<(d0, d1) -> (0, 0)>
#map1 = affine_map<(d0, d1) -> (0, 0, 0)>
module attributes {stable_mosaic.version = 14 : i64} {
  func.func @k(%arg0: i32, %arg1: i32, %arg2: memref<16384x200xi32, #tpu.memory_space<hbm>>, %arg3: memref<100000x64xf32, #tpu.memory_space<hbm>>, %arg4: memref<8192x200x128xf32, #tpu.memory_space<hbm>>, %arg5: memref<4x2x200xi32, #tpu.memory_space<vmem>>, %arg6: memref<2x2x200x64xf32, #tpu.memory_space<vmem>>, %arg7: memref<!tpu.dma_semaphore, #tpu.memory_space<semaphore_mem>>, %arg8: memref<!tpu.dma_semaphore, #tpu.memory_space<semaphore_mem>>, %arg9: memref<!tpu.dma_semaphore, #tpu.memory_space<semaphore_mem>>, %arg10: memref<!tpu.dma_semaphore, #tpu.memory_space<semaphore_mem>>, %arg11: memref<!tpu.dma_semaphore, #tpu.memory_space<semaphore_mem>>, %arg12: memref<!tpu.dma_semaphore, #tpu.memory_space<semaphore_mem>>, %arg13: memref<!tpu.dma_semaphore, #tpu.memory_space<semaphore_mem>>, %arg14: memref<!tpu.dma_semaphore, #tpu.memory_space<semaphore_mem>>) attributes {dimension_semantics = [#tpu.dimension_semantics<core_parallel>, #tpu.dimension_semantics<subcore_parallel>], iteration_bounds = array<i64: 2, 16>, scalar_prefetch = 0 : i64, scratch_operands = 10 : i64, tpu.core_type = #tpu.core_type<sc_vector_subcore>, window_params = [{transform_indices = #map}, {transform_indices = #map}, {transform_indices = #map1}]} {
    %mul3A = arith.constant 2 : i32
    %mul3A_0 = arith.muli %arg1, %mul3A : i32
    %add3A = arith.addi %mul3A_0, %arg0 : i32
    %mul3A_1 = arith.constant 512 : i32
    %mul3A_2 = arith.muli %add3A, %mul3A_1 : i32
    %mul3A_3 = arith.constant 256 : i32
    %mul3A_4 = arith.muli %add3A, %mul3A_3 : i32
    %add3A_5 = arith.constant 0 : i32
    %add3A_6 = arith.addi %mul3A_2, %add3A_5 : i32
    %dma_start3A = arith.constant 0 : i32
    %dma_start3A_7 = arith.constant 0 : i32
    %dma_start3A_8 = arith.constant 0 : i32
    %dma_start3A_9 = tpu.memref_slice %arg5[%dma_start3A, %dma_start3A_7, %dma_start3A_8] : memref<4x2x200xi32, #tpu.memory_space<vmem>> -> memref<1x2x200xi32, #tpu.memory_space<vmem>>
    %dma_start3A_10 = tpu.memref_squeeze %dma_start3A_9 : memref<1x2x200xi32, #tpu.memory_space<vmem>> -> memref<2x200xi32, #tpu.memory_space<vmem>>
    %dma_start3A_11 = arith.constant 0 : i32
    %dma_start3A_12 = tpu.memref_slice %arg2[%add3A_6, %dma_start3A_11] : memref<16384x200xi32, #tpu.memory_space<hbm>> -> memref<2x200xi32, #tpu.memory_space<hbm>>
    %dma_start3A_13 = arith.constant 0 : i32
    %dma_start3A_14 = arith.constant 0 : i32
    %dma_start3A_15 = tpu.memref_slice %arg5[%dma_start3A, %dma_start3A_13, %dma_start3A_14] : memref<4x2x200xi32, #tpu.memory_space<vmem>> -> memref<1x2x200xi32, #tpu.memory_space<vmem>>
    %dma_start3A_16 = tpu.memref_squeeze %dma_start3A_15 : memref<1x2x200xi32, #tpu.memory_space<vmem>> -> memref<2x200xi32, #tpu.memory_space<vmem>>
    %dma_start3A_17 = arith.constant 0 : i32
    %dma_start3A_18 = tpu.memref_slice %arg2[%add3A_6, %dma_start3A_17] : memref<16384x200xi32, #tpu.memory_space<hbm>> -> memref<2x200xi32, #tpu.memory_space<hbm>>
    tpu.enqueue_dma source(%dma_start3A_18 : memref<2x200xi32, #tpu.memory_space<hbm>>) target(%dma_start3A_16 : memref<2x200xi32, #tpu.memory_space<vmem>>) target_semaphore(%arg7 : memref<!tpu.dma_semaphore, #tpu.memory_space<semaphore_mem>>)
    %add3A_19 = arith.constant 2 : i32
    %add3A_20 = arith.addi %mul3A_2, %add3A_19 : i32
    %dma_start3A_21 = arith.constant 1 : i32
    %dma_start3A_22 = arith.constant 0 : i32
    %dma_start3A_23 = arith.constant 0 : i32
    %dma_start3A_24 = tpu.memref_slice %arg5[%dma_start3A_21, %dma_start3A_22, %dma_start3A_23] : memref<4x2x200xi32, #tpu.memory_space<vmem>> -> memref<1x2x200xi32, #tpu.memory_space<vmem>>
    %dma_start3A_25 = tpu.memref_squeeze %dma_start3A_24 : memref<1x2x200xi32, #tpu.memory_space<vmem>> -> memref<2x200xi32, #tpu.memory_space<vmem>>
    %dma_start3A_26 = arith.constant 0 : i32
    %dma_start3A_27 = tpu.memref_slice %arg2[%add3A_20, %dma_start3A_26] : memref<16384x200xi32, #tpu.memory_space<hbm>> -> memref<2x200xi32, #tpu.memory_space<hbm>>
    %dma_start3A_28 = arith.constant 0 : i32
    %dma_start3A_29 = arith.constant 0 : i32
    %dma_start3A_30 = tpu.memref_slice %arg5[%dma_start3A_21, %dma_start3A_28, %dma_start3A_29] : memref<4x2x200xi32, #tpu.memory_space<vmem>> -> memref<1x2x200xi32, #tpu.memory_space<vmem>>
    %dma_start3A_31 = tpu.memref_squeeze %dma_start3A_30 : memref<1x2x200xi32, #tpu.memory_space<vmem>> -> memref<2x200xi32, #tpu.memory_space<vmem>>
    %dma_start3A_32 = arith.constant 0 : i32
    %dma_start3A_33 = tpu.memref_slice %arg2[%add3A_20, %dma_start3A_32] : memref<16384x200xi32, #tpu.memory_space<hbm>> -> memref<2x200xi32, #tpu.memory_space<hbm>>
    tpu.enqueue_dma source(%dma_start3A_33 : memref<2x200xi32, #tpu.memory_space<hbm>>) target(%dma_start3A_31 : memref<2x200xi32, #tpu.memory_space<vmem>>) target_semaphore(%arg8 : memref<!tpu.dma_semaphore, #tpu.memory_space<semaphore_mem>>)
    %add3A_34 = arith.constant 4 : i32
    %add3A_35 = arith.addi %mul3A_2, %add3A_34 : i32
    %dma_start3A_36 = arith.constant 2 : i32
    %dma_start3A_37 = arith.constant 0 : i32
    %dma_start3A_38 = arith.constant 0 : i32
    %dma_start3A_39 = tpu.memref_slice %arg5[%dma_start3A_36, %dma_start3A_37, %dma_start3A_38] : memref<4x2x200xi32, #tpu.memory_space<vmem>> -> memref<1x2x200xi32, #tpu.memory_space<vmem>>
    %dma_start3A_40 = tpu.memref_squeeze %dma_start3A_39 : memref<1x2x200xi32, #tpu.memory_space<vmem>> -> memref<2x200xi32, #tpu.memory_space<vmem>>
    %dma_start3A_41 = arith.constant 0 : i32
    %dma_start3A_42 = tpu.memref_slice %arg2[%add3A_35, %dma_start3A_41] : memref<16384x200xi32, #tpu.memory_space<hbm>> -> memref<2x200xi32, #tpu.memory_space<hbm>>
    %dma_start3A_43 = arith.constant 0 : i32
    %dma_start3A_44 = arith.constant 0 : i32
    %dma_start3A_45 = tpu.memref_slice %arg5[%dma_start3A_36, %dma_start3A_43, %dma_start3A_44] : memref<4x2x200xi32, #tpu.memory_space<vmem>> -> memref<1x2x200xi32, #tpu.memory_space<vmem>>
    %dma_start3A_46 = tpu.memref_squeeze %dma_start3A_45 : memref<1x2x200xi32, #tpu.memory_space<vmem>> -> memref<2x200xi32, #tpu.memory_space<vmem>>
    %dma_start3A_47 = arith.constant 0 : i32
    %dma_start3A_48 = tpu.memref_slice %arg2[%add3A_35, %dma_start3A_47] : memref<16384x200xi32, #tpu.memory_space<hbm>> -> memref<2x200xi32, #tpu.memory_space<hbm>>
    tpu.enqueue_dma source(%dma_start3A_48 : memref<2x200xi32, #tpu.memory_space<hbm>>) target(%dma_start3A_46 : memref<2x200xi32, #tpu.memory_space<vmem>>) target_semaphore(%arg9 : memref<!tpu.dma_semaphore, #tpu.memory_space<semaphore_mem>>)
    %dma_wait3A = arith.constant 0 : i32
    %dma_wait3A_49 = arith.constant 0 : i32
    %dma_wait3A_50 = arith.constant 0 : i32
    %dma_wait3A_51 = tpu.memref_slice %arg5[%dma_wait3A, %dma_wait3A_49, %dma_wait3A_50] : memref<4x2x200xi32, #tpu.memory_space<vmem>> -> memref<1x2x200xi32, #tpu.memory_space<vmem>>
    %dma_wait3A_52 = tpu.memref_squeeze %dma_wait3A_51 : memref<1x2x200xi32, #tpu.memory_space<vmem>> -> memref<2x200xi32, #tpu.memory_space<vmem>>
    %dma_wait3A_53 = arith.constant 0 : i32
    %dma_wait3A_54 = tpu.memref_slice %arg2[%mul3A_2, %dma_wait3A_53] : memref<16384x200xi32, #tpu.memory_space<hbm>> -> memref<2x200xi32, #tpu.memory_space<hbm>>
    %dma_wait3A_55 = arith.constant 0 : i32
    %dma_wait3A_56 = arith.constant 0 : i32
    %dma_wait3A_57 = tpu.memref_slice %arg5[%dma_wait3A, %dma_wait3A_55, %dma_wait3A_56] : memref<4x2x200xi32, #tpu.memory_space<vmem>> -> memref<1x2x200xi32, #tpu.memory_space<vmem>>
    %dma_wait3A_58 = tpu.memref_squeeze %dma_wait3A_57 : memref<1x2x200xi32, #tpu.memory_space<vmem>> -> memref<2x200xi32, #tpu.memory_space<vmem>>
    %dma_wait3A_59 = arith.constant 0 : i32
    %dma_wait3A_60 = tpu.memref_slice %arg2[%mul3A_2, %dma_wait3A_59] : memref<16384x200xi32, #tpu.memory_space<hbm>> -> memref<2x200xi32, #tpu.memory_space<hbm>>
    tpu.wait_dma2 semaphore(%arg7 : memref<!tpu.dma_semaphore, #tpu.memory_space<semaphore_mem>>) src(%dma_wait3A_60 : memref<2x200xi32, #tpu.memory_space<hbm>>) dst(%dma_wait3A_58 : memref<2x200xi32, #tpu.memory_space<vmem>>)
    %dma_start3A_61 = arith.constant 0 : i32
    %dma_start3A_62 = arith.constant 0 : i32
    %dma_start3A_63 = arith.constant 0 : i32
    %dma_start3A_64 = arith.constant 0 : i32
    %dma_start3A_65 = arith.constant 0 : i32
    %dma_start3A_66 = arith.constant 0 : i32
    %dma_start3A_67 = tpu.memref_slice %arg6[%dma_start3A_63, %dma_start3A_64, %dma_start3A_65, %dma_start3A_66] : memref<2x2x200x64xf32, #tpu.memory_space<vmem>> -> memref<1x1x128x64xf32, #tpu.memory_space<vmem>>
    %dma_start3A_68 = tpu.memref_squeeze %dma_start3A_67 : memref<1x1x128x64xf32, #tpu.memory_space<vmem>> -> memref<128x64xf32, #tpu.memory_space<vmem>>
    %dma_start3A_69 = arith.constant 0 : i32
    %dma_start3A_70 = tpu.memref_slice %arg5[%dma_start3A_61, %dma_start3A_62, %dma_start3A_69] : memref<4x2x200xi32, #tpu.memory_space<vmem>> -> memref<1x1x128xi32, #tpu.memory_space<vmem>>
    %dma_start3A_71 = tpu.memref_squeeze %dma_start3A_70 : memref<1x1x128xi32, #tpu.memory_space<vmem>> -> memref<128xi32, #tpu.memory_space<vmem>>
    %dma_start3A_72 = arith.constant 0 : i32
    %dma_start3A_73 = arith.constant 0 : i32
    %dma_start3A_74 = tpu.memref_slice %arg3[%dma_start3A_72, %dma_start3A_73] : memref<100000x64xf32, #tpu.memory_space<hbm>> -> memref<100000x64xf32, #tpu.memory_space<hbm>>
    tpu.enqueue_indirect_dma source(%dma_start3A_74 : memref<100000x64xf32, #tpu.memory_space<hbm>>) target(%dma_start3A_68 : memref<128x64xf32, #tpu.memory_space<vmem>>) offsets(%dma_start3A_71 : memref<128xi32, #tpu.memory_space<vmem>>) semaphore(%arg11 : memref<!tpu.dma_semaphore, #tpu.memory_space<semaphore_mem>>)
    %dma_start3A_75 = arith.constant 0 : i32
    %dma_start3A_76 = arith.constant 0 : i32
    %dma_start3A_77 = arith.constant 0 : i32
    %dma_start3A_78 = arith.constant 0 : i32
    %dma_start3A_79 = arith.constant 128 : i32
    %dma_start3A_80 = arith.constant 0 : i32
    %dma_start3A_81 = tpu.memref_slice %arg6[%dma_start3A_77, %dma_start3A_78, %dma_start3A_79, %dma_start3A_80] : memref<2x2x200x64xf32, #tpu.memory_space<vmem>> -> memref<1x1x72x64xf32, #tpu.memory_space<vmem>>
    %dma_start3A_82 = tpu.memref_squeeze %dma_start3A_81 : memref<1x1x72x64xf32, #tpu.memory_space<vmem>> -> memref<72x64xf32, #tpu.memory_space<vmem>>
    %dma_start3A_83 = arith.constant 128 : i32
    %dma_start3A_84 = tpu.memref_slice %arg5[%dma_start3A_75, %dma_start3A_76, %dma_start3A_83] : memref<4x2x200xi32, #tpu.memory_space<vmem>> -> memref<1x1x72xi32, #tpu.memory_space<vmem>>
    %dma_start3A_85 = tpu.memref_squeeze %dma_start3A_84 : memref<1x1x72xi32, #tpu.memory_space<vmem>> -> memref<72xi32, #tpu.memory_space<vmem>>
    %dma_start3A_86 = arith.constant 0 : i32
    %dma_start3A_87 = arith.constant 0 : i32
    %dma_start3A_88 = tpu.memref_slice %arg3[%dma_start3A_86, %dma_start3A_87] : memref<100000x64xf32, #tpu.memory_space<hbm>> -> memref<100000x64xf32, #tpu.memory_space<hbm>>
    tpu.enqueue_indirect_dma source(%dma_start3A_88 : memref<100000x64xf32, #tpu.memory_space<hbm>>) target(%dma_start3A_82 : memref<72x64xf32, #tpu.memory_space<vmem>>) offsets(%dma_start3A_85 : memref<72xi32, #tpu.memory_space<vmem>>) semaphore(%arg11 : memref<!tpu.dma_semaphore, #tpu.memory_space<semaphore_mem>>)
    %dma_start3A_89 = arith.constant 0 : i32
    %dma_start3A_90 = arith.constant 1 : i32
    %dma_start3A_91 = arith.constant 0 : i32
    %dma_start3A_92 = arith.constant 1 : i32
    %dma_start3A_93 = arith.constant 0 : i32
    %dma_start3A_94 = arith.constant 0 : i32
    %dma_start3A_95 = tpu.memref_slice %arg6[%dma_start3A_91, %dma_start3A_92, %dma_start3A_93, %dma_start3A_94] : memref<2x2x200x64xf32, #tpu.memory_space<vmem>> -> memref<1x1x128x64xf32, #tpu.memory_space<vmem>>
    %dma_start3A_96 = tpu.memref_squeeze %dma_start3A_95 : memref<1x1x128x64xf32, #tpu.memory_space<vmem>> -> memref<128x64xf32, #tpu.memory_space<vmem>>
    %dma_start3A_97 = arith.constant 0 : i32
    %dma_start3A_98 = tpu.memref_slice %arg5[%dma_start3A_89, %dma_start3A_90, %dma_start3A_97] : memref<4x2x200xi32, #tpu.memory_space<vmem>> -> memref<1x1x128xi32, #tpu.memory_space<vmem>>
    %dma_start3A_99 = tpu.memref_squeeze %dma_start3A_98 : memref<1x1x128xi32, #tpu.memory_space<vmem>> -> memref<128xi32, #tpu.memory_space<vmem>>
    %dma_start3A_100 = arith.constant 0 : i32
    %dma_start3A_101 = arith.constant 0 : i32
    %dma_start3A_102 = tpu.memref_slice %arg3[%dma_start3A_100, %dma_start3A_101] : memref<100000x64xf32, #tpu.memory_space<hbm>> -> memref<100000x64xf32, #tpu.memory_space<hbm>>
    tpu.enqueue_indirect_dma source(%dma_start3A_102 : memref<100000x64xf32, #tpu.memory_space<hbm>>) target(%dma_start3A_96 : memref<128x64xf32, #tpu.memory_space<vmem>>) offsets(%dma_start3A_99 : memref<128xi32, #tpu.memory_space<vmem>>) semaphore(%arg11 : memref<!tpu.dma_semaphore, #tpu.memory_space<semaphore_mem>>)
    %dma_start3A_103 = arith.constant 0 : i32
    %dma_start3A_104 = arith.constant 1 : i32
    %dma_start3A_105 = arith.constant 0 : i32
    %dma_start3A_106 = arith.constant 1 : i32
    %dma_start3A_107 = arith.constant 128 : i32
    %dma_start3A_108 = arith.constant 0 : i32
    %dma_start3A_109 = tpu.memref_slice %arg6[%dma_start3A_105, %dma_start3A_106, %dma_start3A_107, %dma_start3A_108] : memref<2x2x200x64xf32, #tpu.memory_space<vmem>> -> memref<1x1x72x64xf32, #tpu.memory_space<vmem>>
    %dma_start3A_110 = tpu.memref_squeeze %dma_start3A_109 : memref<1x1x72x64xf32, #tpu.memory_space<vmem>> -> memref<72x64xf32, #tpu.memory_space<vmem>>
    %dma_start3A_111 = arith.constant 128 : i32
    %dma_start3A_112 = tpu.memref_slice %arg5[%dma_start3A_103, %dma_start3A_104, %dma_start3A_111] : memref<4x2x200xi32, #tpu.memory_space<vmem>> -> memref<1x1x72xi32, #tpu.memory_space<vmem>>
    %dma_start3A_113 = tpu.memref_squeeze %dma_start3A_112 : memref<1x1x72xi32, #tpu.memory_space<vmem>> -> memref<72xi32, #tpu.memory_space<vmem>>
    %dma_start3A_114 = arith.constant 0 : i32
    %dma_start3A_115 = arith.constant 0 : i32
    %dma_start3A_116 = tpu.memref_slice %arg3[%dma_start3A_114, %dma_start3A_115] : memref<100000x64xf32, #tpu.memory_space<hbm>> -> memref<100000x64xf32, #tpu.memory_space<hbm>>
    tpu.enqueue_indirect_dma source(%dma_start3A_116 : memref<100000x64xf32, #tpu.memory_space<hbm>>) target(%dma_start3A_110 : memref<72x64xf32, #tpu.memory_space<vmem>>) offsets(%dma_start3A_113 : memref<72xi32, #tpu.memory_space<vmem>>) semaphore(%arg11 : memref<!tpu.dma_semaphore, #tpu.memory_space<semaphore_mem>>)
    %add3A_117 = arith.constant 6 : i32
    %add3A_118 = arith.addi %mul3A_2, %add3A_117 : i32
    %dma_start3A_119 = arith.constant 3 : i32
    %dma_start3A_120 = arith.constant 0 : i32
    %dma_start3A_121 = arith.constant 0 : i32
    %dma_start3A_122 = tpu.memref_slice %arg5[%dma_start3A_119, %dma_start3A_120, %dma_start3A_121] : memref<4x2x200xi32, #tpu.memory_space<vmem>> -> memref<1x2x200xi32, #tpu.memory_space<vmem>>
    %dma_start3A_123 = tpu.memref_squeeze %dma_start3A_122 : memref<1x2x200xi32, #tpu.memory_space<vmem>> -> memref<2x200xi32, #tpu.memory_space<vmem>>
    %dma_start3A_124 = arith.constant 0 : i32
    %dma_start3A_125 = tpu.memref_slice %arg2[%add3A_118, %dma_start3A_124] : memref<16384x200xi32, #tpu.memory_space<hbm>> -> memref<2x200xi32, #tpu.memory_space<hbm>>
    %dma_start3A_126 = arith.constant 0 : i32
    %dma_start3A_127 = arith.constant 0 : i32
    %dma_start3A_128 = tpu.memref_slice %arg5[%dma_start3A_119, %dma_start3A_126, %dma_start3A_127] : memref<4x2x200xi32, #tpu.memory_space<vmem>> -> memref<1x2x200xi32, #tpu.memory_space<vmem>>
    %dma_start3A_129 = tpu.memref_squeeze %dma_start3A_128 : memref<1x2x200xi32, #tpu.memory_space<vmem>> -> memref<2x200xi32, #tpu.memory_space<vmem>>
    %dma_start3A_130 = arith.constant 0 : i32
    %dma_start3A_131 = tpu.memref_slice %arg2[%add3A_118, %dma_start3A_130] : memref<16384x200xi32, #tpu.memory_space<hbm>> -> memref<2x200xi32, #tpu.memory_space<hbm>>
    tpu.enqueue_dma source(%dma_start3A_131 : memref<2x200xi32, #tpu.memory_space<hbm>>) target(%dma_start3A_129 : memref<2x200xi32, #tpu.memory_space<vmem>>) target_semaphore(%arg10 : memref<!tpu.dma_semaphore, #tpu.memory_space<semaphore_mem>>)
    %dma_wait3A_132 = arith.constant 1 : i32
    %dma_wait3A_133 = arith.constant 0 : i32
    %dma_wait3A_134 = arith.constant 0 : i32
    %dma_wait3A_135 = tpu.memref_slice %arg5[%dma_wait3A_132, %dma_wait3A_133, %dma_wait3A_134] : memref<4x2x200xi32, #tpu.memory_space<vmem>> -> memref<1x2x200xi32, #tpu.memory_space<vmem>>
    %dma_wait3A_136 = tpu.memref_squeeze %dma_wait3A_135 : memref<1x2x200xi32, #tpu.memory_space<vmem>> -> memref<2x200xi32, #tpu.memory_space<vmem>>
    %dma_wait3A_137 = arith.constant 0 : i32
    %dma_wait3A_138 = tpu.memref_slice %arg2[%mul3A_2, %dma_wait3A_137] : memref<16384x200xi32, #tpu.memory_space<hbm>> -> memref<2x200xi32, #tpu.memory_space<hbm>>
    %dma_wait3A_139 = arith.constant 0 : i32
    %dma_wait3A_140 = arith.constant 0 : i32
    %dma_wait3A_141 = tpu.memref_slice %arg5[%dma_wait3A_132, %dma_wait3A_139, %dma_wait3A_140] : memref<4x2x200xi32, #tpu.memory_space<vmem>> -> memref<1x2x200xi32, #tpu.memory_space<vmem>>
    %dma_wait3A_142 = tpu.memref_squeeze %dma_wait3A_141 : memref<1x2x200xi32, #tpu.memory_space<vmem>> -> memref<2x200xi32, #tpu.memory_space<vmem>>
    %dma_wait3A_143 = arith.constant 0 : i32
    %dma_wait3A_144 = tpu.memref_slice %arg2[%mul3A_2, %dma_wait3A_143] : memref<16384x200xi32, #tpu.memory_space<hbm>> -> memref<2x200xi32, #tpu.memory_space<hbm>>
    tpu.wait_dma2 semaphore(%arg8 : memref<!tpu.dma_semaphore, #tpu.memory_space<semaphore_mem>>) src(%dma_wait3A_144 : memref<2x200xi32, #tpu.memory_space<hbm>>) dst(%dma_wait3A_142 : memref<2x200xi32, #tpu.memory_space<vmem>>)
    %dma_start3A_145 = arith.constant 1 : i32
    %dma_start3A_146 = arith.constant 0 : i32
    %dma_start3A_147 = arith.constant 1 : i32
    %dma_start3A_148 = arith.constant 0 : i32
    %dma_start3A_149 = arith.constant 0 : i32
    %dma_start3A_150 = arith.constant 0 : i32
    %dma_start3A_151 = tpu.memref_slice %arg6[%dma_start3A_147, %dma_start3A_148, %dma_start3A_149, %dma_start3A_150] : memref<2x2x200x64xf32, #tpu.memory_space<vmem>> -> memref<1x1x128x64xf32, #tpu.memory_space<vmem>>
    %dma_start3A_152 = tpu.memref_squeeze %dma_start3A_151 : memref<1x1x128x64xf32, #tpu.memory_space<vmem>> -> memref<128x64xf32, #tpu.memory_space<vmem>>
    %dma_start3A_153 = arith.constant 0 : i32
    %dma_start3A_154 = tpu.memref_slice %arg5[%dma_start3A_145, %dma_start3A_146, %dma_start3A_153] : memref<4x2x200xi32, #tpu.memory_space<vmem>> -> memref<1x1x128xi32, #tpu.memory_space<vmem>>
    %dma_start3A_155 = tpu.memref_squeeze %dma_start3A_154 : memref<1x1x128xi32, #tpu.memory_space<vmem>> -> memref<128xi32, #tpu.memory_space<vmem>>
    %dma_start3A_156 = arith.constant 0 : i32
    %dma_start3A_157 = arith.constant 0 : i32
    %dma_start3A_158 = tpu.memref_slice %arg3[%dma_start3A_156, %dma_start3A_157] : memref<100000x64xf32, #tpu.memory_space<hbm>> -> memref<100000x64xf32, #tpu.memory_space<hbm>>
    tpu.enqueue_indirect_dma source(%dma_start3A_158 : memref<100000x64xf32, #tpu.memory_space<hbm>>) target(%dma_start3A_152 : memref<128x64xf32, #tpu.memory_space<vmem>>) offsets(%dma_start3A_155 : memref<128xi32, #tpu.memory_space<vmem>>) semaphore(%arg12 : memref<!tpu.dma_semaphore, #tpu.memory_space<semaphore_mem>>)
    %dma_start3A_159 = arith.constant 1 : i32
    %dma_start3A_160 = arith.constant 0 : i32
    %dma_start3A_161 = arith.constant 1 : i32
    %dma_start3A_162 = arith.constant 0 : i32
    %dma_start3A_163 = arith.constant 128 : i32
    %dma_start3A_164 = arith.constant 0 : i32
    %dma_start3A_165 = tpu.memref_slice %arg6[%dma_start3A_161, %dma_start3A_162, %dma_start3A_163, %dma_start3A_164] : memref<2x2x200x64xf32, #tpu.memory_space<vmem>> -> memref<1x1x72x64xf32, #tpu.memory_space<vmem>>
    %dma_start3A_166 = tpu.memref_squeeze %dma_start3A_165 : memref<1x1x72x64xf32, #tpu.memory_space<vmem>> -> memref<72x64xf32, #tpu.memory_space<vmem>>
    %dma_start3A_167 = arith.constant 128 : i32
    %dma_start3A_168 = tpu.memref_slice %arg5[%dma_start3A_159, %dma_start3A_160, %dma_start3A_167] : memref<4x2x200xi32, #tpu.memory_space<vmem>> -> memref<1x1x72xi32, #tpu.memory_space<vmem>>
    %dma_start3A_169 = tpu.memref_squeeze %dma_start3A_168 : memref<1x1x72xi32, #tpu.memory_space<vmem>> -> memref<72xi32, #tpu.memory_space<vmem>>
    %dma_start3A_170 = arith.constant 0 : i32
    %dma_start3A_171 = arith.constant 0 : i32
    %dma_start3A_172 = tpu.memref_slice %arg3[%dma_start3A_170, %dma_start3A_171] : memref<100000x64xf32, #tpu.memory_space<hbm>> -> memref<100000x64xf32, #tpu.memory_space<hbm>>
    tpu.enqueue_indirect_dma source(%dma_start3A_172 : memref<100000x64xf32, #tpu.memory_space<hbm>>) target(%dma_start3A_166 : memref<72x64xf32, #tpu.memory_space<vmem>>) offsets(%dma_start3A_169 : memref<72xi32, #tpu.memory_space<vmem>>) semaphore(%arg12 : memref<!tpu.dma_semaphore, #tpu.memory_space<semaphore_mem>>)
    %dma_start3A_173 = arith.constant 1 : i32
    %dma_start3A_174 = arith.constant 1 : i32
    %dma_start3A_175 = arith.constant 1 : i32
    %dma_start3A_176 = arith.constant 1 : i32
    %dma_start3A_177 = arith.constant 0 : i32
    %dma_start3A_178 = arith.constant 0 : i32
    %dma_start3A_179 = tpu.memref_slice %arg6[%dma_start3A_175, %dma_start3A_176, %dma_start3A_177, %dma_start3A_178] : memref<2x2x200x64xf32, #tpu.memory_space<vmem>> -> memref<1x1x128x64xf32, #tpu.memory_space<vmem>>
    %dma_start3A_180 = tpu.memref_squeeze %dma_start3A_179 : memref<1x1x128x64xf32, #tpu.memory_space<vmem>> -> memref<128x64xf32, #tpu.memory_space<vmem>>
    %dma_start3A_181 = arith.constant 0 : i32
    %dma_start3A_182 = tpu.memref_slice %arg5[%dma_start3A_173, %dma_start3A_174, %dma_start3A_181] : memref<4x2x200xi32, #tpu.memory_space<vmem>> -> memref<1x1x128xi32, #tpu.memory_space<vmem>>
    %dma_start3A_183 = tpu.memref_squeeze %dma_start3A_182 : memref<1x1x128xi32, #tpu.memory_space<vmem>> -> memref<128xi32, #tpu.memory_space<vmem>>
    %dma_start3A_184 = arith.constant 0 : i32
    %dma_start3A_185 = arith.constant 0 : i32
    %dma_start3A_186 = tpu.memref_slice %arg3[%dma_start3A_184, %dma_start3A_185] : memref<100000x64xf32, #tpu.memory_space<hbm>> -> memref<100000x64xf32, #tpu.memory_space<hbm>>
    tpu.enqueue_indirect_dma source(%dma_start3A_186 : memref<100000x64xf32, #tpu.memory_space<hbm>>) target(%dma_start3A_180 : memref<128x64xf32, #tpu.memory_space<vmem>>) offsets(%dma_start3A_183 : memref<128xi32, #tpu.memory_space<vmem>>) semaphore(%arg12 : memref<!tpu.dma_semaphore, #tpu.memory_space<semaphore_mem>>)
    %dma_start3A_187 = arith.constant 1 : i32
    %dma_start3A_188 = arith.constant 1 : i32
    %dma_start3A_189 = arith.constant 1 : i32
    %dma_start3A_190 = arith.constant 1 : i32
    %dma_start3A_191 = arith.constant 128 : i32
    %dma_start3A_192 = arith.constant 0 : i32
    %dma_start3A_193 = tpu.memref_slice %arg6[%dma_start3A_189, %dma_start3A_190, %dma_start3A_191, %dma_start3A_192] : memref<2x2x200x64xf32, #tpu.memory_space<vmem>> -> memref<1x1x72x64xf32, #tpu.memory_space<vmem>>
    %dma_start3A_194 = tpu.memref_squeeze %dma_start3A_193 : memref<1x1x72x64xf32, #tpu.memory_space<vmem>> -> memref<72x64xf32, #tpu.memory_space<vmem>>
    %dma_start3A_195 = arith.constant 128 : i32
    %dma_start3A_196 = tpu.memref_slice %arg5[%dma_start3A_187, %dma_start3A_188, %dma_start3A_195] : memref<4x2x200xi32, #tpu.memory_space<vmem>> -> memref<1x1x72xi32, #tpu.memory_space<vmem>>
    %dma_start3A_197 = tpu.memref_squeeze %dma_start3A_196 : memref<1x1x72xi32, #tpu.memory_space<vmem>> -> memref<72xi32, #tpu.memory_space<vmem>>
    %dma_start3A_198 = arith.constant 0 : i32
    %dma_start3A_199 = arith.constant 0 : i32
    %dma_start3A_200 = tpu.memref_slice %arg3[%dma_start3A_198, %dma_start3A_199] : memref<100000x64xf32, #tpu.memory_space<hbm>> -> memref<100000x64xf32, #tpu.memory_space<hbm>>
    tpu.enqueue_indirect_dma source(%dma_start3A_200 : memref<100000x64xf32, #tpu.memory_space<hbm>>) target(%dma_start3A_194 : memref<72x64xf32, #tpu.memory_space<vmem>>) offsets(%dma_start3A_197 : memref<72xi32, #tpu.memory_space<vmem>>) semaphore(%arg12 : memref<!tpu.dma_semaphore, #tpu.memory_space<semaphore_mem>>)
    %dma_wait3A_201 = arith.constant 0 : i32
    %dma_wait3A_202 = arith.constant 0 : i32
    %dma_wait3A_203 = arith.constant 0 : i32
    %dma_wait3A_204 = arith.constant 0 : i32
    %dma_wait3A_205 = arith.constant 0 : i32
    %dma_wait3A_206 = arith.constant 0 : i32
    %dma_wait3A_207 = tpu.memref_slice %arg6[%dma_wait3A_203, %dma_wait3A_204, %dma_wait3A_205, %dma_wait3A_206] : memref<2x2x200x64xf32, #tpu.memory_space<vmem>> -> memref<1x1x128x64xf32, #tpu.memory_space<vmem>>
    %dma_wait3A_208 = tpu.memref_squeeze %dma_wait3A_207 : memref<1x1x128x64xf32, #tpu.memory_space<vmem>> -> memref<128x64xf32, #tpu.memory_space<vmem>>
    %dma_wait3A_209 = arith.constant 0 : i32
    %dma_wait3A_210 = tpu.memref_slice %arg5[%dma_wait3A_201, %dma_wait3A_202, %dma_wait3A_209] : memref<4x2x200xi32, #tpu.memory_space<vmem>> -> memref<1x1x128xi32, #tpu.memory_space<vmem>>
    %dma_wait3A_211 = tpu.memref_squeeze %dma_wait3A_210 : memref<1x1x128xi32, #tpu.memory_space<vmem>> -> memref<128xi32, #tpu.memory_space<vmem>>
    %dma_wait3A_212 = arith.constant 0 : i32
    %dma_wait3A_213 = arith.constant 0 : i32
    %dma_wait3A_214 = tpu.memref_slice %arg3[%dma_wait3A_212, %dma_wait3A_213] : memref<100000x64xf32, #tpu.memory_space<hbm>> -> memref<100000x64xf32, #tpu.memory_space<hbm>>
    tpu.wait_indirect_dma semaphore(%arg11 : memref<!tpu.dma_semaphore, #tpu.memory_space<semaphore_mem>>) src(%dma_wait3A_214 : memref<100000x64xf32, #tpu.memory_space<hbm>>) dst(%dma_wait3A_208 : memref<128x64xf32, #tpu.memory_space<vmem>>)
    %dma_wait3A_215 = arith.constant 0 : i32
    %dma_wait3A_216 = arith.constant 0 : i32
    %dma_wait3A_217 = arith.constant 0 : i32
    %dma_wait3A_218 = arith.constant 0 : i32
    %dma_wait3A_219 = arith.constant 128 : i32
    %dma_wait3A_220 = arith.constant 0 : i32
    %dma_wait3A_221 = tpu.memref_slice %arg6[%dma_wait3A_217, %dma_wait3A_218, %dma_wait3A_219, %dma_wait3A_220] : memref<2x2x200x64xf32, #tpu.memory_space<vmem>> -> memref<1x1x72x64xf32, #tpu.memory_space<vmem>>
    %dma_wait3A_222 = tpu.memref_squeeze %dma_wait3A_221 : memref<1x1x72x64xf32, #tpu.memory_space<vmem>> -> memref<72x64xf32, #tpu.memory_space<vmem>>
    %dma_wait3A_223 = arith.constant 128 : i32
    %dma_wait3A_224 = tpu.memref_slice %arg5[%dma_wait3A_215, %dma_wait3A_216, %dma_wait3A_223] : memref<4x2x200xi32, #tpu.memory_space<vmem>> -> memref<1x1x72xi32, #tpu.memory_space<vmem>>
    %dma_wait3A_225 = tpu.memref_squeeze %dma_wait3A_224 : memref<1x1x72xi32, #tpu.memory_space<vmem>> -> memref<72xi32, #tpu.memory_space<vmem>>
    %dma_wait3A_226 = arith.constant 0 : i32
    %dma_wait3A_227 = arith.constant 0 : i32
    %dma_wait3A_228 = tpu.memref_slice %arg3[%dma_wait3A_226, %dma_wait3A_227] : memref<100000x64xf32, #tpu.memory_space<hbm>> -> memref<100000x64xf32, #tpu.memory_space<hbm>>
    tpu.wait_indirect_dma semaphore(%arg11 : memref<!tpu.dma_semaphore, #tpu.memory_space<semaphore_mem>>) src(%dma_wait3A_228 : memref<100000x64xf32, #tpu.memory_space<hbm>>) dst(%dma_wait3A_222 : memref<72x64xf32, #tpu.memory_space<vmem>>)
    %dma_wait3A_229 = arith.constant 0 : i32
    %dma_wait3A_230 = arith.constant 1 : i32
    %dma_wait3A_231 = arith.constant 0 : i32
    %dma_wait3A_232 = arith.constant 1 : i32
    %dma_wait3A_233 = arith.constant 0 : i32
    %dma_wait3A_234 = arith.constant 0 : i32
    %dma_wait3A_235 = tpu.memref_slice %arg6[%dma_wait3A_231, %dma_wait3A_232, %dma_wait3A_233, %dma_wait3A_234] : memref<2x2x200x64xf32, #tpu.memory_space<vmem>> -> memref<1x1x128x64xf32, #tpu.memory_space<vmem>>
    %dma_wait3A_236 = tpu.memref_squeeze %dma_wait3A_235 : memref<1x1x128x64xf32, #tpu.memory_space<vmem>> -> memref<128x64xf32, #tpu.memory_space<vmem>>
    %dma_wait3A_237 = arith.constant 0 : i32
    %dma_wait3A_238 = tpu.memref_slice %arg5[%dma_wait3A_229, %dma_wait3A_230, %dma_wait3A_237] : memref<4x2x200xi32, #tpu.memory_space<vmem>> -> memref<1x1x128xi32, #tpu.memory_space<vmem>>
    %dma_wait3A_239 = tpu.memref_squeeze %dma_wait3A_238 : memref<1x1x128xi32, #tpu.memory_space<vmem>> -> memref<128xi32, #tpu.memory_space<vmem>>
    %dma_wait3A_240 = arith.constant 0 : i32
    %dma_wait3A_241 = arith.constant 0 : i32
    %dma_wait3A_242 = tpu.memref_slice %arg3[%dma_wait3A_240, %dma_wait3A_241] : memref<100000x64xf32, #tpu.memory_space<hbm>> -> memref<100000x64xf32, #tpu.memory_space<hbm>>
    tpu.wait_indirect_dma semaphore(%arg11 : memref<!tpu.dma_semaphore, #tpu.memory_space<semaphore_mem>>) src(%dma_wait3A_242 : memref<100000x64xf32, #tpu.memory_space<hbm>>) dst(%dma_wait3A_236 : memref<128x64xf32, #tpu.memory_space<vmem>>)
    %dma_wait3A_243 = arith.constant 0 : i32
    %dma_wait3A_244 = arith.constant 1 : i32
    %dma_wait3A_245 = arith.constant 0 : i32
    %dma_wait3A_246 = arith.constant 1 : i32
    %dma_wait3A_247 = arith.constant 128 : i32
    %dma_wait3A_248 = arith.constant 0 : i32
    %dma_wait3A_249 = tpu.memref_slice %arg6[%dma_wait3A_245, %dma_wait3A_246, %dma_wait3A_247, %dma_wait3A_248] : memref<2x2x200x64xf32, #tpu.memory_space<vmem>> -> memref<1x1x72x64xf32, #tpu.memory_space<vmem>>
    %dma_wait3A_250 = tpu.memref_squeeze %dma_wait3A_249 : memref<1x1x72x64xf32, #tpu.memory_space<vmem>> -> memref<72x64xf32, #tpu.memory_space<vmem>>
    %dma_wait3A_251 = arith.constant 128 : i32
    %dma_wait3A_252 = tpu.memref_slice %arg5[%dma_wait3A_243, %dma_wait3A_244, %dma_wait3A_251] : memref<4x2x200xi32, #tpu.memory_space<vmem>> -> memref<1x1x72xi32, #tpu.memory_space<vmem>>
    %dma_wait3A_253 = tpu.memref_squeeze %dma_wait3A_252 : memref<1x1x72xi32, #tpu.memory_space<vmem>> -> memref<72xi32, #tpu.memory_space<vmem>>
    %dma_wait3A_254 = arith.constant 0 : i32
    %dma_wait3A_255 = arith.constant 0 : i32
    %dma_wait3A_256 = tpu.memref_slice %arg3[%dma_wait3A_254, %dma_wait3A_255] : memref<100000x64xf32, #tpu.memory_space<hbm>> -> memref<100000x64xf32, #tpu.memory_space<hbm>>
    tpu.wait_indirect_dma semaphore(%arg11 : memref<!tpu.dma_semaphore, #tpu.memory_space<semaphore_mem>>) src(%dma_wait3A_256 : memref<100000x64xf32, #tpu.memory_space<hbm>>) dst(%dma_wait3A_250 : memref<72x64xf32, #tpu.memory_space<vmem>>)
    %add3A_257 = arith.constant 0 : i32
    %add3A_258 = arith.addi %mul3A_4, %add3A_257 : i32
    %dma_start3A_259 = arith.constant 0 : i32
    %dma_start3A_260 = arith.constant 0 : i32
    %dma_start3A_261 = arith.constant 0 : i32
    %dma_start3A_262 = arith.constant 0 : i32
    %dma_start3A_263 = tpu.memref_slice %arg6[%dma_start3A_259, %dma_start3A_260, %dma_start3A_261, %dma_start3A_262] : memref<2x2x200x64xf32, #tpu.memory_space<vmem>> -> memref<1x1x200x64xf32, #tpu.memory_space<vmem>>
    %dma_start3A_264 = tpu.memref_squeeze %dma_start3A_263 : memref<1x1x200x64xf32, #tpu.memory_space<vmem>> -> memref<200x64xf32, #tpu.memory_space<vmem>>
    %dma_start3A_265 = arith.constant 0 : i32
    %dma_start3A_266 = arith.constant 0 : i32
    %dma_start3A_267 = tpu.memref_slice %arg4[%add3A_258, %dma_start3A_265, %dma_start3A_266] : memref<8192x200x128xf32, #tpu.memory_space<hbm>> -> memref<1x200x64xf32, #tpu.memory_space<hbm>>
    %dma_start3A_268 = tpu.memref_squeeze %dma_start3A_267 : memref<1x200x64xf32, #tpu.memory_space<hbm>> -> memref<200x64xf32, #tpu.memory_space<hbm>>
    %dma_start3A_269 = arith.constant 0 : i32
    %dma_start3A_270 = arith.constant 0 : i32
    %dma_start3A_271 = tpu.memref_slice %arg4[%add3A_258, %dma_start3A_269, %dma_start3A_270] : memref<8192x200x128xf32, #tpu.memory_space<hbm>> -> memref<1x200x64xf32, #tpu.memory_space<hbm>>
    %dma_start3A_272 = tpu.memref_squeeze %dma_start3A_271 : memref<1x200x64xf32, #tpu.memory_space<hbm>> -> memref<200x64xf32, #tpu.memory_space<hbm>>
    %dma_start3A_273 = arith.constant 0 : i32
    %dma_start3A_274 = arith.constant 0 : i32
    %dma_start3A_275 = tpu.memref_slice %arg6[%dma_start3A_259, %dma_start3A_260, %dma_start3A_273, %dma_start3A_274] : memref<2x2x200x64xf32, #tpu.memory_space<vmem>> -> memref<1x1x200x64xf32, #tpu.memory_space<vmem>>
    %dma_start3A_276 = tpu.memref_squeeze %dma_start3A_275 : memref<1x1x200x64xf32, #tpu.memory_space<vmem>> -> memref<200x64xf32, #tpu.memory_space<vmem>>
    tpu.enqueue_dma source(%dma_start3A_276 : memref<200x64xf32, #tpu.memory_space<vmem>>) target(%dma_start3A_272 : memref<200x64xf32, #tpu.memory_space<hbm>>) target_semaphore(%arg13 : memref<!tpu.dma_semaphore, #tpu.memory_space<semaphore_mem>>)
    %add3A_277 = arith.constant 0 : i32
    %add3A_278 = arith.addi %mul3A_4, %add3A_277 : i32
    %dma_start3A_279 = arith.constant 0 : i32
    %dma_start3A_280 = arith.constant 1 : i32
    %dma_start3A_281 = arith.constant 0 : i32
    %dma_start3A_282 = arith.constant 0 : i32
    %dma_start3A_283 = tpu.memref_slice %arg6[%dma_start3A_279, %dma_start3A_280, %dma_start3A_281, %dma_start3A_282] : memref<2x2x200x64xf32, #tpu.memory_space<vmem>> -> memref<1x1x200x64xf32, #tpu.memory_space<vmem>>
    %dma_start3A_284 = tpu.memref_squeeze %dma_start3A_283 : memref<1x1x200x64xf32, #tpu.memory_space<vmem>> -> memref<200x64xf32, #tpu.memory_space<vmem>>
    %dma_start3A_285 = arith.constant 0 : i32
    %dma_start3A_286 = arith.constant 64 : i32
    %dma_start3A_287 = tpu.memref_slice %arg4[%add3A_278, %dma_start3A_285, %dma_start3A_286] : memref<8192x200x128xf32, #tpu.memory_space<hbm>> -> memref<1x200x64xf32, #tpu.memory_space<hbm>>
    %dma_start3A_288 = tpu.memref_squeeze %dma_start3A_287 : memref<1x200x64xf32, #tpu.memory_space<hbm>> -> memref<200x64xf32, #tpu.memory_space<hbm>>
    %dma_start3A_289 = arith.constant 0 : i32
    %dma_start3A_290 = arith.constant 64 : i32
    %dma_start3A_291 = tpu.memref_slice %arg4[%add3A_278, %dma_start3A_289, %dma_start3A_290] : memref<8192x200x128xf32, #tpu.memory_space<hbm>> -> memref<1x200x64xf32, #tpu.memory_space<hbm>>
    %dma_start3A_292 = tpu.memref_squeeze %dma_start3A_291 : memref<1x200x64xf32, #tpu.memory_space<hbm>> -> memref<200x64xf32, #tpu.memory_space<hbm>>
    %dma_start3A_293 = arith.constant 0 : i32
    %dma_start3A_294 = arith.constant 0 : i32
    %dma_start3A_295 = tpu.memref_slice %arg6[%dma_start3A_279, %dma_start3A_280, %dma_start3A_293, %dma_start3A_294] : memref<2x2x200x64xf32, #tpu.memory_space<vmem>> -> memref<1x1x200x64xf32, #tpu.memory_space<vmem>>
    %dma_start3A_296 = tpu.memref_squeeze %dma_start3A_295 : memref<1x1x200x64xf32, #tpu.memory_space<vmem>> -> memref<200x64xf32, #tpu.memory_space<vmem>>
    tpu.enqueue_dma source(%dma_start3A_296 : memref<200x64xf32, #tpu.memory_space<vmem>>) target(%dma_start3A_292 : memref<200x64xf32, #tpu.memory_space<hbm>>) target_semaphore(%arg13 : memref<!tpu.dma_semaphore, #tpu.memory_space<semaphore_mem>>)
    %add3A_297 = arith.constant 8 : i32
    %add3A_298 = arith.addi %mul3A_2, %add3A_297 : i32
    %dma_start3A_299 = arith.constant 0 : i32
    %dma_start3A_300 = arith.constant 0 : i32
    %dma_start3A_301 = arith.constant 0 : i32
    %dma_start3A_302 = tpu.memref_slice %arg5[%dma_start3A_299, %dma_start3A_300, %dma_start3A_301] : memref<4x2x200xi32, #tpu.memory_space<vmem>> -> memref<1x2x200xi32, #tpu.memory_space<vmem>>
    %dma_start3A_303 = tpu.memref_squeeze %dma_start3A_302 : memref<1x2x200xi32, #tpu.memory_space<vmem>> -> memref<2x200xi32, #tpu.memory_space<vmem>>
    %dma_start3A_304 = arith.constant 0 : i32
    %dma_start3A_305 = tpu.memref_slice %arg2[%add3A_298, %dma_start3A_304] : memref<16384x200xi32, #tpu.memory_space<hbm>> -> memref<2x200xi32, #tpu.memory_space<hbm>>
    %dma_start3A_306 = arith.constant 0 : i32
    %dma_start3A_307 = arith.constant 0 : i32
    %dma_start3A_308 = tpu.memref_slice %arg5[%dma_start3A_299, %dma_start3A_306, %dma_start3A_307] : memref<4x2x200xi32, #tpu.memory_space<vmem>> -> memref<1x2x200xi32, #tpu.memory_space<vmem>>
    %dma_start3A_309 = tpu.memref_squeeze %dma_start3A_308 : memref<1x2x200xi32, #tpu.memory_space<vmem>> -> memref<2x200xi32, #tpu.memory_space<vmem>>
    %dma_start3A_310 = arith.constant 0 : i32
    %dma_start3A_311 = tpu.memref_slice %arg2[%add3A_298, %dma_start3A_310] : memref<16384x200xi32, #tpu.memory_space<hbm>> -> memref<2x200xi32, #tpu.memory_space<hbm>>
    tpu.enqueue_dma source(%dma_start3A_311 : memref<2x200xi32, #tpu.memory_space<hbm>>) target(%dma_start3A_309 : memref<2x200xi32, #tpu.memory_space<vmem>>) target_semaphore(%arg7 : memref<!tpu.dma_semaphore, #tpu.memory_space<semaphore_mem>>)
    %scan3A = arith.constant 0 : i32
    %scan3A_312 = arith.constant 63 : i32
    %scan3A_313 = arith.addi %scan3A, %scan3A_312 : i32
    %scan3A_314 = arith.constant 1 : i32
    scf.for %scan3A_899 = %scan3A to %scan3A_313 step %scan3A_314  : i32 {
      %mul3A_900 = arith.constant 4 : i32
      %mul3A_901 = arith.muli %scan3A_899, %mul3A_900 : i32
      %add3A_902 = arith.constant 2 : i32
      %add3A_903 = arith.addi %add3A_902, %mul3A_901 : i32
      %add3A_904 = arith.constant 0 : i32
      %add3A_905 = arith.addi %add3A_903, %add3A_904 : i32
      %dma_wait3A_906 = arith.constant 0 : i32
      %dma_wait3A_907 = arith.constant 0 : i32
      %dma_wait3A_908 = arith.constant 0 : i32
      %dma_wait3A_909 = arith.constant 0 : i32
      %dma_wait3A_910 = tpu.memref_slice %arg6[%dma_wait3A_906, %dma_wait3A_907, %dma_wait3A_908, %dma_wait3A_909] : memref<2x2x200x64xf32, #tpu.memory_space<vmem>> -> memref<1x1x200x64xf32, #tpu.memory_space<vmem>>
      %dma_wait3A_911 = tpu.memref_squeeze %dma_wait3A_910 : memref<1x1x200x64xf32, #tpu.memory_space<vmem>> -> memref<200x64xf32, #tpu.memory_space<vmem>>
      %dma_wait3A_912 = arith.constant 0 : i32
      %dma_wait3A_913 = arith.constant 0 : i32
      %dma_wait3A_914 = tpu.memref_slice %arg4[%mul3A_4, %dma_wait3A_912, %dma_wait3A_913] : memref<8192x200x128xf32, #tpu.memory_space<hbm>> -> memref<1x200x64xf32, #tpu.memory_space<hbm>>
      %dma_wait3A_915 = tpu.memref_squeeze %dma_wait3A_914 : memref<1x200x64xf32, #tpu.memory_space<hbm>> -> memref<200x64xf32, #tpu.memory_space<hbm>>
      %dma_wait3A_916 = arith.constant 0 : i32
      %dma_wait3A_917 = arith.constant 0 : i32
      %dma_wait3A_918 = tpu.memref_slice %arg4[%mul3A_4, %dma_wait3A_916, %dma_wait3A_917] : memref<8192x200x128xf32, #tpu.memory_space<hbm>> -> memref<1x200x64xf32, #tpu.memory_space<hbm>>
      %dma_wait3A_919 = tpu.memref_squeeze %dma_wait3A_918 : memref<1x200x64xf32, #tpu.memory_space<hbm>> -> memref<200x64xf32, #tpu.memory_space<hbm>>
      %dma_wait3A_920 = arith.constant 0 : i32
      %dma_wait3A_921 = arith.constant 0 : i32
      %dma_wait3A_922 = tpu.memref_slice %arg6[%dma_wait3A_906, %dma_wait3A_907, %dma_wait3A_920, %dma_wait3A_921] : memref<2x2x200x64xf32, #tpu.memory_space<vmem>> -> memref<1x1x200x64xf32, #tpu.memory_space<vmem>>
      %dma_wait3A_923 = tpu.memref_squeeze %dma_wait3A_922 : memref<1x1x200x64xf32, #tpu.memory_space<vmem>> -> memref<200x64xf32, #tpu.memory_space<vmem>>
      tpu.wait_dma2 semaphore(%arg13 : memref<!tpu.dma_semaphore, #tpu.memory_space<semaphore_mem>>) src(%dma_wait3A_923 : memref<200x64xf32, #tpu.memory_space<vmem>>) dst(%dma_wait3A_919 : memref<200x64xf32, #tpu.memory_space<hbm>>)
      %dma_wait3A_924 = arith.constant 0 : i32
      %dma_wait3A_925 = arith.constant 1 : i32
      %dma_wait3A_926 = arith.constant 0 : i32
      %dma_wait3A_927 = arith.constant 0 : i32
      %dma_wait3A_928 = tpu.memref_slice %arg6[%dma_wait3A_924, %dma_wait3A_925, %dma_wait3A_926, %dma_wait3A_927] : memref<2x2x200x64xf32, #tpu.memory_space<vmem>> -> memref<1x1x200x64xf32, #tpu.memory_space<vmem>>
      %dma_wait3A_929 = tpu.memref_squeeze %dma_wait3A_928 : memref<1x1x200x64xf32, #tpu.memory_space<vmem>> -> memref<200x64xf32, #tpu.memory_space<vmem>>
      %dma_wait3A_930 = arith.constant 0 : i32
      %dma_wait3A_931 = arith.constant 64 : i32
      %dma_wait3A_932 = tpu.memref_slice %arg4[%mul3A_4, %dma_wait3A_930, %dma_wait3A_931] : memref<8192x200x128xf32, #tpu.memory_space<hbm>> -> memref<1x200x64xf32, #tpu.memory_space<hbm>>
      %dma_wait3A_933 = tpu.memref_squeeze %dma_wait3A_932 : memref<1x200x64xf32, #tpu.memory_space<hbm>> -> memref<200x64xf32, #tpu.memory_space<hbm>>
      %dma_wait3A_934 = arith.constant 0 : i32
      %dma_wait3A_935 = arith.constant 64 : i32
      %dma_wait3A_936 = tpu.memref_slice %arg4[%mul3A_4, %dma_wait3A_934, %dma_wait3A_935] : memref<8192x200x128xf32, #tpu.memory_space<hbm>> -> memref<1x200x64xf32, #tpu.memory_space<hbm>>
      %dma_wait3A_937 = tpu.memref_squeeze %dma_wait3A_936 : memref<1x200x64xf32, #tpu.memory_space<hbm>> -> memref<200x64xf32, #tpu.memory_space<hbm>>
      %dma_wait3A_938 = arith.constant 0 : i32
      %dma_wait3A_939 = arith.constant 0 : i32
      %dma_wait3A_940 = tpu.memref_slice %arg6[%dma_wait3A_924, %dma_wait3A_925, %dma_wait3A_938, %dma_wait3A_939] : memref<2x2x200x64xf32, #tpu.memory_space<vmem>> -> memref<1x1x200x64xf32, #tpu.memory_space<vmem>>
      %dma_wait3A_941 = tpu.memref_squeeze %dma_wait3A_940 : memref<1x1x200x64xf32, #tpu.memory_space<vmem>> -> memref<200x64xf32, #tpu.memory_space<vmem>>
      tpu.wait_dma2 semaphore(%arg13 : memref<!tpu.dma_semaphore, #tpu.memory_space<semaphore_mem>>) src(%dma_wait3A_941 : memref<200x64xf32, #tpu.memory_space<vmem>>) dst(%dma_wait3A_937 : memref<200x64xf32, #tpu.memory_space<hbm>>)
      %dma_wait3A_942 = arith.constant 2 : i32
      %dma_wait3A_943 = arith.constant 0 : i32
      %dma_wait3A_944 = arith.constant 0 : i32
      %dma_wait3A_945 = tpu.memref_slice %arg5[%dma_wait3A_942, %dma_wait3A_943, %dma_wait3A_944] : memref<4x2x200xi32, #tpu.memory_space<vmem>> -> memref<1x2x200xi32, #tpu.memory_space<vmem>>
      %dma_wait3A_946 = tpu.memref_squeeze %dma_wait3A_945 : memref<1x2x200xi32, #tpu.memory_space<vmem>> -> memref<2x200xi32, #tpu.memory_space<vmem>>
      %dma_wait3A_947 = arith.constant 0 : i32
      %dma_wait3A_948 = tpu.memref_slice %arg2[%mul3A_2, %dma_wait3A_947] : memref<16384x200xi32, #tpu.memory_space<hbm>> -> memref<2x200xi32, #tpu.memory_space<hbm>>
      %dma_wait3A_949 = arith.constant 0 : i32
      %dma_wait3A_950 = arith.constant 0 : i32
      %dma_wait3A_951 = tpu.memref_slice %arg5[%dma_wait3A_942, %dma_wait3A_949, %dma_wait3A_950] : memref<4x2x200xi32, #tpu.memory_space<vmem>> -> memref<1x2x200xi32, #tpu.memory_space<vmem>>
      %dma_wait3A_952 = tpu.memref_squeeze %dma_wait3A_951 : memref<1x2x200xi32, #tpu.memory_space<vmem>> -> memref<2x200xi32, #tpu.memory_space<vmem>>
      %dma_wait3A_953 = arith.constant 0 : i32
      %dma_wait3A_954 = tpu.memref_slice %arg2[%mul3A_2, %dma_wait3A_953] : memref<16384x200xi32, #tpu.memory_space<hbm>> -> memref<2x200xi32, #tpu.memory_space<hbm>>
      tpu.wait_dma2 semaphore(%arg9 : memref<!tpu.dma_semaphore, #tpu.memory_space<semaphore_mem>>) src(%dma_wait3A_954 : memref<2x200xi32, #tpu.memory_space<hbm>>) dst(%dma_wait3A_952 : memref<2x200xi32, #tpu.memory_space<vmem>>)
      %dma_start3A_955 = arith.constant 2 : i32
      %dma_start3A_956 = arith.constant 0 : i32
      %dma_start3A_957 = arith.constant 0 : i32
      %dma_start3A_958 = arith.constant 0 : i32
      %dma_start3A_959 = arith.constant 0 : i32
      %dma_start3A_960 = arith.constant 0 : i32
      %dma_start3A_961 = tpu.memref_slice %arg6[%dma_start3A_957, %dma_start3A_958, %dma_start3A_959, %dma_start3A_960] : memref<2x2x200x64xf32, #tpu.memory_space<vmem>> -> memref<1x1x128x64xf32, #tpu.memory_space<vmem>>
      %dma_start3A_962 = tpu.memref_squeeze %dma_start3A_961 : memref<1x1x128x64xf32, #tpu.memory_space<vmem>> -> memref<128x64xf32, #tpu.memory_space<vmem>>
      %dma_start3A_963 = arith.constant 0 : i32
      %dma_start3A_964 = tpu.memref_slice %arg5[%dma_start3A_955, %dma_start3A_956, %dma_start3A_963] : memref<4x2x200xi32, #tpu.memory_space<vmem>> -> memref<1x1x128xi32, #tpu.memory_space<vmem>>
      %dma_start3A_965 = tpu.memref_squeeze %dma_start3A_964 : memref<1x1x128xi32, #tpu.memory_space<vmem>> -> memref<128xi32, #tpu.memory_space<vmem>>
      %dma_start3A_966 = arith.constant 0 : i32
      %dma_start3A_967 = arith.constant 0 : i32
      %dma_start3A_968 = tpu.memref_slice %arg3[%dma_start3A_966, %dma_start3A_967] : memref<100000x64xf32, #tpu.memory_space<hbm>> -> memref<100000x64xf32, #tpu.memory_space<hbm>>
      tpu.enqueue_indirect_dma source(%dma_start3A_968 : memref<100000x64xf32, #tpu.memory_space<hbm>>) target(%dma_start3A_962 : memref<128x64xf32, #tpu.memory_space<vmem>>) offsets(%dma_start3A_965 : memref<128xi32, #tpu.memory_space<vmem>>) semaphore(%arg11 : memref<!tpu.dma_semaphore, #tpu.memory_space<semaphore_mem>>)
      %dma_start3A_969 = arith.constant 2 : i32
      %dma_start3A_970 = arith.constant 0 : i32
      %dma_start3A_971 = arith.constant 0 : i32
      %dma_start3A_972 = arith.constant 0 : i32
      %dma_start3A_973 = arith.constant 128 : i32
      %dma_start3A_974 = arith.constant 0 : i32
      %dma_start3A_975 = tpu.memref_slice %arg6[%dma_start3A_971, %dma_start3A_972, %dma_start3A_973, %dma_start3A_974] : memref<2x2x200x64xf32, #tpu.memory_space<vmem>> -> memref<1x1x72x64xf32, #tpu.memory_space<vmem>>
      %dma_start3A_976 = tpu.memref_squeeze %dma_start3A_975 : memref<1x1x72x64xf32, #tpu.memory_space<vmem>> -> memref<72x64xf32, #tpu.memory_space<vmem>>
      %dma_start3A_977 = arith.constant 128 : i32
      %dma_start3A_978 = tpu.memref_slice %arg5[%dma_start3A_969, %dma_start3A_970, %dma_start3A_977] : memref<4x2x200xi32, #tpu.memory_space<vmem>> -> memref<1x1x72xi32, #tpu.memory_space<vmem>>
      %dma_start3A_979 = tpu.memref_squeeze %dma_start3A_978 : memref<1x1x72xi32, #tpu.memory_space<vmem>> -> memref<72xi32, #tpu.memory_space<vmem>>
      %dma_start3A_980 = arith.constant 0 : i32
      %dma_start3A_981 = arith.constant 0 : i32
      %dma_start3A_982 = tpu.memref_slice %arg3[%dma_start3A_980, %dma_start3A_981] : memref<100000x64xf32, #tpu.memory_space<hbm>> -> memref<100000x64xf32, #tpu.memory_space<hbm>>
      tpu.enqueue_indirect_dma source(%dma_start3A_982 : memref<100000x64xf32, #tpu.memory_space<hbm>>) target(%dma_start3A_976 : memref<72x64xf32, #tpu.memory_space<vmem>>) offsets(%dma_start3A_979 : memref<72xi32, #tpu.memory_space<vmem>>) semaphore(%arg11 : memref<!tpu.dma_semaphore, #tpu.memory_space<semaphore_mem>>)
      %dma_start3A_983 = arith.constant 2 : i32
      %dma_start3A_984 = arith.constant 1 : i32
      %dma_start3A_985 = arith.constant 0 : i32
      %dma_start3A_986 = arith.constant 1 : i32
      %dma_start3A_987 = arith.constant 0 : i32
      %dma_start3A_988 = arith.constant 0 : i32
      %dma_start3A_989 = tpu.memref_slice %arg6[%dma_start3A_985, %dma_start3A_986, %dma_start3A_987, %dma_start3A_988] : memref<2x2x200x64xf32, #tpu.memory_space<vmem>> -> memref<1x1x128x64xf32, #tpu.memory_space<vmem>>
      %dma_start3A_990 = tpu.memref_squeeze %dma_start3A_989 : memref<1x1x128x64xf32, #tpu.memory_space<vmem>> -> memref<128x64xf32, #tpu.memory_space<vmem>>
      %dma_start3A_991 = arith.constant 0 : i32
      %dma_start3A_992 = tpu.memref_slice %arg5[%dma_start3A_983, %dma_start3A_984, %dma_start3A_991] : memref<4x2x200xi32, #tpu.memory_space<vmem>> -> memref<1x1x128xi32, #tpu.memory_space<vmem>>
      %dma_start3A_993 = tpu.memref_squeeze %dma_start3A_992 : memref<1x1x128xi32, #tpu.memory_space<vmem>> -> memref<128xi32, #tpu.memory_space<vmem>>
      %dma_start3A_994 = arith.constant 0 : i32
      %dma_start3A_995 = arith.constant 0 : i32
      %dma_start3A_996 = tpu.memref_slice %arg3[%dma_start3A_994, %dma_start3A_995] : memref<100000x64xf32, #tpu.memory_space<hbm>> -> memref<100000x64xf32, #tpu.memory_space<hbm>>
      tpu.enqueue_indirect_dma source(%dma_start3A_996 : memref<100000x64xf32, #tpu.memory_space<hbm>>) target(%dma_start3A_990 : memref<128x64xf32, #tpu.memory_space<vmem>>) offsets(%dma_start3A_993 : memref<128xi32, #tpu.memory_space<vmem>>) semaphore(%arg11 : memref<!tpu.dma_semaphore, #tpu.memory_space<semaphore_mem>>)
      %dma_start3A_997 = arith.constant 2 : i32
      %dma_start3A_998 = arith.constant 1 : i32
      %dma_start3A_999 = arith.constant 0 : i32
      %dma_start3A_1000 = arith.constant 1 : i32
      %dma_start3A_1001 = arith.constant 128 : i32
      %dma_start3A_1002 = arith.constant 0 : i32
      %dma_start3A_1003 = tpu.memref_slice %arg6[%dma_start3A_999, %dma_start3A_1000, %dma_start3A_1001, %dma_start3A_1002] : memref<2x2x200x64xf32, #tpu.memory_space<vmem>> -> memref<1x1x72x64xf32, #tpu.memory_space<vmem>>
      %dma_start3A_1004 = tpu.memref_squeeze %dma_start3A_1003 : memref<1x1x72x64xf32, #tpu.memory_space<vmem>> -> memref<72x64xf32, #tpu.memory_space<vmem>>
      %dma_start3A_1005 = arith.constant 128 : i32
      %dma_start3A_1006 = tpu.memref_slice %arg5[%dma_start3A_997, %dma_start3A_998, %dma_start3A_1005] : memref<4x2x200xi32, #tpu.memory_space<vmem>> -> memref<1x1x72xi32, #tpu.memory_space<vmem>>
      %dma_start3A_1007 = tpu.memref_squeeze %dma_start3A_1006 : memref<1x1x72xi32, #tpu.memory_space<vmem>> -> memref<72xi32, #tpu.memory_space<vmem>>
      %dma_start3A_1008 = arith.constant 0 : i32
      %dma_start3A_1009 = arith.constant 0 : i32
      %dma_start3A_1010 = tpu.memref_slice %arg3[%dma_start3A_1008, %dma_start3A_1009] : memref<100000x64xf32, #tpu.memory_space<hbm>> -> memref<100000x64xf32, #tpu.memory_space<hbm>>
      tpu.enqueue_indirect_dma source(%dma_start3A_1010 : memref<100000x64xf32, #tpu.memory_space<hbm>>) target(%dma_start3A_1004 : memref<72x64xf32, #tpu.memory_space<vmem>>) offsets(%dma_start3A_1007 : memref<72xi32, #tpu.memory_space<vmem>>) semaphore(%arg11 : memref<!tpu.dma_semaphore, #tpu.memory_space<semaphore_mem>>)
      %dma_wait3A_1011 = arith.constant 1 : i32
      %dma_wait3A_1012 = arith.constant 0 : i32
      %dma_wait3A_1013 = arith.constant 1 : i32
      %dma_wait3A_1014 = arith.constant 0 : i32
      %dma_wait3A_1015 = arith.constant 0 : i32
      %dma_wait3A_1016 = arith.constant 0 : i32
      %dma_wait3A_1017 = tpu.memref_slice %arg6[%dma_wait3A_1013, %dma_wait3A_1014, %dma_wait3A_1015, %dma_wait3A_1016] : memref<2x2x200x64xf32, #tpu.memory_space<vmem>> -> memref<1x1x128x64xf32, #tpu.memory_space<vmem>>
      %dma_wait3A_1018 = tpu.memref_squeeze %dma_wait3A_1017 : memref<1x1x128x64xf32, #tpu.memory_space<vmem>> -> memref<128x64xf32, #tpu.memory_space<vmem>>
      %dma_wait3A_1019 = arith.constant 0 : i32
      %dma_wait3A_1020 = tpu.memref_slice %arg5[%dma_wait3A_1011, %dma_wait3A_1012, %dma_wait3A_1019] : memref<4x2x200xi32, #tpu.memory_space<vmem>> -> memref<1x1x128xi32, #tpu.memory_space<vmem>>
      %dma_wait3A_1021 = tpu.memref_squeeze %dma_wait3A_1020 : memref<1x1x128xi32, #tpu.memory_space<vmem>> -> memref<128xi32, #tpu.memory_space<vmem>>
      %dma_wait3A_1022 = arith.constant 0 : i32
      %dma_wait3A_1023 = arith.constant 0 : i32
      %dma_wait3A_1024 = tpu.memref_slice %arg3[%dma_wait3A_1022, %dma_wait3A_1023] : memref<100000x64xf32, #tpu.memory_space<hbm>> -> memref<100000x64xf32, #tpu.memory_space<hbm>>
      tpu.wait_indirect_dma semaphore(%arg12 : memref<!tpu.dma_semaphore, #tpu.memory_space<semaphore_mem>>) src(%dma_wait3A_1024 : memref<100000x64xf32, #tpu.memory_space<hbm>>) dst(%dma_wait3A_1018 : memref<128x64xf32, #tpu.memory_space<vmem>>)
      %dma_wait3A_1025 = arith.constant 1 : i32
      %dma_wait3A_1026 = arith.constant 0 : i32
      %dma_wait3A_1027 = arith.constant 1 : i32
      %dma_wait3A_1028 = arith.constant 0 : i32
      %dma_wait3A_1029 = arith.constant 128 : i32
      %dma_wait3A_1030 = arith.constant 0 : i32
      %dma_wait3A_1031 = tpu.memref_slice %arg6[%dma_wait3A_1027, %dma_wait3A_1028, %dma_wait3A_1029, %dma_wait3A_1030] : memref<2x2x200x64xf32, #tpu.memory_space<vmem>> -> memref<1x1x72x64xf32, #tpu.memory_space<vmem>>
      %dma_wait3A_1032 = tpu.memref_squeeze %dma_wait3A_1031 : memref<1x1x72x64xf32, #tpu.memory_space<vmem>> -> memref<72x64xf32, #tpu.memory_space<vmem>>
      %dma_wait3A_1033 = arith.constant 128 : i32
      %dma_wait3A_1034 = tpu.memref_slice %arg5[%dma_wait3A_1025, %dma_wait3A_1026, %dma_wait3A_1033] : memref<4x2x200xi32, #tpu.memory_space<vmem>> -> memref<1x1x72xi32, #tpu.memory_space<vmem>>
      %dma_wait3A_1035 = tpu.memref_squeeze %dma_wait3A_1034 : memref<1x1x72xi32, #tpu.memory_space<vmem>> -> memref<72xi32, #tpu.memory_space<vmem>>
      %dma_wait3A_1036 = arith.constant 0 : i32
      %dma_wait3A_1037 = arith.constant 0 : i32
      %dma_wait3A_1038 = tpu.memref_slice %arg3[%dma_wait3A_1036, %dma_wait3A_1037] : memref<100000x64xf32, #tpu.memory_space<hbm>> -> memref<100000x64xf32, #tpu.memory_space<hbm>>
      tpu.wait_indirect_dma semaphore(%arg12 : memref<!tpu.dma_semaphore, #tpu.memory_space<semaphore_mem>>) src(%dma_wait3A_1038 : memref<100000x64xf32, #tpu.memory_space<hbm>>) dst(%dma_wait3A_1032 : memref<72x64xf32, #tpu.memory_space<vmem>>)
      %dma_wait3A_1039 = arith.constant 1 : i32
      %dma_wait3A_1040 = arith.constant 1 : i32
      %dma_wait3A_1041 = arith.constant 1 : i32
      %dma_wait3A_1042 = arith.constant 1 : i32
      %dma_wait3A_1043 = arith.constant 0 : i32
      %dma_wait3A_1044 = arith.constant 0 : i32
      %dma_wait3A_1045 = tpu.memref_slice %arg6[%dma_wait3A_1041, %dma_wait3A_1042, %dma_wait3A_1043, %dma_wait3A_1044] : memref<2x2x200x64xf32, #tpu.memory_space<vmem>> -> memref<1x1x128x64xf32, #tpu.memory_space<vmem>>
      %dma_wait3A_1046 = tpu.memref_squeeze %dma_wait3A_1045 : memref<1x1x128x64xf32, #tpu.memory_space<vmem>> -> memref<128x64xf32, #tpu.memory_space<vmem>>
      %dma_wait3A_1047 = arith.constant 0 : i32
      %dma_wait3A_1048 = tpu.memref_slice %arg5[%dma_wait3A_1039, %dma_wait3A_1040, %dma_wait3A_1047] : memref<4x2x200xi32, #tpu.memory_space<vmem>> -> memref<1x1x128xi32, #tpu.memory_space<vmem>>
      %dma_wait3A_1049 = tpu.memref_squeeze %dma_wait3A_1048 : memref<1x1x128xi32, #tpu.memory_space<vmem>> -> memref<128xi32, #tpu.memory_space<vmem>>
      %dma_wait3A_1050 = arith.constant 0 : i32
      %dma_wait3A_1051 = arith.constant 0 : i32
      %dma_wait3A_1052 = tpu.memref_slice %arg3[%dma_wait3A_1050, %dma_wait3A_1051] : memref<100000x64xf32, #tpu.memory_space<hbm>> -> memref<100000x64xf32, #tpu.memory_space<hbm>>
      tpu.wait_indirect_dma semaphore(%arg12 : memref<!tpu.dma_semaphore, #tpu.memory_space<semaphore_mem>>) src(%dma_wait3A_1052 : memref<100000x64xf32, #tpu.memory_space<hbm>>) dst(%dma_wait3A_1046 : memref<128x64xf32, #tpu.memory_space<vmem>>)
      %dma_wait3A_1053 = arith.constant 1 : i32
      %dma_wait3A_1054 = arith.constant 1 : i32
      %dma_wait3A_1055 = arith.constant 1 : i32
      %dma_wait3A_1056 = arith.constant 1 : i32
      %dma_wait3A_1057 = arith.constant 128 : i32
      %dma_wait3A_1058 = arith.constant 0 : i32
      %dma_wait3A_1059 = tpu.memref_slice %arg6[%dma_wait3A_1055, %dma_wait3A_1056, %dma_wait3A_1057, %dma_wait3A_1058] : memref<2x2x200x64xf32, #tpu.memory_space<vmem>> -> memref<1x1x72x64xf32, #tpu.memory_space<vmem>>
      %dma_wait3A_1060 = tpu.memref_squeeze %dma_wait3A_1059 : memref<1x1x72x64xf32, #tpu.memory_space<vmem>> -> memref<72x64xf32, #tpu.memory_space<vmem>>
      %dma_wait3A_1061 = arith.constant 128 : i32
      %dma_wait3A_1062 = tpu.memref_slice %arg5[%dma_wait3A_1053, %dma_wait3A_1054, %dma_wait3A_1061] : memref<4x2x200xi32, #tpu.memory_space<vmem>> -> memref<1x1x72xi32, #tpu.memory_space<vmem>>
      %dma_wait3A_1063 = tpu.memref_squeeze %dma_wait3A_1062 : memref<1x1x72xi32, #tpu.memory_space<vmem>> -> memref<72xi32, #tpu.memory_space<vmem>>
      %dma_wait3A_1064 = arith.constant 0 : i32
      %dma_wait3A_1065 = arith.constant 0 : i32
      %dma_wait3A_1066 = tpu.memref_slice %arg3[%dma_wait3A_1064, %dma_wait3A_1065] : memref<100000x64xf32, #tpu.memory_space<hbm>> -> memref<100000x64xf32, #tpu.memory_space<hbm>>
      tpu.wait_indirect_dma semaphore(%arg12 : memref<!tpu.dma_semaphore, #tpu.memory_space<semaphore_mem>>) src(%dma_wait3A_1066 : memref<100000x64xf32, #tpu.memory_space<hbm>>) dst(%dma_wait3A_1060 : memref<72x64xf32, #tpu.memory_space<vmem>>)
      %sub3A = arith.constant 1 : i32
      %sub3A_1067 = arith.subi %add3A_905, %sub3A : i32
      %add3A_1068 = arith.addi %mul3A_4, %sub3A_1067 : i32
      %dma_start3A_1069 = arith.constant 1 : i32
      %dma_start3A_1070 = arith.constant 0 : i32
      %dma_start3A_1071 = arith.constant 0 : i32
      %dma_start3A_1072 = arith.constant 0 : i32
      %dma_start3A_1073 = tpu.memref_slice %arg6[%dma_start3A_1069, %dma_start3A_1070, %dma_start3A_1071, %dma_start3A_1072] : memref<2x2x200x64xf32, #tpu.memory_space<vmem>> -> memref<1x1x200x64xf32, #tpu.memory_space<vmem>>
      %dma_start3A_1074 = tpu.memref_squeeze %dma_start3A_1073 : memref<1x1x200x64xf32, #tpu.memory_space<vmem>> -> memref<200x64xf32, #tpu.memory_space<vmem>>
      %dma_start3A_1075 = arith.constant 0 : i32
      %dma_start3A_1076 = arith.constant 0 : i32
      %dma_start3A_1077 = tpu.memref_slice %arg4[%add3A_1068, %dma_start3A_1075, %dma_start3A_1076] : memref<8192x200x128xf32, #tpu.memory_space<hbm>> -> memref<1x200x64xf32, #tpu.memory_space<hbm>>
      %dma_start3A_1078 = tpu.memref_squeeze %dma_start3A_1077 : memref<1x200x64xf32, #tpu.memory_space<hbm>> -> memref<200x64xf32, #tpu.memory_space<hbm>>
      %dma_start3A_1079 = arith.constant 0 : i32
      %dma_start3A_1080 = arith.constant 0 : i32
      %dma_start3A_1081 = tpu.memref_slice %arg4[%add3A_1068, %dma_start3A_1079, %dma_start3A_1080] : memref<8192x200x128xf32, #tpu.memory_space<hbm>> -> memref<1x200x64xf32, #tpu.memory_space<hbm>>
      %dma_start3A_1082 = tpu.memref_squeeze %dma_start3A_1081 : memref<1x200x64xf32, #tpu.memory_space<hbm>> -> memref<200x64xf32, #tpu.memory_space<hbm>>
      %dma_start3A_1083 = arith.constant 0 : i32
      %dma_start3A_1084 = arith.constant 0 : i32
      %dma_start3A_1085 = tpu.memref_slice %arg6[%dma_start3A_1069, %dma_start3A_1070, %dma_start3A_1083, %dma_start3A_1084] : memref<2x2x200x64xf32, #tpu.memory_space<vmem>> -> memref<1x1x200x64xf32, #tpu.memory_space<vmem>>
      %dma_start3A_1086 = tpu.memref_squeeze %dma_start3A_1085 : memref<1x1x200x64xf32, #tpu.memory_space<vmem>> -> memref<200x64xf32, #tpu.memory_space<vmem>>
      tpu.enqueue_dma source(%dma_start3A_1086 : memref<200x64xf32, #tpu.memory_space<vmem>>) target(%dma_start3A_1082 : memref<200x64xf32, #tpu.memory_space<hbm>>) target_semaphore(%arg14 : memref<!tpu.dma_semaphore, #tpu.memory_space<semaphore_mem>>)
      %add3A_1087 = arith.addi %mul3A_4, %sub3A_1067 : i32
      %dma_start3A_1088 = arith.constant 1 : i32
      %dma_start3A_1089 = arith.constant 1 : i32
      %dma_start3A_1090 = arith.constant 0 : i32
      %dma_start3A_1091 = arith.constant 0 : i32
      %dma_start3A_1092 = tpu.memref_slice %arg6[%dma_start3A_1088, %dma_start3A_1089, %dma_start3A_1090, %dma_start3A_1091] : memref<2x2x200x64xf32, #tpu.memory_space<vmem>> -> memref<1x1x200x64xf32, #tpu.memory_space<vmem>>
      %dma_start3A_1093 = tpu.memref_squeeze %dma_start3A_1092 : memref<1x1x200x64xf32, #tpu.memory_space<vmem>> -> memref<200x64xf32, #tpu.memory_space<vmem>>
      %dma_start3A_1094 = arith.constant 0 : i32
      %dma_start3A_1095 = arith.constant 64 : i32
      %dma_start3A_1096 = tpu.memref_slice %arg4[%add3A_1087, %dma_start3A_1094, %dma_start3A_1095] : memref<8192x200x128xf32, #tpu.memory_space<hbm>> -> memref<1x200x64xf32, #tpu.memory_space<hbm>>
      %dma_start3A_1097 = tpu.memref_squeeze %dma_start3A_1096 : memref<1x200x64xf32, #tpu.memory_space<hbm>> -> memref<200x64xf32, #tpu.memory_space<hbm>>
      %dma_start3A_1098 = arith.constant 0 : i32
      %dma_start3A_1099 = arith.constant 64 : i32
      %dma_start3A_1100 = tpu.memref_slice %arg4[%add3A_1087, %dma_start3A_1098, %dma_start3A_1099] : memref<8192x200x128xf32, #tpu.memory_space<hbm>> -> memref<1x200x64xf32, #tpu.memory_space<hbm>>
      %dma_start3A_1101 = tpu.memref_squeeze %dma_start3A_1100 : memref<1x200x64xf32, #tpu.memory_space<hbm>> -> memref<200x64xf32, #tpu.memory_space<hbm>>
      %dma_start3A_1102 = arith.constant 0 : i32
      %dma_start3A_1103 = arith.constant 0 : i32
      %dma_start3A_1104 = tpu.memref_slice %arg6[%dma_start3A_1088, %dma_start3A_1089, %dma_start3A_1102, %dma_start3A_1103] : memref<2x2x200x64xf32, #tpu.memory_space<vmem>> -> memref<1x1x200x64xf32, #tpu.memory_space<vmem>>
      %dma_start3A_1105 = tpu.memref_squeeze %dma_start3A_1104 : memref<1x1x200x64xf32, #tpu.memory_space<vmem>> -> memref<200x64xf32, #tpu.memory_space<vmem>>
      tpu.enqueue_dma source(%dma_start3A_1105 : memref<200x64xf32, #tpu.memory_space<vmem>>) target(%dma_start3A_1101 : memref<200x64xf32, #tpu.memory_space<hbm>>) target_semaphore(%arg14 : memref<!tpu.dma_semaphore, #tpu.memory_space<semaphore_mem>>)
      %add3A_1106 = arith.constant 3 : i32
      %add3A_1107 = arith.addi %add3A_905, %add3A_1106 : i32
      %rem3A = arith.constant 256 : i32
      %rem3A_1108 = arith.remsi %add3A_1107, %rem3A : i32
      %mul3A_1109 = arith.constant 2 : i32
      %mul3A_1110 = arith.muli %rem3A_1108, %mul3A_1109 : i32
      %add3A_1111 = arith.addi %mul3A_2, %mul3A_1110 : i32
      %dma_start3A_1112 = arith.constant 1 : i32
      %dma_start3A_1113 = arith.constant 0 : i32
      %dma_start3A_1114 = arith.constant 0 : i32
      %dma_start3A_1115 = tpu.memref_slice %arg5[%dma_start3A_1112, %dma_start3A_1113, %dma_start3A_1114] : memref<4x2x200xi32, #tpu.memory_space<vmem>> -> memref<1x2x200xi32, #tpu.memory_space<vmem>>
      %dma_start3A_1116 = tpu.memref_squeeze %dma_start3A_1115 : memref<1x2x200xi32, #tpu.memory_space<vmem>> -> memref<2x200xi32, #tpu.memory_space<vmem>>
      %dma_start3A_1117 = arith.constant 0 : i32
      %dma_start3A_1118 = tpu.memref_slice %arg2[%add3A_1111, %dma_start3A_1117] : memref<16384x200xi32, #tpu.memory_space<hbm>> -> memref<2x200xi32, #tpu.memory_space<hbm>>
      %dma_start3A_1119 = arith.constant 0 : i32
      %dma_start3A_1120 = arith.constant 0 : i32
      %dma_start3A_1121 = tpu.memref_slice %arg5[%dma_start3A_1112, %dma_start3A_1119, %dma_start3A_1120] : memref<4x2x200xi32, #tpu.memory_space<vmem>> -> memref<1x2x200xi32, #tpu.memory_space<vmem>>
      %dma_start3A_1122 = tpu.memref_squeeze %dma_start3A_1121 : memref<1x2x200xi32, #tpu.memory_space<vmem>> -> memref<2x200xi32, #tpu.memory_space<vmem>>
      %dma_start3A_1123 = arith.constant 0 : i32
      %dma_start3A_1124 = tpu.memref_slice %arg2[%add3A_1111, %dma_start3A_1123] : memref<16384x200xi32, #tpu.memory_space<hbm>> -> memref<2x200xi32, #tpu.memory_space<hbm>>
      tpu.enqueue_dma source(%dma_start3A_1124 : memref<2x200xi32, #tpu.memory_space<hbm>>) target(%dma_start3A_1122 : memref<2x200xi32, #tpu.memory_space<vmem>>) target_semaphore(%arg8 : memref<!tpu.dma_semaphore, #tpu.memory_space<semaphore_mem>>)
      %add3A_1125 = arith.constant 1 : i32
      %add3A_1126 = arith.addi %add3A_903, %add3A_1125 : i32
      %dma_wait3A_1127 = arith.constant 1 : i32
      %dma_wait3A_1128 = arith.constant 0 : i32
      %dma_wait3A_1129 = arith.constant 0 : i32
      %dma_wait3A_1130 = arith.constant 0 : i32
      %dma_wait3A_1131 = tpu.memref_slice %arg6[%dma_wait3A_1127, %dma_wait3A_1128, %dma_wait3A_1129, %dma_wait3A_1130] : memref<2x2x200x64xf32, #tpu.memory_space<vmem>> -> memref<1x1x200x64xf32, #tpu.memory_space<vmem>>
      %dma_wait3A_1132 = tpu.memref_squeeze %dma_wait3A_1131 : memref<1x1x200x64xf32, #tpu.memory_space<vmem>> -> memref<200x64xf32, #tpu.memory_space<vmem>>
      %dma_wait3A_1133 = arith.constant 0 : i32
      %dma_wait3A_1134 = arith.constant 0 : i32
      %dma_wait3A_1135 = tpu.memref_slice %arg4[%mul3A_4, %dma_wait3A_1133, %dma_wait3A_1134] : memref<8192x200x128xf32, #tpu.memory_space<hbm>> -> memref<1x200x64xf32, #tpu.memory_space<hbm>>
      %dma_wait3A_1136 = tpu.memref_squeeze %dma_wait3A_1135 : memref<1x200x64xf32, #tpu.memory_space<hbm>> -> memref<200x64xf32, #tpu.memory_space<hbm>>
      %dma_wait3A_1137 = arith.constant 0 : i32
      %dma_wait3A_1138 = arith.constant 0 : i32
      %dma_wait3A_1139 = tpu.memref_slice %arg4[%mul3A_4, %dma_wait3A_1137, %dma_wait3A_1138] : memref<8192x200x128xf32, #tpu.memory_space<hbm>> -> memref<1x200x64xf32, #tpu.memory_space<hbm>>
      %dma_wait3A_1140 = tpu.memref_squeeze %dma_wait3A_1139 : memref<1x200x64xf32, #tpu.memory_space<hbm>> -> memref<200x64xf32, #tpu.memory_space<hbm>>
      %dma_wait3A_1141 = arith.constant 0 : i32
      %dma_wait3A_1142 = arith.constant 0 : i32
      %dma_wait3A_1143 = tpu.memref_slice %arg6[%dma_wait3A_1127, %dma_wait3A_1128, %dma_wait3A_1141, %dma_wait3A_1142] : memref<2x2x200x64xf32, #tpu.memory_space<vmem>> -> memref<1x1x200x64xf32, #tpu.memory_space<vmem>>
      %dma_wait3A_1144 = tpu.memref_squeeze %dma_wait3A_1143 : memref<1x1x200x64xf32, #tpu.memory_space<vmem>> -> memref<200x64xf32, #tpu.memory_space<vmem>>
      tpu.wait_dma2 semaphore(%arg14 : memref<!tpu.dma_semaphore, #tpu.memory_space<semaphore_mem>>) src(%dma_wait3A_1144 : memref<200x64xf32, #tpu.memory_space<vmem>>) dst(%dma_wait3A_1140 : memref<200x64xf32, #tpu.memory_space<hbm>>)
      %dma_wait3A_1145 = arith.constant 1 : i32
      %dma_wait3A_1146 = arith.constant 1 : i32
      %dma_wait3A_1147 = arith.constant 0 : i32
      %dma_wait3A_1148 = arith.constant 0 : i32
      %dma_wait3A_1149 = tpu.memref_slice %arg6[%dma_wait3A_1145, %dma_wait3A_1146, %dma_wait3A_1147, %dma_wait3A_1148] : memref<2x2x200x64xf32, #tpu.memory_space<vmem>> -> memref<1x1x200x64xf32, #tpu.memory_space<vmem>>
      %dma_wait3A_1150 = tpu.memref_squeeze %dma_wait3A_1149 : memref<1x1x200x64xf32, #tpu.memory_space<vmem>> -> memref<200x64xf32, #tpu.memory_space<vmem>>
      %dma_wait3A_1151 = arith.constant 0 : i32
      %dma_wait3A_1152 = arith.constant 64 : i32
      %dma_wait3A_1153 = tpu.memref_slice %arg4[%mul3A_4, %dma_wait3A_1151, %dma_wait3A_1152] : memref<8192x200x128xf32, #tpu.memory_space<hbm>> -> memref<1x200x64xf32, #tpu.memory_space<hbm>>
      %dma_wait3A_1154 = tpu.memref_squeeze %dma_wait3A_1153 : memref<1x200x64xf32, #tpu.memory_space<hbm>> -> memref<200x64xf32, #tpu.memory_space<hbm>>
      %dma_wait3A_1155 = arith.constant 0 : i32
      %dma_wait3A_1156 = arith.constant 64 : i32
      %dma_wait3A_1157 = tpu.memref_slice %arg4[%mul3A_4, %dma_wait3A_1155, %dma_wait3A_1156] : memref<8192x200x128xf32, #tpu.memory_space<hbm>> -> memref<1x200x64xf32, #tpu.memory_space<hbm>>
      %dma_wait3A_1158 = tpu.memref_squeeze %dma_wait3A_1157 : memref<1x200x64xf32, #tpu.memory_space<hbm>> -> memref<200x64xf32, #tpu.memory_space<hbm>>
      %dma_wait3A_1159 = arith.constant 0 : i32
      %dma_wait3A_1160 = arith.constant 0 : i32
      %dma_wait3A_1161 = tpu.memref_slice %arg6[%dma_wait3A_1145, %dma_wait3A_1146, %dma_wait3A_1159, %dma_wait3A_1160] : memref<2x2x200x64xf32, #tpu.memory_space<vmem>> -> memref<1x1x200x64xf32, #tpu.memory_space<vmem>>
      %dma_wait3A_1162 = tpu.memref_squeeze %dma_wait3A_1161 : memref<1x1x200x64xf32, #tpu.memory_space<vmem>> -> memref<200x64xf32, #tpu.memory_space<vmem>>
      tpu.wait_dma2 semaphore(%arg14 : memref<!tpu.dma_semaphore, #tpu.memory_space<semaphore_mem>>) src(%dma_wait3A_1162 : memref<200x64xf32, #tpu.memory_space<vmem>>) dst(%dma_wait3A_1158 : memref<200x64xf32, #tpu.memory_space<hbm>>)
      %dma_wait3A_1163 = arith.constant 3 : i32
      %dma_wait3A_1164 = arith.constant 0 : i32
      %dma_wait3A_1165 = arith.constant 0 : i32
      %dma_wait3A_1166 = tpu.memref_slice %arg5[%dma_wait3A_1163, %dma_wait3A_1164, %dma_wait3A_1165] : memref<4x2x200xi32, #tpu.memory_space<vmem>> -> memref<1x2x200xi32, #tpu.memory_space<vmem>>
      %dma_wait3A_1167 = tpu.memref_squeeze %dma_wait3A_1166 : memref<1x2x200xi32, #tpu.memory_space<vmem>> -> memref<2x200xi32, #tpu.memory_space<vmem>>
      %dma_wait3A_1168 = arith.constant 0 : i32
      %dma_wait3A_1169 = tpu.memref_slice %arg2[%mul3A_2, %dma_wait3A_1168] : memref<16384x200xi32, #tpu.memory_space<hbm>> -> memref<2x200xi32, #tpu.memory_space<hbm>>
      %dma_wait3A_1170 = arith.constant 0 : i32
      %dma_wait3A_1171 = arith.constant 0 : i32
      %dma_wait3A_1172 = tpu.memref_slice %arg5[%dma_wait3A_1163, %dma_wait3A_1170, %dma_wait3A_1171] : memref<4x2x200xi32, #tpu.memory_space<vmem>> -> memref<1x2x200xi32, #tpu.memory_space<vmem>>
      %dma_wait3A_1173 = tpu.memref_squeeze %dma_wait3A_1172 : memref<1x2x200xi32, #tpu.memory_space<vmem>> -> memref<2x200xi32, #tpu.memory_space<vmem>>
      %dma_wait3A_1174 = arith.constant 0 : i32
      %dma_wait3A_1175 = tpu.memref_slice %arg2[%mul3A_2, %dma_wait3A_1174] : memref<16384x200xi32, #tpu.memory_space<hbm>> -> memref<2x200xi32, #tpu.memory_space<hbm>>
      tpu.wait_dma2 semaphore(%arg10 : memref<!tpu.dma_semaphore, #tpu.memory_space<semaphore_mem>>) src(%dma_wait3A_1175 : memref<2x200xi32, #tpu.memory_space<hbm>>) dst(%dma_wait3A_1173 : memref<2x200xi32, #tpu.memory_space<vmem>>)
      %dma_start3A_1176 = arith.constant 3 : i32
      %dma_start3A_1177 = arith.constant 0 : i32
      %dma_start3A_1178 = arith.constant 1 : i32
      %dma_start3A_1179 = arith.constant 0 : i32
      %dma_start3A_1180 = arith.constant 0 : i32
      %dma_start3A_1181 = arith.constant 0 : i32
      %dma_start3A_1182 = tpu.memref_slice %arg6[%dma_start3A_1178, %dma_start3A_1179, %dma_start3A_1180, %dma_start3A_1181] : memref<2x2x200x64xf32, #tpu.memory_space<vmem>> -> memref<1x1x128x64xf32, #tpu.memory_space<vmem>>
      %dma_start3A_1183 = tpu.memref_squeeze %dma_start3A_1182 : memref<1x1x128x64xf32, #tpu.memory_space<vmem>> -> memref<128x64xf32, #tpu.memory_space<vmem>>
      %dma_start3A_1184 = arith.constant 0 : i32
      %dma_start3A_1185 = tpu.memref_slice %arg5[%dma_start3A_1176, %dma_start3A_1177, %dma_start3A_1184] : memref<4x2x200xi32, #tpu.memory_space<vmem>> -> memref<1x1x128xi32, #tpu.memory_space<vmem>>
      %dma_start3A_1186 = tpu.memref_squeeze %dma_start3A_1185 : memref<1x1x128xi32, #tpu.memory_space<vmem>> -> memref<128xi32, #tpu.memory_space<vmem>>
      %dma_start3A_1187 = arith.constant 0 : i32
      %dma_start3A_1188 = arith.constant 0 : i32
      %dma_start3A_1189 = tpu.memref_slice %arg3[%dma_start3A_1187, %dma_start3A_1188] : memref<100000x64xf32, #tpu.memory_space<hbm>> -> memref<100000x64xf32, #tpu.memory_space<hbm>>
      tpu.enqueue_indirect_dma source(%dma_start3A_1189 : memref<100000x64xf32, #tpu.memory_space<hbm>>) target(%dma_start3A_1183 : memref<128x64xf32, #tpu.memory_space<vmem>>) offsets(%dma_start3A_1186 : memref<128xi32, #tpu.memory_space<vmem>>) semaphore(%arg12 : memref<!tpu.dma_semaphore, #tpu.memory_space<semaphore_mem>>)
      %dma_start3A_1190 = arith.constant 3 : i32
      %dma_start3A_1191 = arith.constant 0 : i32
      %dma_start3A_1192 = arith.constant 1 : i32
      %dma_start3A_1193 = arith.constant 0 : i32
      %dma_start3A_1194 = arith.constant 128 : i32
      %dma_start3A_1195 = arith.constant 0 : i32
      %dma_start3A_1196 = tpu.memref_slice %arg6[%dma_start3A_1192, %dma_start3A_1193, %dma_start3A_1194, %dma_start3A_1195] : memref<2x2x200x64xf32, #tpu.memory_space<vmem>> -> memref<1x1x72x64xf32, #tpu.memory_space<vmem>>
      %dma_start3A_1197 = tpu.memref_squeeze %dma_start3A_1196 : memref<1x1x72x64xf32, #tpu.memory_space<vmem>> -> memref<72x64xf32, #tpu.memory_space<vmem>>
      %dma_start3A_1198 = arith.constant 128 : i32
      %dma_start3A_1199 = tpu.memref_slice %arg5[%dma_start3A_1190, %dma_start3A_1191, %dma_start3A_1198] : memref<4x2x200xi32, #tpu.memory_space<vmem>> -> memref<1x1x72xi32, #tpu.memory_space<vmem>>
      %dma_start3A_1200 = tpu.memref_squeeze %dma_start3A_1199 : memref<1x1x72xi32, #tpu.memory_space<vmem>> -> memref<72xi32, #tpu.memory_space<vmem>>
      %dma_start3A_1201 = arith.constant 0 : i32
      %dma_start3A_1202 = arith.constant 0 : i32
      %dma_start3A_1203 = tpu.memref_slice %arg3[%dma_start3A_1201, %dma_start3A_1202] : memref<100000x64xf32, #tpu.memory_space<hbm>> -> memref<100000x64xf32, #tpu.memory_space<hbm>>
      tpu.enqueue_indirect_dma source(%dma_start3A_1203 : memref<100000x64xf32, #tpu.memory_space<hbm>>) target(%dma_start3A_1197 : memref<72x64xf32, #tpu.memory_space<vmem>>) offsets(%dma_start3A_1200 : memref<72xi32, #tpu.memory_space<vmem>>) semaphore(%arg12 : memref<!tpu.dma_semaphore, #tpu.memory_space<semaphore_mem>>)
      %dma_start3A_1204 = arith.constant 3 : i32
      %dma_start3A_1205 = arith.constant 1 : i32
      %dma_start3A_1206 = arith.constant 1 : i32
      %dma_start3A_1207 = arith.constant 1 : i32
      %dma_start3A_1208 = arith.constant 0 : i32
      %dma_start3A_1209 = arith.constant 0 : i32
      %dma_start3A_1210 = tpu.memref_slice %arg6[%dma_start3A_1206, %dma_start3A_1207, %dma_start3A_1208, %dma_start3A_1209] : memref<2x2x200x64xf32, #tpu.memory_space<vmem>> -> memref<1x1x128x64xf32, #tpu.memory_space<vmem>>
      %dma_start3A_1211 = tpu.memref_squeeze %dma_start3A_1210 : memref<1x1x128x64xf32, #tpu.memory_space<vmem>> -> memref<128x64xf32, #tpu.memory_space<vmem>>
      %dma_start3A_1212 = arith.constant 0 : i32
      %dma_start3A_1213 = tpu.memref_slice %arg5[%dma_start3A_1204, %dma_start3A_1205, %dma_start3A_1212] : memref<4x2x200xi32, #tpu.memory_space<vmem>> -> memref<1x1x128xi32, #tpu.memory_space<vmem>>
      %dma_start3A_1214 = tpu.memref_squeeze %dma_start3A_1213 : memref<1x1x128xi32, #tpu.memory_space<vmem>> -> memref<128xi32, #tpu.memory_space<vmem>>
      %dma_start3A_1215 = arith.constant 0 : i32
      %dma_start3A_1216 = arith.constant 0 : i32
      %dma_start3A_1217 = tpu.memref_slice %arg3[%dma_start3A_1215, %dma_start3A_1216] : memref<100000x64xf32, #tpu.memory_space<hbm>> -> memref<100000x64xf32, #tpu.memory_space<hbm>>
      tpu.enqueue_indirect_dma source(%dma_start3A_1217 : memref<100000x64xf32, #tpu.memory_space<hbm>>) target(%dma_start3A_1211 : memref<128x64xf32, #tpu.memory_space<vmem>>) offsets(%dma_start3A_1214 : memref<128xi32, #tpu.memory_space<vmem>>) semaphore(%arg12 : memref<!tpu.dma_semaphore, #tpu.memory_space<semaphore_mem>>)
      %dma_start3A_1218 = arith.constant 3 : i32
      %dma_start3A_1219 = arith.constant 1 : i32
      %dma_start3A_1220 = arith.constant 1 : i32
      %dma_start3A_1221 = arith.constant 1 : i32
      %dma_start3A_1222 = arith.constant 128 : i32
      %dma_start3A_1223 = arith.constant 0 : i32
      %dma_start3A_1224 = tpu.memref_slice %arg6[%dma_start3A_1220, %dma_start3A_1221, %dma_start3A_1222, %dma_start3A_1223] : memref<2x2x200x64xf32, #tpu.memory_space<vmem>> -> memref<1x1x72x64xf32, #tpu.memory_space<vmem>>
      %dma_start3A_1225 = tpu.memref_squeeze %dma_start3A_1224 : memref<1x1x72x64xf32, #tpu.memory_space<vmem>> -> memref<72x64xf32, #tpu.memory_space<vmem>>
      %dma_start3A_1226 = arith.constant 128 : i32
      %dma_start3A_1227 = tpu.memref_slice %arg5[%dma_start3A_1218, %dma_start3A_1219, %dma_start3A_1226] : memref<4x2x200xi32, #tpu.memory_space<vmem>> -> memref<1x1x72xi32, #tpu.memory_space<vmem>>
      %dma_start3A_1228 = tpu.memref_squeeze %dma_start3A_1227 : memref<1x1x72xi32, #tpu.memory_space<vmem>> -> memref<72xi32, #tpu.memory_space<vmem>>
      %dma_start3A_1229 = arith.constant 0 : i32
      %dma_start3A_1230 = arith.constant 0 : i32
      %dma_start3A_1231 = tpu.memref_slice %arg3[%dma_start3A_1229, %dma_start3A_1230] : memref<100000x64xf32, #tpu.memory_space<hbm>> -> memref<100000x64xf32, #tpu.memory_space<hbm>>
      tpu.enqueue_indirect_dma source(%dma_start3A_1231 : memref<100000x64xf32, #tpu.memory_space<hbm>>) target(%dma_start3A_1225 : memref<72x64xf32, #tpu.memory_space<vmem>>) offsets(%dma_start3A_1228 : memref<72xi32, #tpu.memory_space<vmem>>) semaphore(%arg12 : memref<!tpu.dma_semaphore, #tpu.memory_space<semaphore_mem>>)
      %dma_wait3A_1232 = arith.constant 2 : i32
      %dma_wait3A_1233 = arith.constant 0 : i32
      %dma_wait3A_1234 = arith.constant 0 : i32
      %dma_wait3A_1235 = arith.constant 0 : i32
      %dma_wait3A_1236 = arith.constant 0 : i32
      %dma_wait3A_1237 = arith.constant 0 : i32
      %dma_wait3A_1238 = tpu.memref_slice %arg6[%dma_wait3A_1234, %dma_wait3A_1235, %dma_wait3A_1236, %dma_wait3A_1237] : memref<2x2x200x64xf32, #tpu.memory_space<vmem>> -> memref<1x1x128x64xf32, #tpu.memory_space<vmem>>
      %dma_wait3A_1239 = tpu.memref_squeeze %dma_wait3A_1238 : memref<1x1x128x64xf32, #tpu.memory_space<vmem>> -> memref<128x64xf32, #tpu.memory_space<vmem>>
      %dma_wait3A_1240 = arith.constant 0 : i32
      %dma_wait3A_1241 = tpu.memref_slice %arg5[%dma_wait3A_1232, %dma_wait3A_1233, %dma_wait3A_1240] : memref<4x2x200xi32, #tpu.memory_space<vmem>> -> memref<1x1x128xi32, #tpu.memory_space<vmem>>
      %dma_wait3A_1242 = tpu.memref_squeeze %dma_wait3A_1241 : memref<1x1x128xi32, #tpu.memory_space<vmem>> -> memref<128xi32, #tpu.memory_space<vmem>>
      %dma_wait3A_1243 = arith.constant 0 : i32
      %dma_wait3A_1244 = arith.constant 0 : i32
      %dma_wait3A_1245 = tpu.memref_slice %arg3[%dma_wait3A_1243, %dma_wait3A_1244] : memref<100000x64xf32, #tpu.memory_space<hbm>> -> memref<100000x64xf32, #tpu.memory_space<hbm>>
      tpu.wait_indirect_dma semaphore(%arg11 : memref<!tpu.dma_semaphore, #tpu.memory_space<semaphore_mem>>) src(%dma_wait3A_1245 : memref<100000x64xf32, #tpu.memory_space<hbm>>) dst(%dma_wait3A_1239 : memref<128x64xf32, #tpu.memory_space<vmem>>)
      %dma_wait3A_1246 = arith.constant 2 : i32
      %dma_wait3A_1247 = arith.constant 0 : i32
      %dma_wait3A_1248 = arith.constant 0 : i32
      %dma_wait3A_1249 = arith.constant 0 : i32
      %dma_wait3A_1250 = arith.constant 128 : i32
      %dma_wait3A_1251 = arith.constant 0 : i32
      %dma_wait3A_1252 = tpu.memref_slice %arg6[%dma_wait3A_1248, %dma_wait3A_1249, %dma_wait3A_1250, %dma_wait3A_1251] : memref<2x2x200x64xf32, #tpu.memory_space<vmem>> -> memref<1x1x72x64xf32, #tpu.memory_space<vmem>>
      %dma_wait3A_1253 = tpu.memref_squeeze %dma_wait3A_1252 : memref<1x1x72x64xf32, #tpu.memory_space<vmem>> -> memref<72x64xf32, #tpu.memory_space<vmem>>
      %dma_wait3A_1254 = arith.constant 128 : i32
      %dma_wait3A_1255 = tpu.memref_slice %arg5[%dma_wait3A_1246, %dma_wait3A_1247, %dma_wait3A_1254] : memref<4x2x200xi32, #tpu.memory_space<vmem>> -> memref<1x1x72xi32, #tpu.memory_space<vmem>>
      %dma_wait3A_1256 = tpu.memref_squeeze %dma_wait3A_1255 : memref<1x1x72xi32, #tpu.memory_space<vmem>> -> memref<72xi32, #tpu.memory_space<vmem>>
      %dma_wait3A_1257 = arith.constant 0 : i32
      %dma_wait3A_1258 = arith.constant 0 : i32
      %dma_wait3A_1259 = tpu.memref_slice %arg3[%dma_wait3A_1257, %dma_wait3A_1258] : memref<100000x64xf32, #tpu.memory_space<hbm>> -> memref<100000x64xf32, #tpu.memory_space<hbm>>
      tpu.wait_indirect_dma semaphore(%arg11 : memref<!tpu.dma_semaphore, #tpu.memory_space<semaphore_mem>>) src(%dma_wait3A_1259 : memref<100000x64xf32, #tpu.memory_space<hbm>>) dst(%dma_wait3A_1253 : memref<72x64xf32, #tpu.memory_space<vmem>>)
      %dma_wait3A_1260 = arith.constant 2 : i32
      %dma_wait3A_1261 = arith.constant 1 : i32
      %dma_wait3A_1262 = arith.constant 0 : i32
      %dma_wait3A_1263 = arith.constant 1 : i32
      %dma_wait3A_1264 = arith.constant 0 : i32
      %dma_wait3A_1265 = arith.constant 0 : i32
      %dma_wait3A_1266 = tpu.memref_slice %arg6[%dma_wait3A_1262, %dma_wait3A_1263, %dma_wait3A_1264, %dma_wait3A_1265] : memref<2x2x200x64xf32, #tpu.memory_space<vmem>> -> memref<1x1x128x64xf32, #tpu.memory_space<vmem>>
      %dma_wait3A_1267 = tpu.memref_squeeze %dma_wait3A_1266 : memref<1x1x128x64xf32, #tpu.memory_space<vmem>> -> memref<128x64xf32, #tpu.memory_space<vmem>>
      %dma_wait3A_1268 = arith.constant 0 : i32
      %dma_wait3A_1269 = tpu.memref_slice %arg5[%dma_wait3A_1260, %dma_wait3A_1261, %dma_wait3A_1268] : memref<4x2x200xi32, #tpu.memory_space<vmem>> -> memref<1x1x128xi32, #tpu.memory_space<vmem>>
      %dma_wait3A_1270 = tpu.memref_squeeze %dma_wait3A_1269 : memref<1x1x128xi32, #tpu.memory_space<vmem>> -> memref<128xi32, #tpu.memory_space<vmem>>
      %dma_wait3A_1271 = arith.constant 0 : i32
      %dma_wait3A_1272 = arith.constant 0 : i32
      %dma_wait3A_1273 = tpu.memref_slice %arg3[%dma_wait3A_1271, %dma_wait3A_1272] : memref<100000x64xf32, #tpu.memory_space<hbm>> -> memref<100000x64xf32, #tpu.memory_space<hbm>>
      tpu.wait_indirect_dma semaphore(%arg11 : memref<!tpu.dma_semaphore, #tpu.memory_space<semaphore_mem>>) src(%dma_wait3A_1273 : memref<100000x64xf32, #tpu.memory_space<hbm>>) dst(%dma_wait3A_1267 : memref<128x64xf32, #tpu.memory_space<vmem>>)
      %dma_wait3A_1274 = arith.constant 2 : i32
      %dma_wait3A_1275 = arith.constant 1 : i32
      %dma_wait3A_1276 = arith.constant 0 : i32
      %dma_wait3A_1277 = arith.constant 1 : i32
      %dma_wait3A_1278 = arith.constant 128 : i32
      %dma_wait3A_1279 = arith.constant 0 : i32
      %dma_wait3A_1280 = tpu.memref_slice %arg6[%dma_wait3A_1276, %dma_wait3A_1277, %dma_wait3A_1278, %dma_wait3A_1279] : memref<2x2x200x64xf32, #tpu.memory_space<vmem>> -> memref<1x1x72x64xf32, #tpu.memory_space<vmem>>
      %dma_wait3A_1281 = tpu.memref_squeeze %dma_wait3A_1280 : memref<1x1x72x64xf32, #tpu.memory_space<vmem>> -> memref<72x64xf32, #tpu.memory_space<vmem>>
      %dma_wait3A_1282 = arith.constant 128 : i32
      %dma_wait3A_1283 = tpu.memref_slice %arg5[%dma_wait3A_1274, %dma_wait3A_1275, %dma_wait3A_1282] : memref<4x2x200xi32, #tpu.memory_space<vmem>> -> memref<1x1x72xi32, #tpu.memory_space<vmem>>
      %dma_wait3A_1284 = tpu.memref_squeeze %dma_wait3A_1283 : memref<1x1x72xi32, #tpu.memory_space<vmem>> -> memref<72xi32, #tpu.memory_space<vmem>>
      %dma_wait3A_1285 = arith.constant 0 : i32
      %dma_wait3A_1286 = arith.constant 0 : i32
      %dma_wait3A_1287 = tpu.memref_slice %arg3[%dma_wait3A_1285, %dma_wait3A_1286] : memref<100000x64xf32, #tpu.memory_space<hbm>> -> memref<100000x64xf32, #tpu.memory_space<hbm>>
      tpu.wait_indirect_dma semaphore(%arg11 : memref<!tpu.dma_semaphore, #tpu.memory_space<semaphore_mem>>) src(%dma_wait3A_1287 : memref<100000x64xf32, #tpu.memory_space<hbm>>) dst(%dma_wait3A_1281 : memref<72x64xf32, #tpu.memory_space<vmem>>)
      %sub3A_1288 = arith.constant 1 : i32
      %sub3A_1289 = arith.subi %add3A_1126, %sub3A_1288 : i32
      %add3A_1290 = arith.addi %mul3A_4, %sub3A_1289 : i32
      %dma_start3A_1291 = arith.constant 0 : i32
      %dma_start3A_1292 = arith.constant 0 : i32
      %dma_start3A_1293 = arith.constant 0 : i32
      %dma_start3A_1294 = arith.constant 0 : i32
      %dma_start3A_1295 = tpu.memref_slice %arg6[%dma_start3A_1291, %dma_start3A_1292, %dma_start3A_1293, %dma_start3A_1294] : memref<2x2x200x64xf32, #tpu.memory_space<vmem>> -> memref<1x1x200x64xf32, #tpu.memory_space<vmem>>
      %dma_start3A_1296 = tpu.memref_squeeze %dma_start3A_1295 : memref<1x1x200x64xf32, #tpu.memory_space<vmem>> -> memref<200x64xf32, #tpu.memory_space<vmem>>
      %dma_start3A_1297 = arith.constant 0 : i32
      %dma_start3A_1298 = arith.constant 0 : i32
      %dma_start3A_1299 = tpu.memref_slice %arg4[%add3A_1290, %dma_start3A_1297, %dma_start3A_1298] : memref<8192x200x128xf32, #tpu.memory_space<hbm>> -> memref<1x200x64xf32, #tpu.memory_space<hbm>>
      %dma_start3A_1300 = tpu.memref_squeeze %dma_start3A_1299 : memref<1x200x64xf32, #tpu.memory_space<hbm>> -> memref<200x64xf32, #tpu.memory_space<hbm>>
      %dma_start3A_1301 = arith.constant 0 : i32
      %dma_start3A_1302 = arith.constant 0 : i32
      %dma_start3A_1303 = tpu.memref_slice %arg4[%add3A_1290, %dma_start3A_1301, %dma_start3A_1302] : memref<8192x200x128xf32, #tpu.memory_space<hbm>> -> memref<1x200x64xf32, #tpu.memory_space<hbm>>
      %dma_start3A_1304 = tpu.memref_squeeze %dma_start3A_1303 : memref<1x200x64xf32, #tpu.memory_space<hbm>> -> memref<200x64xf32, #tpu.memory_space<hbm>>
      %dma_start3A_1305 = arith.constant 0 : i32
      %dma_start3A_1306 = arith.constant 0 : i32
      %dma_start3A_1307 = tpu.memref_slice %arg6[%dma_start3A_1291, %dma_start3A_1292, %dma_start3A_1305, %dma_start3A_1306] : memref<2x2x200x64xf32, #tpu.memory_space<vmem>> -> memref<1x1x200x64xf32, #tpu.memory_space<vmem>>
      %dma_start3A_1308 = tpu.memref_squeeze %dma_start3A_1307 : memref<1x1x200x64xf32, #tpu.memory_space<vmem>> -> memref<200x64xf32, #tpu.memory_space<vmem>>
      tpu.enqueue_dma source(%dma_start3A_1308 : memref<200x64xf32, #tpu.memory_space<vmem>>) target(%dma_start3A_1304 : memref<200x64xf32, #tpu.memory_space<hbm>>) target_semaphore(%arg13 : memref<!tpu.dma_semaphore, #tpu.memory_space<semaphore_mem>>)
      %add3A_1309 = arith.addi %mul3A_4, %sub3A_1289 : i32
      %dma_start3A_1310 = arith.constant 0 : i32
      %dma_start3A_1311 = arith.constant 1 : i32
      %dma_start3A_1312 = arith.constant 0 : i32
      %dma_start3A_1313 = arith.constant 0 : i32
      %dma_start3A_1314 = tpu.memref_slice %arg6[%dma_start3A_1310, %dma_start3A_1311, %dma_start3A_1312, %dma_start3A_1313] : memref<2x2x200x64xf32, #tpu.memory_space<vmem>> -> memref<1x1x200x64xf32, #tpu.memory_space<vmem>>
      %dma_start3A_1315 = tpu.memref_squeeze %dma_start3A_1314 : memref<1x1x200x64xf32, #tpu.memory_space<vmem>> -> memref<200x64xf32, #tpu.memory_space<vmem>>
      %dma_start3A_1316 = arith.constant 0 : i32
      %dma_start3A_1317 = arith.constant 64 : i32
      %dma_start3A_1318 = tpu.memref_slice %arg4[%add3A_1309, %dma_start3A_1316, %dma_start3A_1317] : memref<8192x200x128xf32, #tpu.memory_space<hbm>> -> memref<1x200x64xf32, #tpu.memory_space<hbm>>
      %dma_start3A_1319 = tpu.memref_squeeze %dma_start3A_1318 : memref<1x200x64xf32, #tpu.memory_space<hbm>> -> memref<200x64xf32, #tpu.memory_space<hbm>>
      %dma_start3A_1320 = arith.constant 0 : i32
      %dma_start3A_1321 = arith.constant 64 : i32
      %dma_start3A_1322 = tpu.memref_slice %arg4[%add3A_1309, %dma_start3A_1320, %dma_start3A_1321] : memref<8192x200x128xf32, #tpu.memory_space<hbm>> -> memref<1x200x64xf32, #tpu.memory_space<hbm>>
      %dma_start3A_1323 = tpu.memref_squeeze %dma_start3A_1322 : memref<1x200x64xf32, #tpu.memory_space<hbm>> -> memref<200x64xf32, #tpu.memory_space<hbm>>
      %dma_start3A_1324 = arith.constant 0 : i32
      %dma_start3A_1325 = arith.constant 0 : i32
      %dma_start3A_1326 = tpu.memref_slice %arg6[%dma_start3A_1310, %dma_start3A_1311, %dma_start3A_1324, %dma_start3A_1325] : memref<2x2x200x64xf32, #tpu.memory_space<vmem>> -> memref<1x1x200x64xf32, #tpu.memory_space<vmem>>
      %dma_start3A_1327 = tpu.memref_squeeze %dma_start3A_1326 : memref<1x1x200x64xf32, #tpu.memory_space<vmem>> -> memref<200x64xf32, #tpu.memory_space<vmem>>
      tpu.enqueue_dma source(%dma_start3A_1327 : memref<200x64xf32, #tpu.memory_space<vmem>>) target(%dma_start3A_1323 : memref<200x64xf32, #tpu.memory_space<hbm>>) target_semaphore(%arg13 : memref<!tpu.dma_semaphore, #tpu.memory_space<semaphore_mem>>)
      %add3A_1328 = arith.constant 3 : i32
      %add3A_1329 = arith.addi %add3A_1126, %add3A_1328 : i32
      %rem3A_1330 = arith.constant 256 : i32
      %rem3A_1331 = arith.remsi %add3A_1329, %rem3A_1330 : i32
      %mul3A_1332 = arith.constant 2 : i32
      %mul3A_1333 = arith.muli %rem3A_1331, %mul3A_1332 : i32
      %add3A_1334 = arith.addi %mul3A_2, %mul3A_1333 : i32
      %dma_start3A_1335 = arith.constant 2 : i32
      %dma_start3A_1336 = arith.constant 0 : i32
      %dma_start3A_1337 = arith.constant 0 : i32
      %dma_start3A_1338 = tpu.memref_slice %arg5[%dma_start3A_1335, %dma_start3A_1336, %dma_start3A_1337] : memref<4x2x200xi32, #tpu.memory_space<vmem>> -> memref<1x2x200xi32, #tpu.memory_space<vmem>>
      %dma_start3A_1339 = tpu.memref_squeeze %dma_start3A_1338 : memref<1x2x200xi32, #tpu.memory_space<vmem>> -> memref<2x200xi32, #tpu.memory_space<vmem>>
      %dma_start3A_1340 = arith.constant 0 : i32
      %dma_start3A_1341 = tpu.memref_slice %arg2[%add3A_1334, %dma_start3A_1340] : memref<16384x200xi32, #tpu.memory_space<hbm>> -> memref<2x200xi32, #tpu.memory_space<hbm>>
      %dma_start3A_1342 = arith.constant 0 : i32
      %dma_start3A_1343 = arith.constant 0 : i32
      %dma_start3A_1344 = tpu.memref_slice %arg5[%dma_start3A_1335, %dma_start3A_1342, %dma_start3A_1343] : memref<4x2x200xi32, #tpu.memory_space<vmem>> -> memref<1x2x200xi32, #tpu.memory_space<vmem>>
      %dma_start3A_1345 = tpu.memref_squeeze %dma_start3A_1344 : memref<1x2x200xi32, #tpu.memory_space<vmem>> -> memref<2x200xi32, #tpu.memory_space<vmem>>
      %dma_start3A_1346 = arith.constant 0 : i32
      %dma_start3A_1347 = tpu.memref_slice %arg2[%add3A_1334, %dma_start3A_1346] : memref<16384x200xi32, #tpu.memory_space<hbm>> -> memref<2x200xi32, #tpu.memory_space<hbm>>
      tpu.enqueue_dma source(%dma_start3A_1347 : memref<2x200xi32, #tpu.memory_space<hbm>>) target(%dma_start3A_1345 : memref<2x200xi32, #tpu.memory_space<vmem>>) target_semaphore(%arg9 : memref<!tpu.dma_semaphore, #tpu.memory_space<semaphore_mem>>)
      %add3A_1348 = arith.constant 2 : i32
      %add3A_1349 = arith.addi %add3A_903, %add3A_1348 : i32
      %dma_wait3A_1350 = arith.constant 0 : i32
      %dma_wait3A_1351 = arith.constant 0 : i32
      %dma_wait3A_1352 = arith.constant 0 : i32
      %dma_wait3A_1353 = arith.constant 0 : i32
      %dma_wait3A_1354 = tpu.memref_slice %arg6[%dma_wait3A_1350, %dma_wait3A_1351, %dma_wait3A_1352, %dma_wait3A_1353] : memref<2x2x200x64xf32, #tpu.memory_space<vmem>> -> memref<1x1x200x64xf32, #tpu.memory_space<vmem>>
      %dma_wait3A_1355 = tpu.memref_squeeze %dma_wait3A_1354 : memref<1x1x200x64xf32, #tpu.memory_space<vmem>> -> memref<200x64xf32, #tpu.memory_space<vmem>>
      %dma_wait3A_1356 = arith.constant 0 : i32
      %dma_wait3A_1357 = arith.constant 0 : i32
      %dma_wait3A_1358 = tpu.memref_slice %arg4[%mul3A_4, %dma_wait3A_1356, %dma_wait3A_1357] : memref<8192x200x128xf32, #tpu.memory_space<hbm>> -> memref<1x200x64xf32, #tpu.memory_space<hbm>>
      %dma_wait3A_1359 = tpu.memref_squeeze %dma_wait3A_1358 : memref<1x200x64xf32, #tpu.memory_space<hbm>> -> memref<200x64xf32, #tpu.memory_space<hbm>>
      %dma_wait3A_1360 = arith.constant 0 : i32
      %dma_wait3A_1361 = arith.constant 0 : i32
      %dma_wait3A_1362 = tpu.memref_slice %arg4[%mul3A_4, %dma_wait3A_1360, %dma_wait3A_1361] : memref<8192x200x128xf32, #tpu.memory_space<hbm>> -> memref<1x200x64xf32, #tpu.memory_space<hbm>>
      %dma_wait3A_1363 = tpu.memref_squeeze %dma_wait3A_1362 : memref<1x200x64xf32, #tpu.memory_space<hbm>> -> memref<200x64xf32, #tpu.memory_space<hbm>>
      %dma_wait3A_1364 = arith.constant 0 : i32
      %dma_wait3A_1365 = arith.constant 0 : i32
      %dma_wait3A_1366 = tpu.memref_slice %arg6[%dma_wait3A_1350, %dma_wait3A_1351, %dma_wait3A_1364, %dma_wait3A_1365] : memref<2x2x200x64xf32, #tpu.memory_space<vmem>> -> memref<1x1x200x64xf32, #tpu.memory_space<vmem>>
      %dma_wait3A_1367 = tpu.memref_squeeze %dma_wait3A_1366 : memref<1x1x200x64xf32, #tpu.memory_space<vmem>> -> memref<200x64xf32, #tpu.memory_space<vmem>>
      tpu.wait_dma2 semaphore(%arg13 : memref<!tpu.dma_semaphore, #tpu.memory_space<semaphore_mem>>) src(%dma_wait3A_1367 : memref<200x64xf32, #tpu.memory_space<vmem>>) dst(%dma_wait3A_1363 : memref<200x64xf32, #tpu.memory_space<hbm>>)
      %dma_wait3A_1368 = arith.constant 0 : i32
      %dma_wait3A_1369 = arith.constant 1 : i32
      %dma_wait3A_1370 = arith.constant 0 : i32
      %dma_wait3A_1371 = arith.constant 0 : i32
      %dma_wait3A_1372 = tpu.memref_slice %arg6[%dma_wait3A_1368, %dma_wait3A_1369, %dma_wait3A_1370, %dma_wait3A_1371] : memref<2x2x200x64xf32, #tpu.memory_space<vmem>> -> memref<1x1x200x64xf32, #tpu.memory_space<vmem>>
      %dma_wait3A_1373 = tpu.memref_squeeze %dma_wait3A_1372 : memref<1x1x200x64xf32, #tpu.memory_space<vmem>> -> memref<200x64xf32, #tpu.memory_space<vmem>>
      %dma_wait3A_1374 = arith.constant 0 : i32
      %dma_wait3A_1375 = arith.constant 64 : i32
      %dma_wait3A_1376 = tpu.memref_slice %arg4[%mul3A_4, %dma_wait3A_1374, %dma_wait3A_1375] : memref<8192x200x128xf32, #tpu.memory_space<hbm>> -> memref<1x200x64xf32, #tpu.memory_space<hbm>>
      %dma_wait3A_1377 = tpu.memref_squeeze %dma_wait3A_1376 : memref<1x200x64xf32, #tpu.memory_space<hbm>> -> memref<200x64xf32, #tpu.memory_space<hbm>>
      %dma_wait3A_1378 = arith.constant 0 : i32
      %dma_wait3A_1379 = arith.constant 64 : i32
      %dma_wait3A_1380 = tpu.memref_slice %arg4[%mul3A_4, %dma_wait3A_1378, %dma_wait3A_1379] : memref<8192x200x128xf32, #tpu.memory_space<hbm>> -> memref<1x200x64xf32, #tpu.memory_space<hbm>>
      %dma_wait3A_1381 = tpu.memref_squeeze %dma_wait3A_1380 : memref<1x200x64xf32, #tpu.memory_space<hbm>> -> memref<200x64xf32, #tpu.memory_space<hbm>>
      %dma_wait3A_1382 = arith.constant 0 : i32
      %dma_wait3A_1383 = arith.constant 0 : i32
      %dma_wait3A_1384 = tpu.memref_slice %arg6[%dma_wait3A_1368, %dma_wait3A_1369, %dma_wait3A_1382, %dma_wait3A_1383] : memref<2x2x200x64xf32, #tpu.memory_space<vmem>> -> memref<1x1x200x64xf32, #tpu.memory_space<vmem>>
      %dma_wait3A_1385 = tpu.memref_squeeze %dma_wait3A_1384 : memref<1x1x200x64xf32, #tpu.memory_space<vmem>> -> memref<200x64xf32, #tpu.memory_space<vmem>>
      tpu.wait_dma2 semaphore(%arg13 : memref<!tpu.dma_semaphore, #tpu.memory_space<semaphore_mem>>) src(%dma_wait3A_1385 : memref<200x64xf32, #tpu.memory_space<vmem>>) dst(%dma_wait3A_1381 : memref<200x64xf32, #tpu.memory_space<hbm>>)
      %dma_wait3A_1386 = arith.constant 0 : i32
      %dma_wait3A_1387 = arith.constant 0 : i32
      %dma_wait3A_1388 = arith.constant 0 : i32
      %dma_wait3A_1389 = tpu.memref_slice %arg5[%dma_wait3A_1386, %dma_wait3A_1387, %dma_wait3A_1388] : memref<4x2x200xi32, #tpu.memory_space<vmem>> -> memref<1x2x200xi32, #tpu.memory_space<vmem>>
      %dma_wait3A_1390 = tpu.memref_squeeze %dma_wait3A_1389 : memref<1x2x200xi32, #tpu.memory_space<vmem>> -> memref<2x200xi32, #tpu.memory_space<vmem>>
      %dma_wait3A_1391 = arith.constant 0 : i32
      %dma_wait3A_1392 = tpu.memref_slice %arg2[%mul3A_2, %dma_wait3A_1391] : memref<16384x200xi32, #tpu.memory_space<hbm>> -> memref<2x200xi32, #tpu.memory_space<hbm>>
      %dma_wait3A_1393 = arith.constant 0 : i32
      %dma_wait3A_1394 = arith.constant 0 : i32
      %dma_wait3A_1395 = tpu.memref_slice %arg5[%dma_wait3A_1386, %dma_wait3A_1393, %dma_wait3A_1394] : memref<4x2x200xi32, #tpu.memory_space<vmem>> -> memref<1x2x200xi32, #tpu.memory_space<vmem>>
      %dma_wait3A_1396 = tpu.memref_squeeze %dma_wait3A_1395 : memref<1x2x200xi32, #tpu.memory_space<vmem>> -> memref<2x200xi32, #tpu.memory_space<vmem>>
      %dma_wait3A_1397 = arith.constant 0 : i32
      %dma_wait3A_1398 = tpu.memref_slice %arg2[%mul3A_2, %dma_wait3A_1397] : memref<16384x200xi32, #tpu.memory_space<hbm>> -> memref<2x200xi32, #tpu.memory_space<hbm>>
      tpu.wait_dma2 semaphore(%arg7 : memref<!tpu.dma_semaphore, #tpu.memory_space<semaphore_mem>>) src(%dma_wait3A_1398 : memref<2x200xi32, #tpu.memory_space<hbm>>) dst(%dma_wait3A_1396 : memref<2x200xi32, #tpu.memory_space<vmem>>)
      %dma_start3A_1399 = arith.constant 0 : i32
      %dma_start3A_1400 = arith.constant 0 : i32
      %dma_start3A_1401 = arith.constant 0 : i32
      %dma_start3A_1402 = arith.constant 0 : i32
      %dma_start3A_1403 = arith.constant 0 : i32
      %dma_start3A_1404 = arith.constant 0 : i32
      %dma_start3A_1405 = tpu.memref_slice %arg6[%dma_start3A_1401, %dma_start3A_1402, %dma_start3A_1403, %dma_start3A_1404] : memref<2x2x200x64xf32, #tpu.memory_space<vmem>> -> memref<1x1x128x64xf32, #tpu.memory_space<vmem>>
      %dma_start3A_1406 = tpu.memref_squeeze %dma_start3A_1405 : memref<1x1x128x64xf32, #tpu.memory_space<vmem>> -> memref<128x64xf32, #tpu.memory_space<vmem>>
      %dma_start3A_1407 = arith.constant 0 : i32
      %dma_start3A_1408 = tpu.memref_slice %arg5[%dma_start3A_1399, %dma_start3A_1400, %dma_start3A_1407] : memref<4x2x200xi32, #tpu.memory_space<vmem>> -> memref<1x1x128xi32, #tpu.memory_space<vmem>>
      %dma_start3A_1409 = tpu.memref_squeeze %dma_start3A_1408 : memref<1x1x128xi32, #tpu.memory_space<vmem>> -> memref<128xi32, #tpu.memory_space<vmem>>
      %dma_start3A_1410 = arith.constant 0 : i32
      %dma_start3A_1411 = arith.constant 0 : i32
      %dma_start3A_1412 = tpu.memref_slice %arg3[%dma_start3A_1410, %dma_start3A_1411] : memref<100000x64xf32, #tpu.memory_space<hbm>> -> memref<100000x64xf32, #tpu.memory_space<hbm>>
      tpu.enqueue_indirect_dma source(%dma_start3A_1412 : memref<100000x64xf32, #tpu.memory_space<hbm>>) target(%dma_start3A_1406 : memref<128x64xf32, #tpu.memory_space<vmem>>) offsets(%dma_start3A_1409 : memref<128xi32, #tpu.memory_space<vmem>>) semaphore(%arg11 : memref<!tpu.dma_semaphore, #tpu.memory_space<semaphore_mem>>)
      %dma_start3A_1413 = arith.constant 0 : i32
      %dma_start3A_1414 = arith.constant 0 : i32
      %dma_start3A_1415 = arith.constant 0 : i32
      %dma_start3A_1416 = arith.constant 0 : i32
      %dma_start3A_1417 = arith.constant 128 : i32
      %dma_start3A_1418 = arith.constant 0 : i32
      %dma_start3A_1419 = tpu.memref_slice %arg6[%dma_start3A_1415, %dma_start3A_1416, %dma_start3A_1417, %dma_start3A_1418] : memref<2x2x200x64xf32, #tpu.memory_space<vmem>> -> memref<1x1x72x64xf32, #tpu.memory_space<vmem>>
      %dma_start3A_1420 = tpu.memref_squeeze %dma_start3A_1419 : memref<1x1x72x64xf32, #tpu.memory_space<vmem>> -> memref<72x64xf32, #tpu.memory_space<vmem>>
      %dma_start3A_1421 = arith.constant 128 : i32
      %dma_start3A_1422 = tpu.memref_slice %arg5[%dma_start3A_1413, %dma_start3A_1414, %dma_start3A_1421] : memref<4x2x200xi32, #tpu.memory_space<vmem>> -> memref<1x1x72xi32, #tpu.memory_space<vmem>>
      %dma_start3A_1423 = tpu.memref_squeeze %dma_start3A_1422 : memref<1x1x72xi32, #tpu.memory_space<vmem>> -> memref<72xi32, #tpu.memory_space<vmem>>
      %dma_start3A_1424 = arith.constant 0 : i32
      %dma_start3A_1425 = arith.constant 0 : i32
      %dma_start3A_1426 = tpu.memref_slice %arg3[%dma_start3A_1424, %dma_start3A_1425] : memref<100000x64xf32, #tpu.memory_space<hbm>> -> memref<100000x64xf32, #tpu.memory_space<hbm>>
      tpu.enqueue_indirect_dma source(%dma_start3A_1426 : memref<100000x64xf32, #tpu.memory_space<hbm>>) target(%dma_start3A_1420 : memref<72x64xf32, #tpu.memory_space<vmem>>) offsets(%dma_start3A_1423 : memref<72xi32, #tpu.memory_space<vmem>>) semaphore(%arg11 : memref<!tpu.dma_semaphore, #tpu.memory_space<semaphore_mem>>)
      %dma_start3A_1427 = arith.constant 0 : i32
      %dma_start3A_1428 = arith.constant 1 : i32
      %dma_start3A_1429 = arith.constant 0 : i32
      %dma_start3A_1430 = arith.constant 1 : i32
      %dma_start3A_1431 = arith.constant 0 : i32
      %dma_start3A_1432 = arith.constant 0 : i32
      %dma_start3A_1433 = tpu.memref_slice %arg6[%dma_start3A_1429, %dma_start3A_1430, %dma_start3A_1431, %dma_start3A_1432] : memref<2x2x200x64xf32, #tpu.memory_space<vmem>> -> memref<1x1x128x64xf32, #tpu.memory_space<vmem>>
      %dma_start3A_1434 = tpu.memref_squeeze %dma_start3A_1433 : memref<1x1x128x64xf32, #tpu.memory_space<vmem>> -> memref<128x64xf32, #tpu.memory_space<vmem>>
      %dma_start3A_1435 = arith.constant 0 : i32
      %dma_start3A_1436 = tpu.memref_slice %arg5[%dma_start3A_1427, %dma_start3A_1428, %dma_start3A_1435] : memref<4x2x200xi32, #tpu.memory_space<vmem>> -> memref<1x1x128xi32, #tpu.memory_space<vmem>>
      %dma_start3A_1437 = tpu.memref_squeeze %dma_start3A_1436 : memref<1x1x128xi32, #tpu.memory_space<vmem>> -> memref<128xi32, #tpu.memory_space<vmem>>
      %dma_start3A_1438 = arith.constant 0 : i32
      %dma_start3A_1439 = arith.constant 0 : i32
      %dma_start3A_1440 = tpu.memref_slice %arg3[%dma_start3A_1438, %dma_start3A_1439] : memref<100000x64xf32, #tpu.memory_space<hbm>> -> memref<100000x64xf32, #tpu.memory_space<hbm>>
      tpu.enqueue_indirect_dma source(%dma_start3A_1440 : memref<100000x64xf32, #tpu.memory_space<hbm>>) target(%dma_start3A_1434 : memref<128x64xf32, #tpu.memory_space<vmem>>) offsets(%dma_start3A_1437 : memref<128xi32, #tpu.memory_space<vmem>>) semaphore(%arg11 : memref<!tpu.dma_semaphore, #tpu.memory_space<semaphore_mem>>)
      %dma_start3A_1441 = arith.constant 0 : i32
      %dma_start3A_1442 = arith.constant 1 : i32
      %dma_start3A_1443 = arith.constant 0 : i32
      %dma_start3A_1444 = arith.constant 1 : i32
      %dma_start3A_1445 = arith.constant 128 : i32
      %dma_start3A_1446 = arith.constant 0 : i32
      %dma_start3A_1447 = tpu.memref_slice %arg6[%dma_start3A_1443, %dma_start3A_1444, %dma_start3A_1445, %dma_start3A_1446] : memref<2x2x200x64xf32, #tpu.memory_space<vmem>> -> memref<1x1x72x64xf32, #tpu.memory_space<vmem>>
      %dma_start3A_1448 = tpu.memref_squeeze %dma_start3A_1447 : memref<1x1x72x64xf32, #tpu.memory_space<vmem>> -> memref<72x64xf32, #tpu.memory_space<vmem>>
      %dma_start3A_1449 = arith.constant 128 : i32
      %dma_start3A_1450 = tpu.memref_slice %arg5[%dma_start3A_1441, %dma_start3A_1442, %dma_start3A_1449] : memref<4x2x200xi32, #tpu.memory_space<vmem>> -> memref<1x1x72xi32, #tpu.memory_space<vmem>>
      %dma_start3A_1451 = tpu.memref_squeeze %dma_start3A_1450 : memref<1x1x72xi32, #tpu.memory_space<vmem>> -> memref<72xi32, #tpu.memory_space<vmem>>
      %dma_start3A_1452 = arith.constant 0 : i32
      %dma_start3A_1453 = arith.constant 0 : i32
      %dma_start3A_1454 = tpu.memref_slice %arg3[%dma_start3A_1452, %dma_start3A_1453] : memref<100000x64xf32, #tpu.memory_space<hbm>> -> memref<100000x64xf32, #tpu.memory_space<hbm>>
      tpu.enqueue_indirect_dma source(%dma_start3A_1454 : memref<100000x64xf32, #tpu.memory_space<hbm>>) target(%dma_start3A_1448 : memref<72x64xf32, #tpu.memory_space<vmem>>) offsets(%dma_start3A_1451 : memref<72xi32, #tpu.memory_space<vmem>>) semaphore(%arg11 : memref<!tpu.dma_semaphore, #tpu.memory_space<semaphore_mem>>)
      %dma_wait3A_1455 = arith.constant 3 : i32
      %dma_wait3A_1456 = arith.constant 0 : i32
      %dma_wait3A_1457 = arith.constant 1 : i32
      %dma_wait3A_1458 = arith.constant 0 : i32
      %dma_wait3A_1459 = arith.constant 0 : i32
      %dma_wait3A_1460 = arith.constant 0 : i32
      %dma_wait3A_1461 = tpu.memref_slice %arg6[%dma_wait3A_1457, %dma_wait3A_1458, %dma_wait3A_1459, %dma_wait3A_1460] : memref<2x2x200x64xf32, #tpu.memory_space<vmem>> -> memref<1x1x128x64xf32, #tpu.memory_space<vmem>>
      %dma_wait3A_1462 = tpu.memref_squeeze %dma_wait3A_1461 : memref<1x1x128x64xf32, #tpu.memory_space<vmem>> -> memref<128x64xf32, #tpu.memory_space<vmem>>
      %dma_wait3A_1463 = arith.constant 0 : i32
      %dma_wait3A_1464 = tpu.memref_slice %arg5[%dma_wait3A_1455, %dma_wait3A_1456, %dma_wait3A_1463] : memref<4x2x200xi32, #tpu.memory_space<vmem>> -> memref<1x1x128xi32, #tpu.memory_space<vmem>>
      %dma_wait3A_1465 = tpu.memref_squeeze %dma_wait3A_1464 : memref<1x1x128xi32, #tpu.memory_space<vmem>> -> memref<128xi32, #tpu.memory_space<vmem>>
      %dma_wait3A_1466 = arith.constant 0 : i32
      %dma_wait3A_1467 = arith.constant 0 : i32
      %dma_wait3A_1468 = tpu.memref_slice %arg3[%dma_wait3A_1466, %dma_wait3A_1467] : memref<100000x64xf32, #tpu.memory_space<hbm>> -> memref<100000x64xf32, #tpu.memory_space<hbm>>
      tpu.wait_indirect_dma semaphore(%arg12 : memref<!tpu.dma_semaphore, #tpu.memory_space<semaphore_mem>>) src(%dma_wait3A_1468 : memref<100000x64xf32, #tpu.memory_space<hbm>>) dst(%dma_wait3A_1462 : memref<128x64xf32, #tpu.memory_space<vmem>>)
      %dma_wait3A_1469 = arith.constant 3 : i32
      %dma_wait3A_1470 = arith.constant 0 : i32
      %dma_wait3A_1471 = arith.constant 1 : i32
      %dma_wait3A_1472 = arith.constant 0 : i32
      %dma_wait3A_1473 = arith.constant 128 : i32
      %dma_wait3A_1474 = arith.constant 0 : i32
      %dma_wait3A_1475 = tpu.memref_slice %arg6[%dma_wait3A_1471, %dma_wait3A_1472, %dma_wait3A_1473, %dma_wait3A_1474] : memref<2x2x200x64xf32, #tpu.memory_space<vmem>> -> memref<1x1x72x64xf32, #tpu.memory_space<vmem>>
      %dma_wait3A_1476 = tpu.memref_squeeze %dma_wait3A_1475 : memref<1x1x72x64xf32, #tpu.memory_space<vmem>> -> memref<72x64xf32, #tpu.memory_space<vmem>>
      %dma_wait3A_1477 = arith.constant 128 : i32
      %dma_wait3A_1478 = tpu.memref_slice %arg5[%dma_wait3A_1469, %dma_wait3A_1470, %dma_wait3A_1477] : memref<4x2x200xi32, #tpu.memory_space<vmem>> -> memref<1x1x72xi32, #tpu.memory_space<vmem>>
      %dma_wait3A_1479 = tpu.memref_squeeze %dma_wait3A_1478 : memref<1x1x72xi32, #tpu.memory_space<vmem>> -> memref<72xi32, #tpu.memory_space<vmem>>
      %dma_wait3A_1480 = arith.constant 0 : i32
      %dma_wait3A_1481 = arith.constant 0 : i32
      %dma_wait3A_1482 = tpu.memref_slice %arg3[%dma_wait3A_1480, %dma_wait3A_1481] : memref<100000x64xf32, #tpu.memory_space<hbm>> -> memref<100000x64xf32, #tpu.memory_space<hbm>>
      tpu.wait_indirect_dma semaphore(%arg12 : memref<!tpu.dma_semaphore, #tpu.memory_space<semaphore_mem>>) src(%dma_wait3A_1482 : memref<100000x64xf32, #tpu.memory_space<hbm>>) dst(%dma_wait3A_1476 : memref<72x64xf32, #tpu.memory_space<vmem>>)
      %dma_wait3A_1483 = arith.constant 3 : i32
      %dma_wait3A_1484 = arith.constant 1 : i32
      %dma_wait3A_1485 = arith.constant 1 : i32
      %dma_wait3A_1486 = arith.constant 1 : i32
      %dma_wait3A_1487 = arith.constant 0 : i32
      %dma_wait3A_1488 = arith.constant 0 : i32
      %dma_wait3A_1489 = tpu.memref_slice %arg6[%dma_wait3A_1485, %dma_wait3A_1486, %dma_wait3A_1487, %dma_wait3A_1488] : memref<2x2x200x64xf32, #tpu.memory_space<vmem>> -> memref<1x1x128x64xf32, #tpu.memory_space<vmem>>
      %dma_wait3A_1490 = tpu.memref_squeeze %dma_wait3A_1489 : memref<1x1x128x64xf32, #tpu.memory_space<vmem>> -> memref<128x64xf32, #tpu.memory_space<vmem>>
      %dma_wait3A_1491 = arith.constant 0 : i32
      %dma_wait3A_1492 = tpu.memref_slice %arg5[%dma_wait3A_1483, %dma_wait3A_1484, %dma_wait3A_1491] : memref<4x2x200xi32, #tpu.memory_space<vmem>> -> memref<1x1x128xi32, #tpu.memory_space<vmem>>
      %dma_wait3A_1493 = tpu.memref_squeeze %dma_wait3A_1492 : memref<1x1x128xi32, #tpu.memory_space<vmem>> -> memref<128xi32, #tpu.memory_space<vmem>>
      %dma_wait3A_1494 = arith.constant 0 : i32
      %dma_wait3A_1495 = arith.constant 0 : i32
      %dma_wait3A_1496 = tpu.memref_slice %arg3[%dma_wait3A_1494, %dma_wait3A_1495] : memref<100000x64xf32, #tpu.memory_space<hbm>> -> memref<100000x64xf32, #tpu.memory_space<hbm>>
      tpu.wait_indirect_dma semaphore(%arg12 : memref<!tpu.dma_semaphore, #tpu.memory_space<semaphore_mem>>) src(%dma_wait3A_1496 : memref<100000x64xf32, #tpu.memory_space<hbm>>) dst(%dma_wait3A_1490 : memref<128x64xf32, #tpu.memory_space<vmem>>)
      %dma_wait3A_1497 = arith.constant 3 : i32
      %dma_wait3A_1498 = arith.constant 1 : i32
      %dma_wait3A_1499 = arith.constant 1 : i32
      %dma_wait3A_1500 = arith.constant 1 : i32
      %dma_wait3A_1501 = arith.constant 128 : i32
      %dma_wait3A_1502 = arith.constant 0 : i32
      %dma_wait3A_1503 = tpu.memref_slice %arg6[%dma_wait3A_1499, %dma_wait3A_1500, %dma_wait3A_1501, %dma_wait3A_1502] : memref<2x2x200x64xf32, #tpu.memory_space<vmem>> -> memref<1x1x72x64xf32, #tpu.memory_space<vmem>>
      %dma_wait3A_1504 = tpu.memref_squeeze %dma_wait3A_1503 : memref<1x1x72x64xf32, #tpu.memory_space<vmem>> -> memref<72x64xf32, #tpu.memory_space<vmem>>
      %dma_wait3A_1505 = arith.constant 128 : i32
      %dma_wait3A_1506 = tpu.memref_slice %arg5[%dma_wait3A_1497, %dma_wait3A_1498, %dma_wait3A_1505] : memref<4x2x200xi32, #tpu.memory_space<vmem>> -> memref<1x1x72xi32, #tpu.memory_space<vmem>>
      %dma_wait3A_1507 = tpu.memref_squeeze %dma_wait3A_1506 : memref<1x1x72xi32, #tpu.memory_space<vmem>> -> memref<72xi32, #tpu.memory_space<vmem>>
      %dma_wait3A_1508 = arith.constant 0 : i32
      %dma_wait3A_1509 = arith.constant 0 : i32
      %dma_wait3A_1510 = tpu.memref_slice %arg3[%dma_wait3A_1508, %dma_wait3A_1509] : memref<100000x64xf32, #tpu.memory_space<hbm>> -> memref<100000x64xf32, #tpu.memory_space<hbm>>
      tpu.wait_indirect_dma semaphore(%arg12 : memref<!tpu.dma_semaphore, #tpu.memory_space<semaphore_mem>>) src(%dma_wait3A_1510 : memref<100000x64xf32, #tpu.memory_space<hbm>>) dst(%dma_wait3A_1504 : memref<72x64xf32, #tpu.memory_space<vmem>>)
      %sub3A_1511 = arith.constant 1 : i32
      %sub3A_1512 = arith.subi %add3A_1349, %sub3A_1511 : i32
      %add3A_1513 = arith.addi %mul3A_4, %sub3A_1512 : i32
      %dma_start3A_1514 = arith.constant 1 : i32
      %dma_start3A_1515 = arith.constant 0 : i32
      %dma_start3A_1516 = arith.constant 0 : i32
      %dma_start3A_1517 = arith.constant 0 : i32
      %dma_start3A_1518 = tpu.memref_slice %arg6[%dma_start3A_1514, %dma_start3A_1515, %dma_start3A_1516, %dma_start3A_1517] : memref<2x2x200x64xf32, #tpu.memory_space<vmem>> -> memref<1x1x200x64xf32, #tpu.memory_space<vmem>>
      %dma_start3A_1519 = tpu.memref_squeeze %dma_start3A_1518 : memref<1x1x200x64xf32, #tpu.memory_space<vmem>> -> memref<200x64xf32, #tpu.memory_space<vmem>>
      %dma_start3A_1520 = arith.constant 0 : i32
      %dma_start3A_1521 = arith.constant 0 : i32
      %dma_start3A_1522 = tpu.memref_slice %arg4[%add3A_1513, %dma_start3A_1520, %dma_start3A_1521] : memref<8192x200x128xf32, #tpu.memory_space<hbm>> -> memref<1x200x64xf32, #tpu.memory_space<hbm>>
      %dma_start3A_1523 = tpu.memref_squeeze %dma_start3A_1522 : memref<1x200x64xf32, #tpu.memory_space<hbm>> -> memref<200x64xf32, #tpu.memory_space<hbm>>
      %dma_start3A_1524 = arith.constant 0 : i32
      %dma_start3A_1525 = arith.constant 0 : i32
      %dma_start3A_1526 = tpu.memref_slice %arg4[%add3A_1513, %dma_start3A_1524, %dma_start3A_1525] : memref<8192x200x128xf32, #tpu.memory_space<hbm>> -> memref<1x200x64xf32, #tpu.memory_space<hbm>>
      %dma_start3A_1527 = tpu.memref_squeeze %dma_start3A_1526 : memref<1x200x64xf32, #tpu.memory_space<hbm>> -> memref<200x64xf32, #tpu.memory_space<hbm>>
      %dma_start3A_1528 = arith.constant 0 : i32
      %dma_start3A_1529 = arith.constant 0 : i32
      %dma_start3A_1530 = tpu.memref_slice %arg6[%dma_start3A_1514, %dma_start3A_1515, %dma_start3A_1528, %dma_start3A_1529] : memref<2x2x200x64xf32, #tpu.memory_space<vmem>> -> memref<1x1x200x64xf32, #tpu.memory_space<vmem>>
      %dma_start3A_1531 = tpu.memref_squeeze %dma_start3A_1530 : memref<1x1x200x64xf32, #tpu.memory_space<vmem>> -> memref<200x64xf32, #tpu.memory_space<vmem>>
      tpu.enqueue_dma source(%dma_start3A_1531 : memref<200x64xf32, #tpu.memory_space<vmem>>) target(%dma_start3A_1527 : memref<200x64xf32, #tpu.memory_space<hbm>>) target_semaphore(%arg14 : memref<!tpu.dma_semaphore, #tpu.memory_space<semaphore_mem>>)
      %add3A_1532 = arith.addi %mul3A_4, %sub3A_1512 : i32
      %dma_start3A_1533 = arith.constant 1 : i32
      %dma_start3A_1534 = arith.constant 1 : i32
      %dma_start3A_1535 = arith.constant 0 : i32
      %dma_start3A_1536 = arith.constant 0 : i32
      %dma_start3A_1537 = tpu.memref_slice %arg6[%dma_start3A_1533, %dma_start3A_1534, %dma_start3A_1535, %dma_start3A_1536] : memref<2x2x200x64xf32, #tpu.memory_space<vmem>> -> memref<1x1x200x64xf32, #tpu.memory_space<vmem>>
      %dma_start3A_1538 = tpu.memref_squeeze %dma_start3A_1537 : memref<1x1x200x64xf32, #tpu.memory_space<vmem>> -> memref<200x64xf32, #tpu.memory_space<vmem>>
      %dma_start3A_1539 = arith.constant 0 : i32
      %dma_start3A_1540 = arith.constant 64 : i32
      %dma_start3A_1541 = tpu.memref_slice %arg4[%add3A_1532, %dma_start3A_1539, %dma_start3A_1540] : memref<8192x200x128xf32, #tpu.memory_space<hbm>> -> memref<1x200x64xf32, #tpu.memory_space<hbm>>
      %dma_start3A_1542 = tpu.memref_squeeze %dma_start3A_1541 : memref<1x200x64xf32, #tpu.memory_space<hbm>> -> memref<200x64xf32, #tpu.memory_space<hbm>>
      %dma_start3A_1543 = arith.constant 0 : i32
      %dma_start3A_1544 = arith.constant 64 : i32
      %dma_start3A_1545 = tpu.memref_slice %arg4[%add3A_1532, %dma_start3A_1543, %dma_start3A_1544] : memref<8192x200x128xf32, #tpu.memory_space<hbm>> -> memref<1x200x64xf32, #tpu.memory_space<hbm>>
      %dma_start3A_1546 = tpu.memref_squeeze %dma_start3A_1545 : memref<1x200x64xf32, #tpu.memory_space<hbm>> -> memref<200x64xf32, #tpu.memory_space<hbm>>
      %dma_start3A_1547 = arith.constant 0 : i32
      %dma_start3A_1548 = arith.constant 0 : i32
      %dma_start3A_1549 = tpu.memref_slice %arg6[%dma_start3A_1533, %dma_start3A_1534, %dma_start3A_1547, %dma_start3A_1548] : memref<2x2x200x64xf32, #tpu.memory_space<vmem>> -> memref<1x1x200x64xf32, #tpu.memory_space<vmem>>
      %dma_start3A_1550 = tpu.memref_squeeze %dma_start3A_1549 : memref<1x1x200x64xf32, #tpu.memory_space<vmem>> -> memref<200x64xf32, #tpu.memory_space<vmem>>
      tpu.enqueue_dma source(%dma_start3A_1550 : memref<200x64xf32, #tpu.memory_space<vmem>>) target(%dma_start3A_1546 : memref<200x64xf32, #tpu.memory_space<hbm>>) target_semaphore(%arg14 : memref<!tpu.dma_semaphore, #tpu.memory_space<semaphore_mem>>)
      %add3A_1551 = arith.constant 3 : i32
      %add3A_1552 = arith.addi %add3A_1349, %add3A_1551 : i32
      %rem3A_1553 = arith.constant 256 : i32
      %rem3A_1554 = arith.remsi %add3A_1552, %rem3A_1553 : i32
      %mul3A_1555 = arith.constant 2 : i32
      %mul3A_1556 = arith.muli %rem3A_1554, %mul3A_1555 : i32
      %add3A_1557 = arith.addi %mul3A_2, %mul3A_1556 : i32
      %dma_start3A_1558 = arith.constant 3 : i32
      %dma_start3A_1559 = arith.constant 0 : i32
      %dma_start3A_1560 = arith.constant 0 : i32
      %dma_start3A_1561 = tpu.memref_slice %arg5[%dma_start3A_1558, %dma_start3A_1559, %dma_start3A_1560] : memref<4x2x200xi32, #tpu.memory_space<vmem>> -> memref<1x2x200xi32, #tpu.memory_space<vmem>>
      %dma_start3A_1562 = tpu.memref_squeeze %dma_start3A_1561 : memref<1x2x200xi32, #tpu.memory_space<vmem>> -> memref<2x200xi32, #tpu.memory_space<vmem>>
      %dma_start3A_1563 = arith.constant 0 : i32
      %dma_start3A_1564 = tpu.memref_slice %arg2[%add3A_1557, %dma_start3A_1563] : memref<16384x200xi32, #tpu.memory_space<hbm>> -> memref<2x200xi32, #tpu.memory_space<hbm>>
      %dma_start3A_1565 = arith.constant 0 : i32
      %dma_start3A_1566 = arith.constant 0 : i32
      %dma_start3A_1567 = tpu.memref_slice %arg5[%dma_start3A_1558, %dma_start3A_1565, %dma_start3A_1566] : memref<4x2x200xi32, #tpu.memory_space<vmem>> -> memref<1x2x200xi32, #tpu.memory_space<vmem>>
      %dma_start3A_1568 = tpu.memref_squeeze %dma_start3A_1567 : memref<1x2x200xi32, #tpu.memory_space<vmem>> -> memref<2x200xi32, #tpu.memory_space<vmem>>
      %dma_start3A_1569 = arith.constant 0 : i32
      %dma_start3A_1570 = tpu.memref_slice %arg2[%add3A_1557, %dma_start3A_1569] : memref<16384x200xi32, #tpu.memory_space<hbm>> -> memref<2x200xi32, #tpu.memory_space<hbm>>
      tpu.enqueue_dma source(%dma_start3A_1570 : memref<2x200xi32, #tpu.memory_space<hbm>>) target(%dma_start3A_1568 : memref<2x200xi32, #tpu.memory_space<vmem>>) target_semaphore(%arg10 : memref<!tpu.dma_semaphore, #tpu.memory_space<semaphore_mem>>)
      %add3A_1571 = arith.constant 3 : i32
      %add3A_1572 = arith.addi %add3A_903, %add3A_1571 : i32
      %dma_wait3A_1573 = arith.constant 1 : i32
      %dma_wait3A_1574 = arith.constant 0 : i32
      %dma_wait3A_1575 = arith.constant 0 : i32
      %dma_wait3A_1576 = arith.constant 0 : i32
      %dma_wait3A_1577 = tpu.memref_slice %arg6[%dma_wait3A_1573, %dma_wait3A_1574, %dma_wait3A_1575, %dma_wait3A_1576] : memref<2x2x200x64xf32, #tpu.memory_space<vmem>> -> memref<1x1x200x64xf32, #tpu.memory_space<vmem>>
      %dma_wait3A_1578 = tpu.memref_squeeze %dma_wait3A_1577 : memref<1x1x200x64xf32, #tpu.memory_space<vmem>> -> memref<200x64xf32, #tpu.memory_space<vmem>>
      %dma_wait3A_1579 = arith.constant 0 : i32
      %dma_wait3A_1580 = arith.constant 0 : i32
      %dma_wait3A_1581 = tpu.memref_slice %arg4[%mul3A_4, %dma_wait3A_1579, %dma_wait3A_1580] : memref<8192x200x128xf32, #tpu.memory_space<hbm>> -> memref<1x200x64xf32, #tpu.memory_space<hbm>>
      %dma_wait3A_1582 = tpu.memref_squeeze %dma_wait3A_1581 : memref<1x200x64xf32, #tpu.memory_space<hbm>> -> memref<200x64xf32, #tpu.memory_space<hbm>>
      %dma_wait3A_1583 = arith.constant 0 : i32
      %dma_wait3A_1584 = arith.constant 0 : i32
      %dma_wait3A_1585 = tpu.memref_slice %arg4[%mul3A_4, %dma_wait3A_1583, %dma_wait3A_1584] : memref<8192x200x128xf32, #tpu.memory_space<hbm>> -> memref<1x200x64xf32, #tpu.memory_space<hbm>>
      %dma_wait3A_1586 = tpu.memref_squeeze %dma_wait3A_1585 : memref<1x200x64xf32, #tpu.memory_space<hbm>> -> memref<200x64xf32, #tpu.memory_space<hbm>>
      %dma_wait3A_1587 = arith.constant 0 : i32
      %dma_wait3A_1588 = arith.constant 0 : i32
      %dma_wait3A_1589 = tpu.memref_slice %arg6[%dma_wait3A_1573, %dma_wait3A_1574, %dma_wait3A_1587, %dma_wait3A_1588] : memref<2x2x200x64xf32, #tpu.memory_space<vmem>> -> memref<1x1x200x64xf32, #tpu.memory_space<vmem>>
      %dma_wait3A_1590 = tpu.memref_squeeze %dma_wait3A_1589 : memref<1x1x200x64xf32, #tpu.memory_space<vmem>> -> memref<200x64xf32, #tpu.memory_space<vmem>>
      tpu.wait_dma2 semaphore(%arg14 : memref<!tpu.dma_semaphore, #tpu.memory_space<semaphore_mem>>) src(%dma_wait3A_1590 : memref<200x64xf32, #tpu.memory_space<vmem>>) dst(%dma_wait3A_1586 : memref<200x64xf32, #tpu.memory_space<hbm>>)
      %dma_wait3A_1591 = arith.constant 1 : i32
      %dma_wait3A_1592 = arith.constant 1 : i32
      %dma_wait3A_1593 = arith.constant 0 : i32
      %dma_wait3A_1594 = arith.constant 0 : i32
      %dma_wait3A_1595 = tpu.memref_slice %arg6[%dma_wait3A_1591, %dma_wait3A_1592, %dma_wait3A_1593, %dma_wait3A_1594] : memref<2x2x200x64xf32, #tpu.memory_space<vmem>> -> memref<1x1x200x64xf32, #tpu.memory_space<vmem>>
      %dma_wait3A_1596 = tpu.memref_squeeze %dma_wait3A_1595 : memref<1x1x200x64xf32, #tpu.memory_space<vmem>> -> memref<200x64xf32, #tpu.memory_space<vmem>>
      %dma_wait3A_1597 = arith.constant 0 : i32
      %dma_wait3A_1598 = arith.constant 64 : i32
      %dma_wait3A_1599 = tpu.memref_slice %arg4[%mul3A_4, %dma_wait3A_1597, %dma_wait3A_1598] : memref<8192x200x128xf32, #tpu.memory_space<hbm>> -> memref<1x200x64xf32, #tpu.memory_space<hbm>>
      %dma_wait3A_1600 = tpu.memref_squeeze %dma_wait3A_1599 : memref<1x200x64xf32, #tpu.memory_space<hbm>> -> memref<200x64xf32, #tpu.memory_space<hbm>>
      %dma_wait3A_1601 = arith.constant 0 : i32
      %dma_wait3A_1602 = arith.constant 64 : i32
      %dma_wait3A_1603 = tpu.memref_slice %arg4[%mul3A_4, %dma_wait3A_1601, %dma_wait3A_1602] : memref<8192x200x128xf32, #tpu.memory_space<hbm>> -> memref<1x200x64xf32, #tpu.memory_space<hbm>>
      %dma_wait3A_1604 = tpu.memref_squeeze %dma_wait3A_1603 : memref<1x200x64xf32, #tpu.memory_space<hbm>> -> memref<200x64xf32, #tpu.memory_space<hbm>>
      %dma_wait3A_1605 = arith.constant 0 : i32
      %dma_wait3A_1606 = arith.constant 0 : i32
      %dma_wait3A_1607 = tpu.memref_slice %arg6[%dma_wait3A_1591, %dma_wait3A_1592, %dma_wait3A_1605, %dma_wait3A_1606] : memref<2x2x200x64xf32, #tpu.memory_space<vmem>> -> memref<1x1x200x64xf32, #tpu.memory_space<vmem>>
      %dma_wait3A_1608 = tpu.memref_squeeze %dma_wait3A_1607 : memref<1x1x200x64xf32, #tpu.memory_space<vmem>> -> memref<200x64xf32, #tpu.memory_space<vmem>>
      tpu.wait_dma2 semaphore(%arg14 : memref<!tpu.dma_semaphore, #tpu.memory_space<semaphore_mem>>) src(%dma_wait3A_1608 : memref<200x64xf32, #tpu.memory_space<vmem>>) dst(%dma_wait3A_1604 : memref<200x64xf32, #tpu.memory_space<hbm>>)
      %dma_wait3A_1609 = arith.constant 1 : i32
      %dma_wait3A_1610 = arith.constant 0 : i32
      %dma_wait3A_1611 = arith.constant 0 : i32
      %dma_wait3A_1612 = tpu.memref_slice %arg5[%dma_wait3A_1609, %dma_wait3A_1610, %dma_wait3A_1611] : memref<4x2x200xi32, #tpu.memory_space<vmem>> -> memref<1x2x200xi32, #tpu.memory_space<vmem>>
      %dma_wait3A_1613 = tpu.memref_squeeze %dma_wait3A_1612 : memref<1x2x200xi32, #tpu.memory_space<vmem>> -> memref<2x200xi32, #tpu.memory_space<vmem>>
      %dma_wait3A_1614 = arith.constant 0 : i32
      %dma_wait3A_1615 = tpu.memref_slice %arg2[%mul3A_2, %dma_wait3A_1614] : memref<16384x200xi32, #tpu.memory_space<hbm>> -> memref<2x200xi32, #tpu.memory_space<hbm>>
      %dma_wait3A_1616 = arith.constant 0 : i32
      %dma_wait3A_1617 = arith.constant 0 : i32
      %dma_wait3A_1618 = tpu.memref_slice %arg5[%dma_wait3A_1609, %dma_wait3A_1616, %dma_wait3A_1617] : memref<4x2x200xi32, #tpu.memory_space<vmem>> -> memref<1x2x200xi32, #tpu.memory_space<vmem>>
      %dma_wait3A_1619 = tpu.memref_squeeze %dma_wait3A_1618 : memref<1x2x200xi32, #tpu.memory_space<vmem>> -> memref<2x200xi32, #tpu.memory_space<vmem>>
      %dma_wait3A_1620 = arith.constant 0 : i32
      %dma_wait3A_1621 = tpu.memref_slice %arg2[%mul3A_2, %dma_wait3A_1620] : memref<16384x200xi32, #tpu.memory_space<hbm>> -> memref<2x200xi32, #tpu.memory_space<hbm>>
      tpu.wait_dma2 semaphore(%arg8 : memref<!tpu.dma_semaphore, #tpu.memory_space<semaphore_mem>>) src(%dma_wait3A_1621 : memref<2x200xi32, #tpu.memory_space<hbm>>) dst(%dma_wait3A_1619 : memref<2x200xi32, #tpu.memory_space<vmem>>)
      %dma_start3A_1622 = arith.constant 1 : i32
      %dma_start3A_1623 = arith.constant 0 : i32
      %dma_start3A_1624 = arith.constant 1 : i32
      %dma_start3A_1625 = arith.constant 0 : i32
      %dma_start3A_1626 = arith.constant 0 : i32
      %dma_start3A_1627 = arith.constant 0 : i32
      %dma_start3A_1628 = tpu.memref_slice %arg6[%dma_start3A_1624, %dma_start3A_1625, %dma_start3A_1626, %dma_start3A_1627] : memref<2x2x200x64xf32, #tpu.memory_space<vmem>> -> memref<1x1x128x64xf32, #tpu.memory_space<vmem>>
      %dma_start3A_1629 = tpu.memref_squeeze %dma_start3A_1628 : memref<1x1x128x64xf32, #tpu.memory_space<vmem>> -> memref<128x64xf32, #tpu.memory_space<vmem>>
      %dma_start3A_1630 = arith.constant 0 : i32
      %dma_start3A_1631 = tpu.memref_slice %arg5[%dma_start3A_1622, %dma_start3A_1623, %dma_start3A_1630] : memref<4x2x200xi32, #tpu.memory_space<vmem>> -> memref<1x1x128xi32, #tpu.memory_space<vmem>>
      %dma_start3A_1632 = tpu.memref_squeeze %dma_start3A_1631 : memref<1x1x128xi32, #tpu.memory_space<vmem>> -> memref<128xi32, #tpu.memory_space<vmem>>
      %dma_start3A_1633 = arith.constant 0 : i32
      %dma_start3A_1634 = arith.constant 0 : i32
      %dma_start3A_1635 = tpu.memref_slice %arg3[%dma_start3A_1633, %dma_start3A_1634] : memref<100000x64xf32, #tpu.memory_space<hbm>> -> memref<100000x64xf32, #tpu.memory_space<hbm>>
      tpu.enqueue_indirect_dma source(%dma_start3A_1635 : memref<100000x64xf32, #tpu.memory_space<hbm>>) target(%dma_start3A_1629 : memref<128x64xf32, #tpu.memory_space<vmem>>) offsets(%dma_start3A_1632 : memref<128xi32, #tpu.memory_space<vmem>>) semaphore(%arg12 : memref<!tpu.dma_semaphore, #tpu.memory_space<semaphore_mem>>)
      %dma_start3A_1636 = arith.constant 1 : i32
      %dma_start3A_1637 = arith.constant 0 : i32
      %dma_start3A_1638 = arith.constant 1 : i32
      %dma_start3A_1639 = arith.constant 0 : i32
      %dma_start3A_1640 = arith.constant 128 : i32
      %dma_start3A_1641 = arith.constant 0 : i32
      %dma_start3A_1642 = tpu.memref_slice %arg6[%dma_start3A_1638, %dma_start3A_1639, %dma_start3A_1640, %dma_start3A_1641] : memref<2x2x200x64xf32, #tpu.memory_space<vmem>> -> memref<1x1x72x64xf32, #tpu.memory_space<vmem>>
      %dma_start3A_1643 = tpu.memref_squeeze %dma_start3A_1642 : memref<1x1x72x64xf32, #tpu.memory_space<vmem>> -> memref<72x64xf32, #tpu.memory_space<vmem>>
      %dma_start3A_1644 = arith.constant 128 : i32
      %dma_start3A_1645 = tpu.memref_slice %arg5[%dma_start3A_1636, %dma_start3A_1637, %dma_start3A_1644] : memref<4x2x200xi32, #tpu.memory_space<vmem>> -> memref<1x1x72xi32, #tpu.memory_space<vmem>>
      %dma_start3A_1646 = tpu.memref_squeeze %dma_start3A_1645 : memref<1x1x72xi32, #tpu.memory_space<vmem>> -> memref<72xi32, #tpu.memory_space<vmem>>
      %dma_start3A_1647 = arith.constant 0 : i32
      %dma_start3A_1648 = arith.constant 0 : i32
      %dma_start3A_1649 = tpu.memref_slice %arg3[%dma_start3A_1647, %dma_start3A_1648] : memref<100000x64xf32, #tpu.memory_space<hbm>> -> memref<100000x64xf32, #tpu.memory_space<hbm>>
      tpu.enqueue_indirect_dma source(%dma_start3A_1649 : memref<100000x64xf32, #tpu.memory_space<hbm>>) target(%dma_start3A_1643 : memref<72x64xf32, #tpu.memory_space<vmem>>) offsets(%dma_start3A_1646 : memref<72xi32, #tpu.memory_space<vmem>>) semaphore(%arg12 : memref<!tpu.dma_semaphore, #tpu.memory_space<semaphore_mem>>)
      %dma_start3A_1650 = arith.constant 1 : i32
      %dma_start3A_1651 = arith.constant 1 : i32
      %dma_start3A_1652 = arith.constant 1 : i32
      %dma_start3A_1653 = arith.constant 1 : i32
      %dma_start3A_1654 = arith.constant 0 : i32
      %dma_start3A_1655 = arith.constant 0 : i32
      %dma_start3A_1656 = tpu.memref_slice %arg6[%dma_start3A_1652, %dma_start3A_1653, %dma_start3A_1654, %dma_start3A_1655] : memref<2x2x200x64xf32, #tpu.memory_space<vmem>> -> memref<1x1x128x64xf32, #tpu.memory_space<vmem>>
      %dma_start3A_1657 = tpu.memref_squeeze %dma_start3A_1656 : memref<1x1x128x64xf32, #tpu.memory_space<vmem>> -> memref<128x64xf32, #tpu.memory_space<vmem>>
      %dma_start3A_1658 = arith.constant 0 : i32
      %dma_start3A_1659 = tpu.memref_slice %arg5[%dma_start3A_1650, %dma_start3A_1651, %dma_start3A_1658] : memref<4x2x200xi32, #tpu.memory_space<vmem>> -> memref<1x1x128xi32, #tpu.memory_space<vmem>>
      %dma_start3A_1660 = tpu.memref_squeeze %dma_start3A_1659 : memref<1x1x128xi32, #tpu.memory_space<vmem>> -> memref<128xi32, #tpu.memory_space<vmem>>
      %dma_start3A_1661 = arith.constant 0 : i32
      %dma_start3A_1662 = arith.constant 0 : i32
      %dma_start3A_1663 = tpu.memref_slice %arg3[%dma_start3A_1661, %dma_start3A_1662] : memref<100000x64xf32, #tpu.memory_space<hbm>> -> memref<100000x64xf32, #tpu.memory_space<hbm>>
      tpu.enqueue_indirect_dma source(%dma_start3A_1663 : memref<100000x64xf32, #tpu.memory_space<hbm>>) target(%dma_start3A_1657 : memref<128x64xf32, #tpu.memory_space<vmem>>) offsets(%dma_start3A_1660 : memref<128xi32, #tpu.memory_space<vmem>>) semaphore(%arg12 : memref<!tpu.dma_semaphore, #tpu.memory_space<semaphore_mem>>)
      %dma_start3A_1664 = arith.constant 1 : i32
      %dma_start3A_1665 = arith.constant 1 : i32
      %dma_start3A_1666 = arith.constant 1 : i32
      %dma_start3A_1667 = arith.constant 1 : i32
      %dma_start3A_1668 = arith.constant 128 : i32
      %dma_start3A_1669 = arith.constant 0 : i32
      %dma_start3A_1670 = tpu.memref_slice %arg6[%dma_start3A_1666, %dma_start3A_1667, %dma_start3A_1668, %dma_start3A_1669] : memref<2x2x200x64xf32, #tpu.memory_space<vmem>> -> memref<1x1x72x64xf32, #tpu.memory_space<vmem>>
      %dma_start3A_1671 = tpu.memref_squeeze %dma_start3A_1670 : memref<1x1x72x64xf32, #tpu.memory_space<vmem>> -> memref<72x64xf32, #tpu.memory_space<vmem>>
      %dma_start3A_1672 = arith.constant 128 : i32
      %dma_start3A_1673 = tpu.memref_slice %arg5[%dma_start3A_1664, %dma_start3A_1665, %dma_start3A_1672] : memref<4x2x200xi32, #tpu.memory_space<vmem>> -> memref<1x1x72xi32, #tpu.memory_space<vmem>>
      %dma_start3A_1674 = tpu.memref_squeeze %dma_start3A_1673 : memref<1x1x72xi32, #tpu.memory_space<vmem>> -> memref<72xi32, #tpu.memory_space<vmem>>
      %dma_start3A_1675 = arith.constant 0 : i32
      %dma_start3A_1676 = arith.constant 0 : i32
      %dma_start3A_1677 = tpu.memref_slice %arg3[%dma_start3A_1675, %dma_start3A_1676] : memref<100000x64xf32, #tpu.memory_space<hbm>> -> memref<100000x64xf32, #tpu.memory_space<hbm>>
      tpu.enqueue_indirect_dma source(%dma_start3A_1677 : memref<100000x64xf32, #tpu.memory_space<hbm>>) target(%dma_start3A_1671 : memref<72x64xf32, #tpu.memory_space<vmem>>) offsets(%dma_start3A_1674 : memref<72xi32, #tpu.memory_space<vmem>>) semaphore(%arg12 : memref<!tpu.dma_semaphore, #tpu.memory_space<semaphore_mem>>)
      %dma_wait3A_1678 = arith.constant 0 : i32
      %dma_wait3A_1679 = arith.constant 0 : i32
      %dma_wait3A_1680 = arith.constant 0 : i32
      %dma_wait3A_1681 = arith.constant 0 : i32
      %dma_wait3A_1682 = arith.constant 0 : i32
      %dma_wait3A_1683 = arith.constant 0 : i32
      %dma_wait3A_1684 = tpu.memref_slice %arg6[%dma_wait3A_1680, %dma_wait3A_1681, %dma_wait3A_1682, %dma_wait3A_1683] : memref<2x2x200x64xf32, #tpu.memory_space<vmem>> -> memref<1x1x128x64xf32, #tpu.memory_space<vmem>>
      %dma_wait3A_1685 = tpu.memref_squeeze %dma_wait3A_1684 : memref<1x1x128x64xf32, #tpu.memory_space<vmem>> -> memref<128x64xf32, #tpu.memory_space<vmem>>
      %dma_wait3A_1686 = arith.constant 0 : i32
      %dma_wait3A_1687 = tpu.memref_slice %arg5[%dma_wait3A_1678, %dma_wait3A_1679, %dma_wait3A_1686] : memref<4x2x200xi32, #tpu.memory_space<vmem>> -> memref<1x1x128xi32, #tpu.memory_space<vmem>>
      %dma_wait3A_1688 = tpu.memref_squeeze %dma_wait3A_1687 : memref<1x1x128xi32, #tpu.memory_space<vmem>> -> memref<128xi32, #tpu.memory_space<vmem>>
      %dma_wait3A_1689 = arith.constant 0 : i32
      %dma_wait3A_1690 = arith.constant 0 : i32
      %dma_wait3A_1691 = tpu.memref_slice %arg3[%dma_wait3A_1689, %dma_wait3A_1690] : memref<100000x64xf32, #tpu.memory_space<hbm>> -> memref<100000x64xf32, #tpu.memory_space<hbm>>
      tpu.wait_indirect_dma semaphore(%arg11 : memref<!tpu.dma_semaphore, #tpu.memory_space<semaphore_mem>>) src(%dma_wait3A_1691 : memref<100000x64xf32, #tpu.memory_space<hbm>>) dst(%dma_wait3A_1685 : memref<128x64xf32, #tpu.memory_space<vmem>>)
      %dma_wait3A_1692 = arith.constant 0 : i32
      %dma_wait3A_1693 = arith.constant 0 : i32
      %dma_wait3A_1694 = arith.constant 0 : i32
      %dma_wait3A_1695 = arith.constant 0 : i32
      %dma_wait3A_1696 = arith.constant 128 : i32
      %dma_wait3A_1697 = arith.constant 0 : i32
      %dma_wait3A_1698 = tpu.memref_slice %arg6[%dma_wait3A_1694, %dma_wait3A_1695, %dma_wait3A_1696, %dma_wait3A_1697] : memref<2x2x200x64xf32, #tpu.memory_space<vmem>> -> memref<1x1x72x64xf32, #tpu.memory_space<vmem>>
      %dma_wait3A_1699 = tpu.memref_squeeze %dma_wait3A_1698 : memref<1x1x72x64xf32, #tpu.memory_space<vmem>> -> memref<72x64xf32, #tpu.memory_space<vmem>>
      %dma_wait3A_1700 = arith.constant 128 : i32
      %dma_wait3A_1701 = tpu.memref_slice %arg5[%dma_wait3A_1692, %dma_wait3A_1693, %dma_wait3A_1700] : memref<4x2x200xi32, #tpu.memory_space<vmem>> -> memref<1x1x72xi32, #tpu.memory_space<vmem>>
      %dma_wait3A_1702 = tpu.memref_squeeze %dma_wait3A_1701 : memref<1x1x72xi32, #tpu.memory_space<vmem>> -> memref<72xi32, #tpu.memory_space<vmem>>
      %dma_wait3A_1703 = arith.constant 0 : i32
      %dma_wait3A_1704 = arith.constant 0 : i32
      %dma_wait3A_1705 = tpu.memref_slice %arg3[%dma_wait3A_1703, %dma_wait3A_1704] : memref<100000x64xf32, #tpu.memory_space<hbm>> -> memref<100000x64xf32, #tpu.memory_space<hbm>>
      tpu.wait_indirect_dma semaphore(%arg11 : memref<!tpu.dma_semaphore, #tpu.memory_space<semaphore_mem>>) src(%dma_wait3A_1705 : memref<100000x64xf32, #tpu.memory_space<hbm>>) dst(%dma_wait3A_1699 : memref<72x64xf32, #tpu.memory_space<vmem>>)
      %dma_wait3A_1706 = arith.constant 0 : i32
      %dma_wait3A_1707 = arith.constant 1 : i32
      %dma_wait3A_1708 = arith.constant 0 : i32
      %dma_wait3A_1709 = arith.constant 1 : i32
      %dma_wait3A_1710 = arith.constant 0 : i32
      %dma_wait3A_1711 = arith.constant 0 : i32
      %dma_wait3A_1712 = tpu.memref_slice %arg6[%dma_wait3A_1708, %dma_wait3A_1709, %dma_wait3A_1710, %dma_wait3A_1711] : memref<2x2x200x64xf32, #tpu.memory_space<vmem>> -> memref<1x1x128x64xf32, #tpu.memory_space<vmem>>
      %dma_wait3A_1713 = tpu.memref_squeeze %dma_wait3A_1712 : memref<1x1x128x64xf32, #tpu.memory_space<vmem>> -> memref<128x64xf32, #tpu.memory_space<vmem>>
      %dma_wait3A_1714 = arith.constant 0 : i32
      %dma_wait3A_1715 = tpu.memref_slice %arg5[%dma_wait3A_1706, %dma_wait3A_1707, %dma_wait3A_1714] : memref<4x2x200xi32, #tpu.memory_space<vmem>> -> memref<1x1x128xi32, #tpu.memory_space<vmem>>
      %dma_wait3A_1716 = tpu.memref_squeeze %dma_wait3A_1715 : memref<1x1x128xi32, #tpu.memory_space<vmem>> -> memref<128xi32, #tpu.memory_space<vmem>>
      %dma_wait3A_1717 = arith.constant 0 : i32
      %dma_wait3A_1718 = arith.constant 0 : i32
      %dma_wait3A_1719 = tpu.memref_slice %arg3[%dma_wait3A_1717, %dma_wait3A_1718] : memref<100000x64xf32, #tpu.memory_space<hbm>> -> memref<100000x64xf32, #tpu.memory_space<hbm>>
      tpu.wait_indirect_dma semaphore(%arg11 : memref<!tpu.dma_semaphore, #tpu.memory_space<semaphore_mem>>) src(%dma_wait3A_1719 : memref<100000x64xf32, #tpu.memory_space<hbm>>) dst(%dma_wait3A_1713 : memref<128x64xf32, #tpu.memory_space<vmem>>)
      %dma_wait3A_1720 = arith.constant 0 : i32
      %dma_wait3A_1721 = arith.constant 1 : i32
      %dma_wait3A_1722 = arith.constant 0 : i32
      %dma_wait3A_1723 = arith.constant 1 : i32
      %dma_wait3A_1724 = arith.constant 128 : i32
      %dma_wait3A_1725 = arith.constant 0 : i32
      %dma_wait3A_1726 = tpu.memref_slice %arg6[%dma_wait3A_1722, %dma_wait3A_1723, %dma_wait3A_1724, %dma_wait3A_1725] : memref<2x2x200x64xf32, #tpu.memory_space<vmem>> -> memref<1x1x72x64xf32, #tpu.memory_space<vmem>>
      %dma_wait3A_1727 = tpu.memref_squeeze %dma_wait3A_1726 : memref<1x1x72x64xf32, #tpu.memory_space<vmem>> -> memref<72x64xf32, #tpu.memory_space<vmem>>
      %dma_wait3A_1728 = arith.constant 128 : i32
      %dma_wait3A_1729 = tpu.memref_slice %arg5[%dma_wait3A_1720, %dma_wait3A_1721, %dma_wait3A_1728] : memref<4x2x200xi32, #tpu.memory_space<vmem>> -> memref<1x1x72xi32, #tpu.memory_space<vmem>>
      %dma_wait3A_1730 = tpu.memref_squeeze %dma_wait3A_1729 : memref<1x1x72xi32, #tpu.memory_space<vmem>> -> memref<72xi32, #tpu.memory_space<vmem>>
      %dma_wait3A_1731 = arith.constant 0 : i32
      %dma_wait3A_1732 = arith.constant 0 : i32
      %dma_wait3A_1733 = tpu.memref_slice %arg3[%dma_wait3A_1731, %dma_wait3A_1732] : memref<100000x64xf32, #tpu.memory_space<hbm>> -> memref<100000x64xf32, #tpu.memory_space<hbm>>
      tpu.wait_indirect_dma semaphore(%arg11 : memref<!tpu.dma_semaphore, #tpu.memory_space<semaphore_mem>>) src(%dma_wait3A_1733 : memref<100000x64xf32, #tpu.memory_space<hbm>>) dst(%dma_wait3A_1727 : memref<72x64xf32, #tpu.memory_space<vmem>>)
      %sub3A_1734 = arith.constant 1 : i32
      %sub3A_1735 = arith.subi %add3A_1572, %sub3A_1734 : i32
      %add3A_1736 = arith.addi %mul3A_4, %sub3A_1735 : i32
      %dma_start3A_1737 = arith.constant 0 : i32
      %dma_start3A_1738 = arith.constant 0 : i32
      %dma_start3A_1739 = arith.constant 0 : i32
      %dma_start3A_1740 = arith.constant 0 : i32
      %dma_start3A_1741 = tpu.memref_slice %arg6[%dma_start3A_1737, %dma_start3A_1738, %dma_start3A_1739, %dma_start3A_1740] : memref<2x2x200x64xf32, #tpu.memory_space<vmem>> -> memref<1x1x200x64xf32, #tpu.memory_space<vmem>>
      %dma_start3A_1742 = tpu.memref_squeeze %dma_start3A_1741 : memref<1x1x200x64xf32, #tpu.memory_space<vmem>> -> memref<200x64xf32, #tpu.memory_space<vmem>>
      %dma_start3A_1743 = arith.constant 0 : i32
      %dma_start3A_1744 = arith.constant 0 : i32
      %dma_start3A_1745 = tpu.memref_slice %arg4[%add3A_1736, %dma_start3A_1743, %dma_start3A_1744] : memref<8192x200x128xf32, #tpu.memory_space<hbm>> -> memref<1x200x64xf32, #tpu.memory_space<hbm>>
      %dma_start3A_1746 = tpu.memref_squeeze %dma_start3A_1745 : memref<1x200x64xf32, #tpu.memory_space<hbm>> -> memref<200x64xf32, #tpu.memory_space<hbm>>
      %dma_start3A_1747 = arith.constant 0 : i32
      %dma_start3A_1748 = arith.constant 0 : i32
      %dma_start3A_1749 = tpu.memref_slice %arg4[%add3A_1736, %dma_start3A_1747, %dma_start3A_1748] : memref<8192x200x128xf32, #tpu.memory_space<hbm>> -> memref<1x200x64xf32, #tpu.memory_space<hbm>>
      %dma_start3A_1750 = tpu.memref_squeeze %dma_start3A_1749 : memref<1x200x64xf32, #tpu.memory_space<hbm>> -> memref<200x64xf32, #tpu.memory_space<hbm>>
      %dma_start3A_1751 = arith.constant 0 : i32
      %dma_start3A_1752 = arith.constant 0 : i32
      %dma_start3A_1753 = tpu.memref_slice %arg6[%dma_start3A_1737, %dma_start3A_1738, %dma_start3A_1751, %dma_start3A_1752] : memref<2x2x200x64xf32, #tpu.memory_space<vmem>> -> memref<1x1x200x64xf32, #tpu.memory_space<vmem>>
      %dma_start3A_1754 = tpu.memref_squeeze %dma_start3A_1753 : memref<1x1x200x64xf32, #tpu.memory_space<vmem>> -> memref<200x64xf32, #tpu.memory_space<vmem>>
      tpu.enqueue_dma source(%dma_start3A_1754 : memref<200x64xf32, #tpu.memory_space<vmem>>) target(%dma_start3A_1750 : memref<200x64xf32, #tpu.memory_space<hbm>>) target_semaphore(%arg13 : memref<!tpu.dma_semaphore, #tpu.memory_space<semaphore_mem>>)
      %add3A_1755 = arith.addi %mul3A_4, %sub3A_1735 : i32
      %dma_start3A_1756 = arith.constant 0 : i32
      %dma_start3A_1757 = arith.constant 1 : i32
      %dma_start3A_1758 = arith.constant 0 : i32
      %dma_start3A_1759 = arith.constant 0 : i32
      %dma_start3A_1760 = tpu.memref_slice %arg6[%dma_start3A_1756, %dma_start3A_1757, %dma_start3A_1758, %dma_start3A_1759] : memref<2x2x200x64xf32, #tpu.memory_space<vmem>> -> memref<1x1x200x64xf32, #tpu.memory_space<vmem>>
      %dma_start3A_1761 = tpu.memref_squeeze %dma_start3A_1760 : memref<1x1x200x64xf32, #tpu.memory_space<vmem>> -> memref<200x64xf32, #tpu.memory_space<vmem>>
      %dma_start3A_1762 = arith.constant 0 : i32
      %dma_start3A_1763 = arith.constant 64 : i32
      %dma_start3A_1764 = tpu.memref_slice %arg4[%add3A_1755, %dma_start3A_1762, %dma_start3A_1763] : memref<8192x200x128xf32, #tpu.memory_space<hbm>> -> memref<1x200x64xf32, #tpu.memory_space<hbm>>
      %dma_start3A_1765 = tpu.memref_squeeze %dma_start3A_1764 : memref<1x200x64xf32, #tpu.memory_space<hbm>> -> memref<200x64xf32, #tpu.memory_space<hbm>>
      %dma_start3A_1766 = arith.constant 0 : i32
      %dma_start3A_1767 = arith.constant 64 : i32
      %dma_start3A_1768 = tpu.memref_slice %arg4[%add3A_1755, %dma_start3A_1766, %dma_start3A_1767] : memref<8192x200x128xf32, #tpu.memory_space<hbm>> -> memref<1x200x64xf32, #tpu.memory_space<hbm>>
      %dma_start3A_1769 = tpu.memref_squeeze %dma_start3A_1768 : memref<1x200x64xf32, #tpu.memory_space<hbm>> -> memref<200x64xf32, #tpu.memory_space<hbm>>
      %dma_start3A_1770 = arith.constant 0 : i32
      %dma_start3A_1771 = arith.constant 0 : i32
      %dma_start3A_1772 = tpu.memref_slice %arg6[%dma_start3A_1756, %dma_start3A_1757, %dma_start3A_1770, %dma_start3A_1771] : memref<2x2x200x64xf32, #tpu.memory_space<vmem>> -> memref<1x1x200x64xf32, #tpu.memory_space<vmem>>
      %dma_start3A_1773 = tpu.memref_squeeze %dma_start3A_1772 : memref<1x1x200x64xf32, #tpu.memory_space<vmem>> -> memref<200x64xf32, #tpu.memory_space<vmem>>
      tpu.enqueue_dma source(%dma_start3A_1773 : memref<200x64xf32, #tpu.memory_space<vmem>>) target(%dma_start3A_1769 : memref<200x64xf32, #tpu.memory_space<hbm>>) target_semaphore(%arg13 : memref<!tpu.dma_semaphore, #tpu.memory_space<semaphore_mem>>)
      %add3A_1774 = arith.constant 3 : i32
      %add3A_1775 = arith.addi %add3A_1572, %add3A_1774 : i32
      %rem3A_1776 = arith.constant 256 : i32
      %rem3A_1777 = arith.remsi %add3A_1775, %rem3A_1776 : i32
      %mul3A_1778 = arith.constant 2 : i32
      %mul3A_1779 = arith.muli %rem3A_1777, %mul3A_1778 : i32
      %add3A_1780 = arith.addi %mul3A_2, %mul3A_1779 : i32
      %dma_start3A_1781 = arith.constant 0 : i32
      %dma_start3A_1782 = arith.constant 0 : i32
      %dma_start3A_1783 = arith.constant 0 : i32
      %dma_start3A_1784 = tpu.memref_slice %arg5[%dma_start3A_1781, %dma_start3A_1782, %dma_start3A_1783] : memref<4x2x200xi32, #tpu.memory_space<vmem>> -> memref<1x2x200xi32, #tpu.memory_space<vmem>>
      %dma_start3A_1785 = tpu.memref_squeeze %dma_start3A_1784 : memref<1x2x200xi32, #tpu.memory_space<vmem>> -> memref<2x200xi32, #tpu.memory_space<vmem>>
      %dma_start3A_1786 = arith.constant 0 : i32
      %dma_start3A_1787 = tpu.memref_slice %arg2[%add3A_1780, %dma_start3A_1786] : memref<16384x200xi32, #tpu.memory_space<hbm>> -> memref<2x200xi32, #tpu.memory_space<hbm>>
      %dma_start3A_1788 = arith.constant 0 : i32
      %dma_start3A_1789 = arith.constant 0 : i32
      %dma_start3A_1790 = tpu.memref_slice %arg5[%dma_start3A_1781, %dma_start3A_1788, %dma_start3A_1789] : memref<4x2x200xi32, #tpu.memory_space<vmem>> -> memref<1x2x200xi32, #tpu.memory_space<vmem>>
      %dma_start3A_1791 = tpu.memref_squeeze %dma_start3A_1790 : memref<1x2x200xi32, #tpu.memory_space<vmem>> -> memref<2x200xi32, #tpu.memory_space<vmem>>
      %dma_start3A_1792 = arith.constant 0 : i32
      %dma_start3A_1793 = tpu.memref_slice %arg2[%add3A_1780, %dma_start3A_1792] : memref<16384x200xi32, #tpu.memory_space<hbm>> -> memref<2x200xi32, #tpu.memory_space<hbm>>
      tpu.enqueue_dma source(%dma_start3A_1793 : memref<2x200xi32, #tpu.memory_space<hbm>>) target(%dma_start3A_1791 : memref<2x200xi32, #tpu.memory_space<vmem>>) target_semaphore(%arg7 : memref<!tpu.dma_semaphore, #tpu.memory_space<semaphore_mem>>)
    }
    %scan3A_315 = arith.constant 63 : i32
    %dma_wait3A_316 = arith.constant 0 : i32
    %dma_wait3A_317 = arith.constant 0 : i32
    %dma_wait3A_318 = arith.constant 0 : i32
    %dma_wait3A_319 = arith.constant 0 : i32
    %dma_wait3A_320 = tpu.memref_slice %arg6[%dma_wait3A_316, %dma_wait3A_317, %dma_wait3A_318, %dma_wait3A_319] : memref<2x2x200x64xf32, #tpu.memory_space<vmem>> -> memref<1x1x200x64xf32, #tpu.memory_space<vmem>>
    %dma_wait3A_321 = tpu.memref_squeeze %dma_wait3A_320 : memref<1x1x200x64xf32, #tpu.memory_space<vmem>> -> memref<200x64xf32, #tpu.memory_space<vmem>>
    %dma_wait3A_322 = arith.constant 0 : i32
    %dma_wait3A_323 = arith.constant 0 : i32
    %dma_wait3A_324 = tpu.memref_slice %arg4[%mul3A_4, %dma_wait3A_322, %dma_wait3A_323] : memref<8192x200x128xf32, #tpu.memory_space<hbm>> -> memref<1x200x64xf32, #tpu.memory_space<hbm>>
    %dma_wait3A_325 = tpu.memref_squeeze %dma_wait3A_324 : memref<1x200x64xf32, #tpu.memory_space<hbm>> -> memref<200x64xf32, #tpu.memory_space<hbm>>
    %dma_wait3A_326 = arith.constant 0 : i32
    %dma_wait3A_327 = arith.constant 0 : i32
    %dma_wait3A_328 = tpu.memref_slice %arg4[%mul3A_4, %dma_wait3A_326, %dma_wait3A_327] : memref<8192x200x128xf32, #tpu.memory_space<hbm>> -> memref<1x200x64xf32, #tpu.memory_space<hbm>>
    %dma_wait3A_329 = tpu.memref_squeeze %dma_wait3A_328 : memref<1x200x64xf32, #tpu.memory_space<hbm>> -> memref<200x64xf32, #tpu.memory_space<hbm>>
    %dma_wait3A_330 = arith.constant 0 : i32
    %dma_wait3A_331 = arith.constant 0 : i32
    %dma_wait3A_332 = tpu.memref_slice %arg6[%dma_wait3A_316, %dma_wait3A_317, %dma_wait3A_330, %dma_wait3A_331] : memref<2x2x200x64xf32, #tpu.memory_space<vmem>> -> memref<1x1x200x64xf32, #tpu.memory_space<vmem>>
    %dma_wait3A_333 = tpu.memref_squeeze %dma_wait3A_332 : memref<1x1x200x64xf32, #tpu.memory_space<vmem>> -> memref<200x64xf32, #tpu.memory_space<vmem>>
    tpu.wait_dma2 semaphore(%arg13 : memref<!tpu.dma_semaphore, #tpu.memory_space<semaphore_mem>>) src(%dma_wait3A_333 : memref<200x64xf32, #tpu.memory_space<vmem>>) dst(%dma_wait3A_329 : memref<200x64xf32, #tpu.memory_space<hbm>>)
    %dma_wait3A_334 = arith.constant 0 : i32
    %dma_wait3A_335 = arith.constant 1 : i32
    %dma_wait3A_336 = arith.constant 0 : i32
    %dma_wait3A_337 = arith.constant 0 : i32
    %dma_wait3A_338 = tpu.memref_slice %arg6[%dma_wait3A_334, %dma_wait3A_335, %dma_wait3A_336, %dma_wait3A_337] : memref<2x2x200x64xf32, #tpu.memory_space<vmem>> -> memref<1x1x200x64xf32, #tpu.memory_space<vmem>>
    %dma_wait3A_339 = tpu.memref_squeeze %dma_wait3A_338 : memref<1x1x200x64xf32, #tpu.memory_space<vmem>> -> memref<200x64xf32, #tpu.memory_space<vmem>>
    %dma_wait3A_340 = arith.constant 0 : i32
    %dma_wait3A_341 = arith.constant 64 : i32
    %dma_wait3A_342 = tpu.memref_slice %arg4[%mul3A_4, %dma_wait3A_340, %dma_wait3A_341] : memref<8192x200x128xf32, #tpu.memory_space<hbm>> -> memref<1x200x64xf32, #tpu.memory_space<hbm>>
    %dma_wait3A_343 = tpu.memref_squeeze %dma_wait3A_342 : memref<1x200x64xf32, #tpu.memory_space<hbm>> -> memref<200x64xf32, #tpu.memory_space<hbm>>
    %dma_wait3A_344 = arith.constant 0 : i32
    %dma_wait3A_345 = arith.constant 64 : i32
    %dma_wait3A_346 = tpu.memref_slice %arg4[%mul3A_4, %dma_wait3A_344, %dma_wait3A_345] : memref<8192x200x128xf32, #tpu.memory_space<hbm>> -> memref<1x200x64xf32, #tpu.memory_space<hbm>>
    %dma_wait3A_347 = tpu.memref_squeeze %dma_wait3A_346 : memref<1x200x64xf32, #tpu.memory_space<hbm>> -> memref<200x64xf32, #tpu.memory_space<hbm>>
    %dma_wait3A_348 = arith.constant 0 : i32
    %dma_wait3A_349 = arith.constant 0 : i32
    %dma_wait3A_350 = tpu.memref_slice %arg6[%dma_wait3A_334, %dma_wait3A_335, %dma_wait3A_348, %dma_wait3A_349] : memref<2x2x200x64xf32, #tpu.memory_space<vmem>> -> memref<1x1x200x64xf32, #tpu.memory_space<vmem>>
    %dma_wait3A_351 = tpu.memref_squeeze %dma_wait3A_350 : memref<1x1x200x64xf32, #tpu.memory_space<vmem>> -> memref<200x64xf32, #tpu.memory_space<vmem>>
    tpu.wait_dma2 semaphore(%arg13 : memref<!tpu.dma_semaphore, #tpu.memory_space<semaphore_mem>>) src(%dma_wait3A_351 : memref<200x64xf32, #tpu.memory_space<vmem>>) dst(%dma_wait3A_347 : memref<200x64xf32, #tpu.memory_space<hbm>>)
    %dma_wait3A_352 = arith.constant 2 : i32
    %dma_wait3A_353 = arith.constant 0 : i32
    %dma_wait3A_354 = arith.constant 0 : i32
    %dma_wait3A_355 = tpu.memref_slice %arg5[%dma_wait3A_352, %dma_wait3A_353, %dma_wait3A_354] : memref<4x2x200xi32, #tpu.memory_space<vmem>> -> memref<1x2x200xi32, #tpu.memory_space<vmem>>
    %dma_wait3A_356 = tpu.memref_squeeze %dma_wait3A_355 : memref<1x2x200xi32, #tpu.memory_space<vmem>> -> memref<2x200xi32, #tpu.memory_space<vmem>>
    %dma_wait3A_357 = arith.constant 0 : i32
    %dma_wait3A_358 = tpu.memref_slice %arg2[%mul3A_2, %dma_wait3A_357] : memref<16384x200xi32, #tpu.memory_space<hbm>> -> memref<2x200xi32, #tpu.memory_space<hbm>>
    %dma_wait3A_359 = arith.constant 0 : i32
    %dma_wait3A_360 = arith.constant 0 : i32
    %dma_wait3A_361 = tpu.memref_slice %arg5[%dma_wait3A_352, %dma_wait3A_359, %dma_wait3A_360] : memref<4x2x200xi32, #tpu.memory_space<vmem>> -> memref<1x2x200xi32, #tpu.memory_space<vmem>>
    %dma_wait3A_362 = tpu.memref_squeeze %dma_wait3A_361 : memref<1x2x200xi32, #tpu.memory_space<vmem>> -> memref<2x200xi32, #tpu.memory_space<vmem>>
    %dma_wait3A_363 = arith.constant 0 : i32
    %dma_wait3A_364 = tpu.memref_slice %arg2[%mul3A_2, %dma_wait3A_363] : memref<16384x200xi32, #tpu.memory_space<hbm>> -> memref<2x200xi32, #tpu.memory_space<hbm>>
    tpu.wait_dma2 semaphore(%arg9 : memref<!tpu.dma_semaphore, #tpu.memory_space<semaphore_mem>>) src(%dma_wait3A_364 : memref<2x200xi32, #tpu.memory_space<hbm>>) dst(%dma_wait3A_362 : memref<2x200xi32, #tpu.memory_space<vmem>>)
    %dma_start3A_365 = arith.constant 2 : i32
    %dma_start3A_366 = arith.constant 0 : i32
    %dma_start3A_367 = arith.constant 0 : i32
    %dma_start3A_368 = arith.constant 0 : i32
    %dma_start3A_369 = arith.constant 0 : i32
    %dma_start3A_370 = arith.constant 0 : i32
    %dma_start3A_371 = tpu.memref_slice %arg6[%dma_start3A_367, %dma_start3A_368, %dma_start3A_369, %dma_start3A_370] : memref<2x2x200x64xf32, #tpu.memory_space<vmem>> -> memref<1x1x128x64xf32, #tpu.memory_space<vmem>>
    %dma_start3A_372 = tpu.memref_squeeze %dma_start3A_371 : memref<1x1x128x64xf32, #tpu.memory_space<vmem>> -> memref<128x64xf32, #tpu.memory_space<vmem>>
    %dma_start3A_373 = arith.constant 0 : i32
    %dma_start3A_374 = tpu.memref_slice %arg5[%dma_start3A_365, %dma_start3A_366, %dma_start3A_373] : memref<4x2x200xi32, #tpu.memory_space<vmem>> -> memref<1x1x128xi32, #tpu.memory_space<vmem>>
    %dma_start3A_375 = tpu.memref_squeeze %dma_start3A_374 : memref<1x1x128xi32, #tpu.memory_space<vmem>> -> memref<128xi32, #tpu.memory_space<vmem>>
    %dma_start3A_376 = arith.constant 0 : i32
    %dma_start3A_377 = arith.constant 0 : i32
    %dma_start3A_378 = tpu.memref_slice %arg3[%dma_start3A_376, %dma_start3A_377] : memref<100000x64xf32, #tpu.memory_space<hbm>> -> memref<100000x64xf32, #tpu.memory_space<hbm>>
    tpu.enqueue_indirect_dma source(%dma_start3A_378 : memref<100000x64xf32, #tpu.memory_space<hbm>>) target(%dma_start3A_372 : memref<128x64xf32, #tpu.memory_space<vmem>>) offsets(%dma_start3A_375 : memref<128xi32, #tpu.memory_space<vmem>>) semaphore(%arg11 : memref<!tpu.dma_semaphore, #tpu.memory_space<semaphore_mem>>)
    %dma_start3A_379 = arith.constant 2 : i32
    %dma_start3A_380 = arith.constant 0 : i32
    %dma_start3A_381 = arith.constant 0 : i32
    %dma_start3A_382 = arith.constant 0 : i32
    %dma_start3A_383 = arith.constant 128 : i32
    %dma_start3A_384 = arith.constant 0 : i32
    %dma_start3A_385 = tpu.memref_slice %arg6[%dma_start3A_381, %dma_start3A_382, %dma_start3A_383, %dma_start3A_384] : memref<2x2x200x64xf32, #tpu.memory_space<vmem>> -> memref<1x1x72x64xf32, #tpu.memory_space<vmem>>
    %dma_start3A_386 = tpu.memref_squeeze %dma_start3A_385 : memref<1x1x72x64xf32, #tpu.memory_space<vmem>> -> memref<72x64xf32, #tpu.memory_space<vmem>>
    %dma_start3A_387 = arith.constant 128 : i32
    %dma_start3A_388 = tpu.memref_slice %arg5[%dma_start3A_379, %dma_start3A_380, %dma_start3A_387] : memref<4x2x200xi32, #tpu.memory_space<vmem>> -> memref<1x1x72xi32, #tpu.memory_space<vmem>>
    %dma_start3A_389 = tpu.memref_squeeze %dma_start3A_388 : memref<1x1x72xi32, #tpu.memory_space<vmem>> -> memref<72xi32, #tpu.memory_space<vmem>>
    %dma_start3A_390 = arith.constant 0 : i32
    %dma_start3A_391 = arith.constant 0 : i32
    %dma_start3A_392 = tpu.memref_slice %arg3[%dma_start3A_390, %dma_start3A_391] : memref<100000x64xf32, #tpu.memory_space<hbm>> -> memref<100000x64xf32, #tpu.memory_space<hbm>>
    tpu.enqueue_indirect_dma source(%dma_start3A_392 : memref<100000x64xf32, #tpu.memory_space<hbm>>) target(%dma_start3A_386 : memref<72x64xf32, #tpu.memory_space<vmem>>) offsets(%dma_start3A_389 : memref<72xi32, #tpu.memory_space<vmem>>) semaphore(%arg11 : memref<!tpu.dma_semaphore, #tpu.memory_space<semaphore_mem>>)
    %dma_start3A_393 = arith.constant 2 : i32
    %dma_start3A_394 = arith.constant 1 : i32
    %dma_start3A_395 = arith.constant 0 : i32
    %dma_start3A_396 = arith.constant 1 : i32
    %dma_start3A_397 = arith.constant 0 : i32
    %dma_start3A_398 = arith.constant 0 : i32
    %dma_start3A_399 = tpu.memref_slice %arg6[%dma_start3A_395, %dma_start3A_396, %dma_start3A_397, %dma_start3A_398] : memref<2x2x200x64xf32, #tpu.memory_space<vmem>> -> memref<1x1x128x64xf32, #tpu.memory_space<vmem>>
    %dma_start3A_400 = tpu.memref_squeeze %dma_start3A_399 : memref<1x1x128x64xf32, #tpu.memory_space<vmem>> -> memref<128x64xf32, #tpu.memory_space<vmem>>
    %dma_start3A_401 = arith.constant 0 : i32
    %dma_start3A_402 = tpu.memref_slice %arg5[%dma_start3A_393, %dma_start3A_394, %dma_start3A_401] : memref<4x2x200xi32, #tpu.memory_space<vmem>> -> memref<1x1x128xi32, #tpu.memory_space<vmem>>
    %dma_start3A_403 = tpu.memref_squeeze %dma_start3A_402 : memref<1x1x128xi32, #tpu.memory_space<vmem>> -> memref<128xi32, #tpu.memory_space<vmem>>
    %dma_start3A_404 = arith.constant 0 : i32
    %dma_start3A_405 = arith.constant 0 : i32
    %dma_start3A_406 = tpu.memref_slice %arg3[%dma_start3A_404, %dma_start3A_405] : memref<100000x64xf32, #tpu.memory_space<hbm>> -> memref<100000x64xf32, #tpu.memory_space<hbm>>
    tpu.enqueue_indirect_dma source(%dma_start3A_406 : memref<100000x64xf32, #tpu.memory_space<hbm>>) target(%dma_start3A_400 : memref<128x64xf32, #tpu.memory_space<vmem>>) offsets(%dma_start3A_403 : memref<128xi32, #tpu.memory_space<vmem>>) semaphore(%arg11 : memref<!tpu.dma_semaphore, #tpu.memory_space<semaphore_mem>>)
    %dma_start3A_407 = arith.constant 2 : i32
    %dma_start3A_408 = arith.constant 1 : i32
    %dma_start3A_409 = arith.constant 0 : i32
    %dma_start3A_410 = arith.constant 1 : i32
    %dma_start3A_411 = arith.constant 128 : i32
    %dma_start3A_412 = arith.constant 0 : i32
    %dma_start3A_413 = tpu.memref_slice %arg6[%dma_start3A_409, %dma_start3A_410, %dma_start3A_411, %dma_start3A_412] : memref<2x2x200x64xf32, #tpu.memory_space<vmem>> -> memref<1x1x72x64xf32, #tpu.memory_space<vmem>>
    %dma_start3A_414 = tpu.memref_squeeze %dma_start3A_413 : memref<1x1x72x64xf32, #tpu.memory_space<vmem>> -> memref<72x64xf32, #tpu.memory_space<vmem>>
    %dma_start3A_415 = arith.constant 128 : i32
    %dma_start3A_416 = tpu.memref_slice %arg5[%dma_start3A_407, %dma_start3A_408, %dma_start3A_415] : memref<4x2x200xi32, #tpu.memory_space<vmem>> -> memref<1x1x72xi32, #tpu.memory_space<vmem>>
    %dma_start3A_417 = tpu.memref_squeeze %dma_start3A_416 : memref<1x1x72xi32, #tpu.memory_space<vmem>> -> memref<72xi32, #tpu.memory_space<vmem>>
    %dma_start3A_418 = arith.constant 0 : i32
    %dma_start3A_419 = arith.constant 0 : i32
    %dma_start3A_420 = tpu.memref_slice %arg3[%dma_start3A_418, %dma_start3A_419] : memref<100000x64xf32, #tpu.memory_space<hbm>> -> memref<100000x64xf32, #tpu.memory_space<hbm>>
    tpu.enqueue_indirect_dma source(%dma_start3A_420 : memref<100000x64xf32, #tpu.memory_space<hbm>>) target(%dma_start3A_414 : memref<72x64xf32, #tpu.memory_space<vmem>>) offsets(%dma_start3A_417 : memref<72xi32, #tpu.memory_space<vmem>>) semaphore(%arg11 : memref<!tpu.dma_semaphore, #tpu.memory_space<semaphore_mem>>)
    %dma_wait3A_421 = arith.constant 1 : i32
    %dma_wait3A_422 = arith.constant 0 : i32
    %dma_wait3A_423 = arith.constant 1 : i32
    %dma_wait3A_424 = arith.constant 0 : i32
    %dma_wait3A_425 = arith.constant 0 : i32
    %dma_wait3A_426 = arith.constant 0 : i32
    %dma_wait3A_427 = tpu.memref_slice %arg6[%dma_wait3A_423, %dma_wait3A_424, %dma_wait3A_425, %dma_wait3A_426] : memref<2x2x200x64xf32, #tpu.memory_space<vmem>> -> memref<1x1x128x64xf32, #tpu.memory_space<vmem>>
    %dma_wait3A_428 = tpu.memref_squeeze %dma_wait3A_427 : memref<1x1x128x64xf32, #tpu.memory_space<vmem>> -> memref<128x64xf32, #tpu.memory_space<vmem>>
    %dma_wait3A_429 = arith.constant 0 : i32
    %dma_wait3A_430 = tpu.memref_slice %arg5[%dma_wait3A_421, %dma_wait3A_422, %dma_wait3A_429] : memref<4x2x200xi32, #tpu.memory_space<vmem>> -> memref<1x1x128xi32, #tpu.memory_space<vmem>>
    %dma_wait3A_431 = tpu.memref_squeeze %dma_wait3A_430 : memref<1x1x128xi32, #tpu.memory_space<vmem>> -> memref<128xi32, #tpu.memory_space<vmem>>
    %dma_wait3A_432 = arith.constant 0 : i32
    %dma_wait3A_433 = arith.constant 0 : i32
    %dma_wait3A_434 = tpu.memref_slice %arg3[%dma_wait3A_432, %dma_wait3A_433] : memref<100000x64xf32, #tpu.memory_space<hbm>> -> memref<100000x64xf32, #tpu.memory_space<hbm>>
    tpu.wait_indirect_dma semaphore(%arg12 : memref<!tpu.dma_semaphore, #tpu.memory_space<semaphore_mem>>) src(%dma_wait3A_434 : memref<100000x64xf32, #tpu.memory_space<hbm>>) dst(%dma_wait3A_428 : memref<128x64xf32, #tpu.memory_space<vmem>>)
    %dma_wait3A_435 = arith.constant 1 : i32
    %dma_wait3A_436 = arith.constant 0 : i32
    %dma_wait3A_437 = arith.constant 1 : i32
    %dma_wait3A_438 = arith.constant 0 : i32
    %dma_wait3A_439 = arith.constant 128 : i32
    %dma_wait3A_440 = arith.constant 0 : i32
    %dma_wait3A_441 = tpu.memref_slice %arg6[%dma_wait3A_437, %dma_wait3A_438, %dma_wait3A_439, %dma_wait3A_440] : memref<2x2x200x64xf32, #tpu.memory_space<vmem>> -> memref<1x1x72x64xf32, #tpu.memory_space<vmem>>
    %dma_wait3A_442 = tpu.memref_squeeze %dma_wait3A_441 : memref<1x1x72x64xf32, #tpu.memory_space<vmem>> -> memref<72x64xf32, #tpu.memory_space<vmem>>
    %dma_wait3A_443 = arith.constant 128 : i32
    %dma_wait3A_444 = tpu.memref_slice %arg5[%dma_wait3A_435, %dma_wait3A_436, %dma_wait3A_443] : memref<4x2x200xi32, #tpu.memory_space<vmem>> -> memref<1x1x72xi32, #tpu.memory_space<vmem>>
    %dma_wait3A_445 = tpu.memref_squeeze %dma_wait3A_444 : memref<1x1x72xi32, #tpu.memory_space<vmem>> -> memref<72xi32, #tpu.memory_space<vmem>>
    %dma_wait3A_446 = arith.constant 0 : i32
    %dma_wait3A_447 = arith.constant 0 : i32
    %dma_wait3A_448 = tpu.memref_slice %arg3[%dma_wait3A_446, %dma_wait3A_447] : memref<100000x64xf32, #tpu.memory_space<hbm>> -> memref<100000x64xf32, #tpu.memory_space<hbm>>
    tpu.wait_indirect_dma semaphore(%arg12 : memref<!tpu.dma_semaphore, #tpu.memory_space<semaphore_mem>>) src(%dma_wait3A_448 : memref<100000x64xf32, #tpu.memory_space<hbm>>) dst(%dma_wait3A_442 : memref<72x64xf32, #tpu.memory_space<vmem>>)
    %dma_wait3A_449 = arith.constant 1 : i32
    %dma_wait3A_450 = arith.constant 1 : i32
    %dma_wait3A_451 = arith.constant 1 : i32
    %dma_wait3A_452 = arith.constant 1 : i32
    %dma_wait3A_453 = arith.constant 0 : i32
    %dma_wait3A_454 = arith.constant 0 : i32
    %dma_wait3A_455 = tpu.memref_slice %arg6[%dma_wait3A_451, %dma_wait3A_452, %dma_wait3A_453, %dma_wait3A_454] : memref<2x2x200x64xf32, #tpu.memory_space<vmem>> -> memref<1x1x128x64xf32, #tpu.memory_space<vmem>>
    %dma_wait3A_456 = tpu.memref_squeeze %dma_wait3A_455 : memref<1x1x128x64xf32, #tpu.memory_space<vmem>> -> memref<128x64xf32, #tpu.memory_space<vmem>>
    %dma_wait3A_457 = arith.constant 0 : i32
    %dma_wait3A_458 = tpu.memref_slice %arg5[%dma_wait3A_449, %dma_wait3A_450, %dma_wait3A_457] : memref<4x2x200xi32, #tpu.memory_space<vmem>> -> memref<1x1x128xi32, #tpu.memory_space<vmem>>
    %dma_wait3A_459 = tpu.memref_squeeze %dma_wait3A_458 : memref<1x1x128xi32, #tpu.memory_space<vmem>> -> memref<128xi32, #tpu.memory_space<vmem>>
    %dma_wait3A_460 = arith.constant 0 : i32
    %dma_wait3A_461 = arith.constant 0 : i32
    %dma_wait3A_462 = tpu.memref_slice %arg3[%dma_wait3A_460, %dma_wait3A_461] : memref<100000x64xf32, #tpu.memory_space<hbm>> -> memref<100000x64xf32, #tpu.memory_space<hbm>>
    tpu.wait_indirect_dma semaphore(%arg12 : memref<!tpu.dma_semaphore, #tpu.memory_space<semaphore_mem>>) src(%dma_wait3A_462 : memref<100000x64xf32, #tpu.memory_space<hbm>>) dst(%dma_wait3A_456 : memref<128x64xf32, #tpu.memory_space<vmem>>)
    %dma_wait3A_463 = arith.constant 1 : i32
    %dma_wait3A_464 = arith.constant 1 : i32
    %dma_wait3A_465 = arith.constant 1 : i32
    %dma_wait3A_466 = arith.constant 1 : i32
    %dma_wait3A_467 = arith.constant 128 : i32
    %dma_wait3A_468 = arith.constant 0 : i32
    %dma_wait3A_469 = tpu.memref_slice %arg6[%dma_wait3A_465, %dma_wait3A_466, %dma_wait3A_467, %dma_wait3A_468] : memref<2x2x200x64xf32, #tpu.memory_space<vmem>> -> memref<1x1x72x64xf32, #tpu.memory_space<vmem>>
    %dma_wait3A_470 = tpu.memref_squeeze %dma_wait3A_469 : memref<1x1x72x64xf32, #tpu.memory_space<vmem>> -> memref<72x64xf32, #tpu.memory_space<vmem>>
    %dma_wait3A_471 = arith.constant 128 : i32
    %dma_wait3A_472 = tpu.memref_slice %arg5[%dma_wait3A_463, %dma_wait3A_464, %dma_wait3A_471] : memref<4x2x200xi32, #tpu.memory_space<vmem>> -> memref<1x1x72xi32, #tpu.memory_space<vmem>>
    %dma_wait3A_473 = tpu.memref_squeeze %dma_wait3A_472 : memref<1x1x72xi32, #tpu.memory_space<vmem>> -> memref<72xi32, #tpu.memory_space<vmem>>
    %dma_wait3A_474 = arith.constant 0 : i32
    %dma_wait3A_475 = arith.constant 0 : i32
    %dma_wait3A_476 = tpu.memref_slice %arg3[%dma_wait3A_474, %dma_wait3A_475] : memref<100000x64xf32, #tpu.memory_space<hbm>> -> memref<100000x64xf32, #tpu.memory_space<hbm>>
    tpu.wait_indirect_dma semaphore(%arg12 : memref<!tpu.dma_semaphore, #tpu.memory_space<semaphore_mem>>) src(%dma_wait3A_476 : memref<100000x64xf32, #tpu.memory_space<hbm>>) dst(%dma_wait3A_470 : memref<72x64xf32, #tpu.memory_space<vmem>>)
    %add3A_477 = arith.constant 253 : i32
    %add3A_478 = arith.addi %mul3A_4, %add3A_477 : i32
    %dma_start3A_479 = arith.constant 1 : i32
    %dma_start3A_480 = arith.constant 0 : i32
    %dma_start3A_481 = arith.constant 0 : i32
    %dma_start3A_482 = arith.constant 0 : i32
    %dma_start3A_483 = tpu.memref_slice %arg6[%dma_start3A_479, %dma_start3A_480, %dma_start3A_481, %dma_start3A_482] : memref<2x2x200x64xf32, #tpu.memory_space<vmem>> -> memref<1x1x200x64xf32, #tpu.memory_space<vmem>>
    %dma_start3A_484 = tpu.memref_squeeze %dma_start3A_483 : memref<1x1x200x64xf32, #tpu.memory_space<vmem>> -> memref<200x64xf32, #tpu.memory_space<vmem>>
    %dma_start3A_485 = arith.constant 0 : i32
    %dma_start3A_486 = arith.constant 0 : i32
    %dma_start3A_487 = tpu.memref_slice %arg4[%add3A_478, %dma_start3A_485, %dma_start3A_486] : memref<8192x200x128xf32, #tpu.memory_space<hbm>> -> memref<1x200x64xf32, #tpu.memory_space<hbm>>
    %dma_start3A_488 = tpu.memref_squeeze %dma_start3A_487 : memref<1x200x64xf32, #tpu.memory_space<hbm>> -> memref<200x64xf32, #tpu.memory_space<hbm>>
    %dma_start3A_489 = arith.constant 0 : i32
    %dma_start3A_490 = arith.constant 0 : i32
    %dma_start3A_491 = tpu.memref_slice %arg4[%add3A_478, %dma_start3A_489, %dma_start3A_490] : memref<8192x200x128xf32, #tpu.memory_space<hbm>> -> memref<1x200x64xf32, #tpu.memory_space<hbm>>
    %dma_start3A_492 = tpu.memref_squeeze %dma_start3A_491 : memref<1x200x64xf32, #tpu.memory_space<hbm>> -> memref<200x64xf32, #tpu.memory_space<hbm>>
    %dma_start3A_493 = arith.constant 0 : i32
    %dma_start3A_494 = arith.constant 0 : i32
    %dma_start3A_495 = tpu.memref_slice %arg6[%dma_start3A_479, %dma_start3A_480, %dma_start3A_493, %dma_start3A_494] : memref<2x2x200x64xf32, #tpu.memory_space<vmem>> -> memref<1x1x200x64xf32, #tpu.memory_space<vmem>>
    %dma_start3A_496 = tpu.memref_squeeze %dma_start3A_495 : memref<1x1x200x64xf32, #tpu.memory_space<vmem>> -> memref<200x64xf32, #tpu.memory_space<vmem>>
    tpu.enqueue_dma source(%dma_start3A_496 : memref<200x64xf32, #tpu.memory_space<vmem>>) target(%dma_start3A_492 : memref<200x64xf32, #tpu.memory_space<hbm>>) target_semaphore(%arg14 : memref<!tpu.dma_semaphore, #tpu.memory_space<semaphore_mem>>)
    %add3A_497 = arith.constant 253 : i32
    %add3A_498 = arith.addi %mul3A_4, %add3A_497 : i32
    %dma_start3A_499 = arith.constant 1 : i32
    %dma_start3A_500 = arith.constant 1 : i32
    %dma_start3A_501 = arith.constant 0 : i32
    %dma_start3A_502 = arith.constant 0 : i32
    %dma_start3A_503 = tpu.memref_slice %arg6[%dma_start3A_499, %dma_start3A_500, %dma_start3A_501, %dma_start3A_502] : memref<2x2x200x64xf32, #tpu.memory_space<vmem>> -> memref<1x1x200x64xf32, #tpu.memory_space<vmem>>
    %dma_start3A_504 = tpu.memref_squeeze %dma_start3A_503 : memref<1x1x200x64xf32, #tpu.memory_space<vmem>> -> memref<200x64xf32, #tpu.memory_space<vmem>>
    %dma_start3A_505 = arith.constant 0 : i32
    %dma_start3A_506 = arith.constant 64 : i32
    %dma_start3A_507 = tpu.memref_slice %arg4[%add3A_498, %dma_start3A_505, %dma_start3A_506] : memref<8192x200x128xf32, #tpu.memory_space<hbm>> -> memref<1x200x64xf32, #tpu.memory_space<hbm>>
    %dma_start3A_508 = tpu.memref_squeeze %dma_start3A_507 : memref<1x200x64xf32, #tpu.memory_space<hbm>> -> memref<200x64xf32, #tpu.memory_space<hbm>>
    %dma_start3A_509 = arith.constant 0 : i32
    %dma_start3A_510 = arith.constant 64 : i32
    %dma_start3A_511 = tpu.memref_slice %arg4[%add3A_498, %dma_start3A_509, %dma_start3A_510] : memref<8192x200x128xf32, #tpu.memory_space<hbm>> -> memref<1x200x64xf32, #tpu.memory_space<hbm>>
    %dma_start3A_512 = tpu.memref_squeeze %dma_start3A_511 : memref<1x200x64xf32, #tpu.memory_space<hbm>> -> memref<200x64xf32, #tpu.memory_space<hbm>>
    %dma_start3A_513 = arith.constant 0 : i32
    %dma_start3A_514 = arith.constant 0 : i32
    %dma_start3A_515 = tpu.memref_slice %arg6[%dma_start3A_499, %dma_start3A_500, %dma_start3A_513, %dma_start3A_514] : memref<2x2x200x64xf32, #tpu.memory_space<vmem>> -> memref<1x1x200x64xf32, #tpu.memory_space<vmem>>
    %dma_start3A_516 = tpu.memref_squeeze %dma_start3A_515 : memref<1x1x200x64xf32, #tpu.memory_space<vmem>> -> memref<200x64xf32, #tpu.memory_space<vmem>>
    tpu.enqueue_dma source(%dma_start3A_516 : memref<200x64xf32, #tpu.memory_space<vmem>>) target(%dma_start3A_512 : memref<200x64xf32, #tpu.memory_space<hbm>>) target_semaphore(%arg14 : memref<!tpu.dma_semaphore, #tpu.memory_space<semaphore_mem>>)
    %dma_wait3A_517 = arith.constant 1 : i32
    %dma_wait3A_518 = arith.constant 0 : i32
    %dma_wait3A_519 = arith.constant 0 : i32
    %dma_wait3A_520 = arith.constant 0 : i32
    %dma_wait3A_521 = tpu.memref_slice %arg6[%dma_wait3A_517, %dma_wait3A_518, %dma_wait3A_519, %dma_wait3A_520] : memref<2x2x200x64xf32, #tpu.memory_space<vmem>> -> memref<1x1x200x64xf32, #tpu.memory_space<vmem>>
    %dma_wait3A_522 = tpu.memref_squeeze %dma_wait3A_521 : memref<1x1x200x64xf32, #tpu.memory_space<vmem>> -> memref<200x64xf32, #tpu.memory_space<vmem>>
    %dma_wait3A_523 = arith.constant 0 : i32
    %dma_wait3A_524 = arith.constant 0 : i32
    %dma_wait3A_525 = tpu.memref_slice %arg4[%mul3A_4, %dma_wait3A_523, %dma_wait3A_524] : memref<8192x200x128xf32, #tpu.memory_space<hbm>> -> memref<1x200x64xf32, #tpu.memory_space<hbm>>
    %dma_wait3A_526 = tpu.memref_squeeze %dma_wait3A_525 : memref<1x200x64xf32, #tpu.memory_space<hbm>> -> memref<200x64xf32, #tpu.memory_space<hbm>>
    %dma_wait3A_527 = arith.constant 0 : i32
    %dma_wait3A_528 = arith.constant 0 : i32
    %dma_wait3A_529 = tpu.memref_slice %arg4[%mul3A_4, %dma_wait3A_527, %dma_wait3A_528] : memref<8192x200x128xf32, #tpu.memory_space<hbm>> -> memref<1x200x64xf32, #tpu.memory_space<hbm>>
    %dma_wait3A_530 = tpu.memref_squeeze %dma_wait3A_529 : memref<1x200x64xf32, #tpu.memory_space<hbm>> -> memref<200x64xf32, #tpu.memory_space<hbm>>
    %dma_wait3A_531 = arith.constant 0 : i32
    %dma_wait3A_532 = arith.constant 0 : i32
    %dma_wait3A_533 = tpu.memref_slice %arg6[%dma_wait3A_517, %dma_wait3A_518, %dma_wait3A_531, %dma_wait3A_532] : memref<2x2x200x64xf32, #tpu.memory_space<vmem>> -> memref<1x1x200x64xf32, #tpu.memory_space<vmem>>
    %dma_wait3A_534 = tpu.memref_squeeze %dma_wait3A_533 : memref<1x1x200x64xf32, #tpu.memory_space<vmem>> -> memref<200x64xf32, #tpu.memory_space<vmem>>
    tpu.wait_dma2 semaphore(%arg14 : memref<!tpu.dma_semaphore, #tpu.memory_space<semaphore_mem>>) src(%dma_wait3A_534 : memref<200x64xf32, #tpu.memory_space<vmem>>) dst(%dma_wait3A_530 : memref<200x64xf32, #tpu.memory_space<hbm>>)
    %dma_wait3A_535 = arith.constant 1 : i32
    %dma_wait3A_536 = arith.constant 1 : i32
    %dma_wait3A_537 = arith.constant 0 : i32
    %dma_wait3A_538 = arith.constant 0 : i32
    %dma_wait3A_539 = tpu.memref_slice %arg6[%dma_wait3A_535, %dma_wait3A_536, %dma_wait3A_537, %dma_wait3A_538] : memref<2x2x200x64xf32, #tpu.memory_space<vmem>> -> memref<1x1x200x64xf32, #tpu.memory_space<vmem>>
    %dma_wait3A_540 = tpu.memref_squeeze %dma_wait3A_539 : memref<1x1x200x64xf32, #tpu.memory_space<vmem>> -> memref<200x64xf32, #tpu.memory_space<vmem>>
    %dma_wait3A_541 = arith.constant 0 : i32
    %dma_wait3A_542 = arith.constant 64 : i32
    %dma_wait3A_543 = tpu.memref_slice %arg4[%mul3A_4, %dma_wait3A_541, %dma_wait3A_542] : memref<8192x200x128xf32, #tpu.memory_space<hbm>> -> memref<1x200x64xf32, #tpu.memory_space<hbm>>
    %dma_wait3A_544 = tpu.memref_squeeze %dma_wait3A_543 : memref<1x200x64xf32, #tpu.memory_space<hbm>> -> memref<200x64xf32, #tpu.memory_space<hbm>>
    %dma_wait3A_545 = arith.constant 0 : i32
    %dma_wait3A_546 = arith.constant 64 : i32
    %dma_wait3A_547 = tpu.memref_slice %arg4[%mul3A_4, %dma_wait3A_545, %dma_wait3A_546] : memref<8192x200x128xf32, #tpu.memory_space<hbm>> -> memref<1x200x64xf32, #tpu.memory_space<hbm>>
    %dma_wait3A_548 = tpu.memref_squeeze %dma_wait3A_547 : memref<1x200x64xf32, #tpu.memory_space<hbm>> -> memref<200x64xf32, #tpu.memory_space<hbm>>
    %dma_wait3A_549 = arith.constant 0 : i32
    %dma_wait3A_550 = arith.constant 0 : i32
    %dma_wait3A_551 = tpu.memref_slice %arg6[%dma_wait3A_535, %dma_wait3A_536, %dma_wait3A_549, %dma_wait3A_550] : memref<2x2x200x64xf32, #tpu.memory_space<vmem>> -> memref<1x1x200x64xf32, #tpu.memory_space<vmem>>
    %dma_wait3A_552 = tpu.memref_squeeze %dma_wait3A_551 : memref<1x1x200x64xf32, #tpu.memory_space<vmem>> -> memref<200x64xf32, #tpu.memory_space<vmem>>
    tpu.wait_dma2 semaphore(%arg14 : memref<!tpu.dma_semaphore, #tpu.memory_space<semaphore_mem>>) src(%dma_wait3A_552 : memref<200x64xf32, #tpu.memory_space<vmem>>) dst(%dma_wait3A_548 : memref<200x64xf32, #tpu.memory_space<hbm>>)
    %dma_wait3A_553 = arith.constant 3 : i32
    %dma_wait3A_554 = arith.constant 0 : i32
    %dma_wait3A_555 = arith.constant 0 : i32
    %dma_wait3A_556 = tpu.memref_slice %arg5[%dma_wait3A_553, %dma_wait3A_554, %dma_wait3A_555] : memref<4x2x200xi32, #tpu.memory_space<vmem>> -> memref<1x2x200xi32, #tpu.memory_space<vmem>>
    %dma_wait3A_557 = tpu.memref_squeeze %dma_wait3A_556 : memref<1x2x200xi32, #tpu.memory_space<vmem>> -> memref<2x200xi32, #tpu.memory_space<vmem>>
    %dma_wait3A_558 = arith.constant 0 : i32
    %dma_wait3A_559 = tpu.memref_slice %arg2[%mul3A_2, %dma_wait3A_558] : memref<16384x200xi32, #tpu.memory_space<hbm>> -> memref<2x200xi32, #tpu.memory_space<hbm>>
    %dma_wait3A_560 = arith.constant 0 : i32
    %dma_wait3A_561 = arith.constant 0 : i32
    %dma_wait3A_562 = tpu.memref_slice %arg5[%dma_wait3A_553, %dma_wait3A_560, %dma_wait3A_561] : memref<4x2x200xi32, #tpu.memory_space<vmem>> -> memref<1x2x200xi32, #tpu.memory_space<vmem>>
    %dma_wait3A_563 = tpu.memref_squeeze %dma_wait3A_562 : memref<1x2x200xi32, #tpu.memory_space<vmem>> -> memref<2x200xi32, #tpu.memory_space<vmem>>
    %dma_wait3A_564 = arith.constant 0 : i32
    %dma_wait3A_565 = tpu.memref_slice %arg2[%mul3A_2, %dma_wait3A_564] : memref<16384x200xi32, #tpu.memory_space<hbm>> -> memref<2x200xi32, #tpu.memory_space<hbm>>
    tpu.wait_dma2 semaphore(%arg10 : memref<!tpu.dma_semaphore, #tpu.memory_space<semaphore_mem>>) src(%dma_wait3A_565 : memref<2x200xi32, #tpu.memory_space<hbm>>) dst(%dma_wait3A_563 : memref<2x200xi32, #tpu.memory_space<vmem>>)
    %dma_start3A_566 = arith.constant 3 : i32
    %dma_start3A_567 = arith.constant 0 : i32
    %dma_start3A_568 = arith.constant 1 : i32
    %dma_start3A_569 = arith.constant 0 : i32
    %dma_start3A_570 = arith.constant 0 : i32
    %dma_start3A_571 = arith.constant 0 : i32
    %dma_start3A_572 = tpu.memref_slice %arg6[%dma_start3A_568, %dma_start3A_569, %dma_start3A_570, %dma_start3A_571] : memref<2x2x200x64xf32, #tpu.memory_space<vmem>> -> memref<1x1x128x64xf32, #tpu.memory_space<vmem>>
    %dma_start3A_573 = tpu.memref_squeeze %dma_start3A_572 : memref<1x1x128x64xf32, #tpu.memory_space<vmem>> -> memref<128x64xf32, #tpu.memory_space<vmem>>
    %dma_start3A_574 = arith.constant 0 : i32
    %dma_start3A_575 = tpu.memref_slice %arg5[%dma_start3A_566, %dma_start3A_567, %dma_start3A_574] : memref<4x2x200xi32, #tpu.memory_space<vmem>> -> memref<1x1x128xi32, #tpu.memory_space<vmem>>
    %dma_start3A_576 = tpu.memref_squeeze %dma_start3A_575 : memref<1x1x128xi32, #tpu.memory_space<vmem>> -> memref<128xi32, #tpu.memory_space<vmem>>
    %dma_start3A_577 = arith.constant 0 : i32
    %dma_start3A_578 = arith.constant 0 : i32
    %dma_start3A_579 = tpu.memref_slice %arg3[%dma_start3A_577, %dma_start3A_578] : memref<100000x64xf32, #tpu.memory_space<hbm>> -> memref<100000x64xf32, #tpu.memory_space<hbm>>
    tpu.enqueue_indirect_dma source(%dma_start3A_579 : memref<100000x64xf32, #tpu.memory_space<hbm>>) target(%dma_start3A_573 : memref<128x64xf32, #tpu.memory_space<vmem>>) offsets(%dma_start3A_576 : memref<128xi32, #tpu.memory_space<vmem>>) semaphore(%arg12 : memref<!tpu.dma_semaphore, #tpu.memory_space<semaphore_mem>>)
    %dma_start3A_580 = arith.constant 3 : i32
    %dma_start3A_581 = arith.constant 0 : i32
    %dma_start3A_582 = arith.constant 1 : i32
    %dma_start3A_583 = arith.constant 0 : i32
    %dma_start3A_584 = arith.constant 128 : i32
    %dma_start3A_585 = arith.constant 0 : i32
    %dma_start3A_586 = tpu.memref_slice %arg6[%dma_start3A_582, %dma_start3A_583, %dma_start3A_584, %dma_start3A_585] : memref<2x2x200x64xf32, #tpu.memory_space<vmem>> -> memref<1x1x72x64xf32, #tpu.memory_space<vmem>>
    %dma_start3A_587 = tpu.memref_squeeze %dma_start3A_586 : memref<1x1x72x64xf32, #tpu.memory_space<vmem>> -> memref<72x64xf32, #tpu.memory_space<vmem>>
    %dma_start3A_588 = arith.constant 128 : i32
    %dma_start3A_589 = tpu.memref_slice %arg5[%dma_start3A_580, %dma_start3A_581, %dma_start3A_588] : memref<4x2x200xi32, #tpu.memory_space<vmem>> -> memref<1x1x72xi32, #tpu.memory_space<vmem>>
    %dma_start3A_590 = tpu.memref_squeeze %dma_start3A_589 : memref<1x1x72xi32, #tpu.memory_space<vmem>> -> memref<72xi32, #tpu.memory_space<vmem>>
    %dma_start3A_591 = arith.constant 0 : i32
    %dma_start3A_592 = arith.constant 0 : i32
    %dma_start3A_593 = tpu.memref_slice %arg3[%dma_start3A_591, %dma_start3A_592] : memref<100000x64xf32, #tpu.memory_space<hbm>> -> memref<100000x64xf32, #tpu.memory_space<hbm>>
    tpu.enqueue_indirect_dma source(%dma_start3A_593 : memref<100000x64xf32, #tpu.memory_space<hbm>>) target(%dma_start3A_587 : memref<72x64xf32, #tpu.memory_space<vmem>>) offsets(%dma_start3A_590 : memref<72xi32, #tpu.memory_space<vmem>>) semaphore(%arg12 : memref<!tpu.dma_semaphore, #tpu.memory_space<semaphore_mem>>)
    %dma_start3A_594 = arith.constant 3 : i32
    %dma_start3A_595 = arith.constant 1 : i32
    %dma_start3A_596 = arith.constant 1 : i32
    %dma_start3A_597 = arith.constant 1 : i32
    %dma_start3A_598 = arith.constant 0 : i32
    %dma_start3A_599 = arith.constant 0 : i32
    %dma_start3A_600 = tpu.memref_slice %arg6[%dma_start3A_596, %dma_start3A_597, %dma_start3A_598, %dma_start3A_599] : memref<2x2x200x64xf32, #tpu.memory_space<vmem>> -> memref<1x1x128x64xf32, #tpu.memory_space<vmem>>
    %dma_start3A_601 = tpu.memref_squeeze %dma_start3A_600 : memref<1x1x128x64xf32, #tpu.memory_space<vmem>> -> memref<128x64xf32, #tpu.memory_space<vmem>>
    %dma_start3A_602 = arith.constant 0 : i32
    %dma_start3A_603 = tpu.memref_slice %arg5[%dma_start3A_594, %dma_start3A_595, %dma_start3A_602] : memref<4x2x200xi32, #tpu.memory_space<vmem>> -> memref<1x1x128xi32, #tpu.memory_space<vmem>>
    %dma_start3A_604 = tpu.memref_squeeze %dma_start3A_603 : memref<1x1x128xi32, #tpu.memory_space<vmem>> -> memref<128xi32, #tpu.memory_space<vmem>>
    %dma_start3A_605 = arith.constant 0 : i32
    %dma_start3A_606 = arith.constant 0 : i32
    %dma_start3A_607 = tpu.memref_slice %arg3[%dma_start3A_605, %dma_start3A_606] : memref<100000x64xf32, #tpu.memory_space<hbm>> -> memref<100000x64xf32, #tpu.memory_space<hbm>>
    tpu.enqueue_indirect_dma source(%dma_start3A_607 : memref<100000x64xf32, #tpu.memory_space<hbm>>) target(%dma_start3A_601 : memref<128x64xf32, #tpu.memory_space<vmem>>) offsets(%dma_start3A_604 : memref<128xi32, #tpu.memory_space<vmem>>) semaphore(%arg12 : memref<!tpu.dma_semaphore, #tpu.memory_space<semaphore_mem>>)
    %dma_start3A_608 = arith.constant 3 : i32
    %dma_start3A_609 = arith.constant 1 : i32
    %dma_start3A_610 = arith.constant 1 : i32
    %dma_start3A_611 = arith.constant 1 : i32
    %dma_start3A_612 = arith.constant 128 : i32
    %dma_start3A_613 = arith.constant 0 : i32
    %dma_start3A_614 = tpu.memref_slice %arg6[%dma_start3A_610, %dma_start3A_611, %dma_start3A_612, %dma_start3A_613] : memref<2x2x200x64xf32, #tpu.memory_space<vmem>> -> memref<1x1x72x64xf32, #tpu.memory_space<vmem>>
    %dma_start3A_615 = tpu.memref_squeeze %dma_start3A_614 : memref<1x1x72x64xf32, #tpu.memory_space<vmem>> -> memref<72x64xf32, #tpu.memory_space<vmem>>
    %dma_start3A_616 = arith.constant 128 : i32
    %dma_start3A_617 = tpu.memref_slice %arg5[%dma_start3A_608, %dma_start3A_609, %dma_start3A_616] : memref<4x2x200xi32, #tpu.memory_space<vmem>> -> memref<1x1x72xi32, #tpu.memory_space<vmem>>
    %dma_start3A_618 = tpu.memref_squeeze %dma_start3A_617 : memref<1x1x72xi32, #tpu.memory_space<vmem>> -> memref<72xi32, #tpu.memory_space<vmem>>
    %dma_start3A_619 = arith.constant 0 : i32
    %dma_start3A_620 = arith.constant 0 : i32
    %dma_start3A_621 = tpu.memref_slice %arg3[%dma_start3A_619, %dma_start3A_620] : memref<100000x64xf32, #tpu.memory_space<hbm>> -> memref<100000x64xf32, #tpu.memory_space<hbm>>
    tpu.enqueue_indirect_dma source(%dma_start3A_621 : memref<100000x64xf32, #tpu.memory_space<hbm>>) target(%dma_start3A_615 : memref<72x64xf32, #tpu.memory_space<vmem>>) offsets(%dma_start3A_618 : memref<72xi32, #tpu.memory_space<vmem>>) semaphore(%arg12 : memref<!tpu.dma_semaphore, #tpu.memory_space<semaphore_mem>>)
    %dma_wait3A_622 = arith.constant 2 : i32
    %dma_wait3A_623 = arith.constant 0 : i32
    %dma_wait3A_624 = arith.constant 0 : i32
    %dma_wait3A_625 = arith.constant 0 : i32
    %dma_wait3A_626 = arith.constant 0 : i32
    %dma_wait3A_627 = arith.constant 0 : i32
    %dma_wait3A_628 = tpu.memref_slice %arg6[%dma_wait3A_624, %dma_wait3A_625, %dma_wait3A_626, %dma_wait3A_627] : memref<2x2x200x64xf32, #tpu.memory_space<vmem>> -> memref<1x1x128x64xf32, #tpu.memory_space<vmem>>
    %dma_wait3A_629 = tpu.memref_squeeze %dma_wait3A_628 : memref<1x1x128x64xf32, #tpu.memory_space<vmem>> -> memref<128x64xf32, #tpu.memory_space<vmem>>
    %dma_wait3A_630 = arith.constant 0 : i32
    %dma_wait3A_631 = tpu.memref_slice %arg5[%dma_wait3A_622, %dma_wait3A_623, %dma_wait3A_630] : memref<4x2x200xi32, #tpu.memory_space<vmem>> -> memref<1x1x128xi32, #tpu.memory_space<vmem>>
    %dma_wait3A_632 = tpu.memref_squeeze %dma_wait3A_631 : memref<1x1x128xi32, #tpu.memory_space<vmem>> -> memref<128xi32, #tpu.memory_space<vmem>>
    %dma_wait3A_633 = arith.constant 0 : i32
    %dma_wait3A_634 = arith.constant 0 : i32
    %dma_wait3A_635 = tpu.memref_slice %arg3[%dma_wait3A_633, %dma_wait3A_634] : memref<100000x64xf32, #tpu.memory_space<hbm>> -> memref<100000x64xf32, #tpu.memory_space<hbm>>
    tpu.wait_indirect_dma semaphore(%arg11 : memref<!tpu.dma_semaphore, #tpu.memory_space<semaphore_mem>>) src(%dma_wait3A_635 : memref<100000x64xf32, #tpu.memory_space<hbm>>) dst(%dma_wait3A_629 : memref<128x64xf32, #tpu.memory_space<vmem>>)
    %dma_wait3A_636 = arith.constant 2 : i32
    %dma_wait3A_637 = arith.constant 0 : i32
    %dma_wait3A_638 = arith.constant 0 : i32
    %dma_wait3A_639 = arith.constant 0 : i32
    %dma_wait3A_640 = arith.constant 128 : i32
    %dma_wait3A_641 = arith.constant 0 : i32
    %dma_wait3A_642 = tpu.memref_slice %arg6[%dma_wait3A_638, %dma_wait3A_639, %dma_wait3A_640, %dma_wait3A_641] : memref<2x2x200x64xf32, #tpu.memory_space<vmem>> -> memref<1x1x72x64xf32, #tpu.memory_space<vmem>>
    %dma_wait3A_643 = tpu.memref_squeeze %dma_wait3A_642 : memref<1x1x72x64xf32, #tpu.memory_space<vmem>> -> memref<72x64xf32, #tpu.memory_space<vmem>>
    %dma_wait3A_644 = arith.constant 128 : i32
    %dma_wait3A_645 = tpu.memref_slice %arg5[%dma_wait3A_636, %dma_wait3A_637, %dma_wait3A_644] : memref<4x2x200xi32, #tpu.memory_space<vmem>> -> memref<1x1x72xi32, #tpu.memory_space<vmem>>
    %dma_wait3A_646 = tpu.memref_squeeze %dma_wait3A_645 : memref<1x1x72xi32, #tpu.memory_space<vmem>> -> memref<72xi32, #tpu.memory_space<vmem>>
    %dma_wait3A_647 = arith.constant 0 : i32
    %dma_wait3A_648 = arith.constant 0 : i32
    %dma_wait3A_649 = tpu.memref_slice %arg3[%dma_wait3A_647, %dma_wait3A_648] : memref<100000x64xf32, #tpu.memory_space<hbm>> -> memref<100000x64xf32, #tpu.memory_space<hbm>>
    tpu.wait_indirect_dma semaphore(%arg11 : memref<!tpu.dma_semaphore, #tpu.memory_space<semaphore_mem>>) src(%dma_wait3A_649 : memref<100000x64xf32, #tpu.memory_space<hbm>>) dst(%dma_wait3A_643 : memref<72x64xf32, #tpu.memory_space<vmem>>)
    %dma_wait3A_650 = arith.constant 2 : i32
    %dma_wait3A_651 = arith.constant 1 : i32
    %dma_wait3A_652 = arith.constant 0 : i32
    %dma_wait3A_653 = arith.constant 1 : i32
    %dma_wait3A_654 = arith.constant 0 : i32
    %dma_wait3A_655 = arith.constant 0 : i32
    %dma_wait3A_656 = tpu.memref_slice %arg6[%dma_wait3A_652, %dma_wait3A_653, %dma_wait3A_654, %dma_wait3A_655] : memref<2x2x200x64xf32, #tpu.memory_space<vmem>> -> memref<1x1x128x64xf32, #tpu.memory_space<vmem>>
    %dma_wait3A_657 = tpu.memref_squeeze %dma_wait3A_656 : memref<1x1x128x64xf32, #tpu.memory_space<vmem>> -> memref<128x64xf32, #tpu.memory_space<vmem>>
    %dma_wait3A_658 = arith.constant 0 : i32
    %dma_wait3A_659 = tpu.memref_slice %arg5[%dma_wait3A_650, %dma_wait3A_651, %dma_wait3A_658] : memref<4x2x200xi32, #tpu.memory_space<vmem>> -> memref<1x1x128xi32, #tpu.memory_space<vmem>>
    %dma_wait3A_660 = tpu.memref_squeeze %dma_wait3A_659 : memref<1x1x128xi32, #tpu.memory_space<vmem>> -> memref<128xi32, #tpu.memory_space<vmem>>
    %dma_wait3A_661 = arith.constant 0 : i32
    %dma_wait3A_662 = arith.constant 0 : i32
    %dma_wait3A_663 = tpu.memref_slice %arg3[%dma_wait3A_661, %dma_wait3A_662] : memref<100000x64xf32, #tpu.memory_space<hbm>> -> memref<100000x64xf32, #tpu.memory_space<hbm>>
    tpu.wait_indirect_dma semaphore(%arg11 : memref<!tpu.dma_semaphore, #tpu.memory_space<semaphore_mem>>) src(%dma_wait3A_663 : memref<100000x64xf32, #tpu.memory_space<hbm>>) dst(%dma_wait3A_657 : memref<128x64xf32, #tpu.memory_space<vmem>>)
    %dma_wait3A_664 = arith.constant 2 : i32
    %dma_wait3A_665 = arith.constant 1 : i32
    %dma_wait3A_666 = arith.constant 0 : i32
    %dma_wait3A_667 = arith.constant 1 : i32
    %dma_wait3A_668 = arith.constant 128 : i32
    %dma_wait3A_669 = arith.constant 0 : i32
    %dma_wait3A_670 = tpu.memref_slice %arg6[%dma_wait3A_666, %dma_wait3A_667, %dma_wait3A_668, %dma_wait3A_669] : memref<2x2x200x64xf32, #tpu.memory_space<vmem>> -> memref<1x1x72x64xf32, #tpu.memory_space<vmem>>
    %dma_wait3A_671 = tpu.memref_squeeze %dma_wait3A_670 : memref<1x1x72x64xf32, #tpu.memory_space<vmem>> -> memref<72x64xf32, #tpu.memory_space<vmem>>
    %dma_wait3A_672 = arith.constant 128 : i32
    %dma_wait3A_673 = tpu.memref_slice %arg5[%dma_wait3A_664, %dma_wait3A_665, %dma_wait3A_672] : memref<4x2x200xi32, #tpu.memory_space<vmem>> -> memref<1x1x72xi32, #tpu.memory_space<vmem>>
    %dma_wait3A_674 = tpu.memref_squeeze %dma_wait3A_673 : memref<1x1x72xi32, #tpu.memory_space<vmem>> -> memref<72xi32, #tpu.memory_space<vmem>>
    %dma_wait3A_675 = arith.constant 0 : i32
    %dma_wait3A_676 = arith.constant 0 : i32
    %dma_wait3A_677 = tpu.memref_slice %arg3[%dma_wait3A_675, %dma_wait3A_676] : memref<100000x64xf32, #tpu.memory_space<hbm>> -> memref<100000x64xf32, #tpu.memory_space<hbm>>
    tpu.wait_indirect_dma semaphore(%arg11 : memref<!tpu.dma_semaphore, #tpu.memory_space<semaphore_mem>>) src(%dma_wait3A_677 : memref<100000x64xf32, #tpu.memory_space<hbm>>) dst(%dma_wait3A_671 : memref<72x64xf32, #tpu.memory_space<vmem>>)
    %add3A_678 = arith.constant 254 : i32
    %add3A_679 = arith.addi %mul3A_4, %add3A_678 : i32
    %dma_start3A_680 = arith.constant 0 : i32
    %dma_start3A_681 = arith.constant 0 : i32
    %dma_start3A_682 = arith.constant 0 : i32
    %dma_start3A_683 = arith.constant 0 : i32
    %dma_start3A_684 = tpu.memref_slice %arg6[%dma_start3A_680, %dma_start3A_681, %dma_start3A_682, %dma_start3A_683] : memref<2x2x200x64xf32, #tpu.memory_space<vmem>> -> memref<1x1x200x64xf32, #tpu.memory_space<vmem>>
    %dma_start3A_685 = tpu.memref_squeeze %dma_start3A_684 : memref<1x1x200x64xf32, #tpu.memory_space<vmem>> -> memref<200x64xf32, #tpu.memory_space<vmem>>
    %dma_start3A_686 = arith.constant 0 : i32
    %dma_start3A_687 = arith.constant 0 : i32
    %dma_start3A_688 = tpu.memref_slice %arg4[%add3A_679, %dma_start3A_686, %dma_start3A_687] : memref<8192x200x128xf32, #tpu.memory_space<hbm>> -> memref<1x200x64xf32, #tpu.memory_space<hbm>>
    %dma_start3A_689 = tpu.memref_squeeze %dma_start3A_688 : memref<1x200x64xf32, #tpu.memory_space<hbm>> -> memref<200x64xf32, #tpu.memory_space<hbm>>
    %dma_start3A_690 = arith.constant 0 : i32
    %dma_start3A_691 = arith.constant 0 : i32
    %dma_start3A_692 = tpu.memref_slice %arg4[%add3A_679, %dma_start3A_690, %dma_start3A_691] : memref<8192x200x128xf32, #tpu.memory_space<hbm>> -> memref<1x200x64xf32, #tpu.memory_space<hbm>>
    %dma_start3A_693 = tpu.memref_squeeze %dma_start3A_692 : memref<1x200x64xf32, #tpu.memory_space<hbm>> -> memref<200x64xf32, #tpu.memory_space<hbm>>
    %dma_start3A_694 = arith.constant 0 : i32
    %dma_start3A_695 = arith.constant 0 : i32
    %dma_start3A_696 = tpu.memref_slice %arg6[%dma_start3A_680, %dma_start3A_681, %dma_start3A_694, %dma_start3A_695] : memref<2x2x200x64xf32, #tpu.memory_space<vmem>> -> memref<1x1x200x64xf32, #tpu.memory_space<vmem>>
    %dma_start3A_697 = tpu.memref_squeeze %dma_start3A_696 : memref<1x1x200x64xf32, #tpu.memory_space<vmem>> -> memref<200x64xf32, #tpu.memory_space<vmem>>
    tpu.enqueue_dma source(%dma_start3A_697 : memref<200x64xf32, #tpu.memory_space<vmem>>) target(%dma_start3A_693 : memref<200x64xf32, #tpu.memory_space<hbm>>) target_semaphore(%arg13 : memref<!tpu.dma_semaphore, #tpu.memory_space<semaphore_mem>>)
    %add3A_698 = arith.constant 254 : i32
    %add3A_699 = arith.addi %mul3A_4, %add3A_698 : i32
    %dma_start3A_700 = arith.constant 0 : i32
    %dma_start3A_701 = arith.constant 1 : i32
    %dma_start3A_702 = arith.constant 0 : i32
    %dma_start3A_703 = arith.constant 0 : i32
    %dma_start3A_704 = tpu.memref_slice %arg6[%dma_start3A_700, %dma_start3A_701, %dma_start3A_702, %dma_start3A_703] : memref<2x2x200x64xf32, #tpu.memory_space<vmem>> -> memref<1x1x200x64xf32, #tpu.memory_space<vmem>>
    %dma_start3A_705 = tpu.memref_squeeze %dma_start3A_704 : memref<1x1x200x64xf32, #tpu.memory_space<vmem>> -> memref<200x64xf32, #tpu.memory_space<vmem>>
    %dma_start3A_706 = arith.constant 0 : i32
    %dma_start3A_707 = arith.constant 64 : i32
    %dma_start3A_708 = tpu.memref_slice %arg4[%add3A_699, %dma_start3A_706, %dma_start3A_707] : memref<8192x200x128xf32, #tpu.memory_space<hbm>> -> memref<1x200x64xf32, #tpu.memory_space<hbm>>
    %dma_start3A_709 = tpu.memref_squeeze %dma_start3A_708 : memref<1x200x64xf32, #tpu.memory_space<hbm>> -> memref<200x64xf32, #tpu.memory_space<hbm>>
    %dma_start3A_710 = arith.constant 0 : i32
    %dma_start3A_711 = arith.constant 64 : i32
    %dma_start3A_712 = tpu.memref_slice %arg4[%add3A_699, %dma_start3A_710, %dma_start3A_711] : memref<8192x200x128xf32, #tpu.memory_space<hbm>> -> memref<1x200x64xf32, #tpu.memory_space<hbm>>
    %dma_start3A_713 = tpu.memref_squeeze %dma_start3A_712 : memref<1x200x64xf32, #tpu.memory_space<hbm>> -> memref<200x64xf32, #tpu.memory_space<hbm>>
    %dma_start3A_714 = arith.constant 0 : i32
    %dma_start3A_715 = arith.constant 0 : i32
    %dma_start3A_716 = tpu.memref_slice %arg6[%dma_start3A_700, %dma_start3A_701, %dma_start3A_714, %dma_start3A_715] : memref<2x2x200x64xf32, #tpu.memory_space<vmem>> -> memref<1x1x200x64xf32, #tpu.memory_space<vmem>>
    %dma_start3A_717 = tpu.memref_squeeze %dma_start3A_716 : memref<1x1x200x64xf32, #tpu.memory_space<vmem>> -> memref<200x64xf32, #tpu.memory_space<vmem>>
    tpu.enqueue_dma source(%dma_start3A_717 : memref<200x64xf32, #tpu.memory_space<vmem>>) target(%dma_start3A_713 : memref<200x64xf32, #tpu.memory_space<hbm>>) target_semaphore(%arg13 : memref<!tpu.dma_semaphore, #tpu.memory_space<semaphore_mem>>)
    %dma_wait3A_718 = arith.constant 3 : i32
    %dma_wait3A_719 = arith.constant 0 : i32
    %dma_wait3A_720 = arith.constant 1 : i32
    %dma_wait3A_721 = arith.constant 0 : i32
    %dma_wait3A_722 = arith.constant 0 : i32
    %dma_wait3A_723 = arith.constant 0 : i32
    %dma_wait3A_724 = tpu.memref_slice %arg6[%dma_wait3A_720, %dma_wait3A_721, %dma_wait3A_722, %dma_wait3A_723] : memref<2x2x200x64xf32, #tpu.memory_space<vmem>> -> memref<1x1x128x64xf32, #tpu.memory_space<vmem>>
    %dma_wait3A_725 = tpu.memref_squeeze %dma_wait3A_724 : memref<1x1x128x64xf32, #tpu.memory_space<vmem>> -> memref<128x64xf32, #tpu.memory_space<vmem>>
    %dma_wait3A_726 = arith.constant 0 : i32
    %dma_wait3A_727 = tpu.memref_slice %arg5[%dma_wait3A_718, %dma_wait3A_719, %dma_wait3A_726] : memref<4x2x200xi32, #tpu.memory_space<vmem>> -> memref<1x1x128xi32, #tpu.memory_space<vmem>>
    %dma_wait3A_728 = tpu.memref_squeeze %dma_wait3A_727 : memref<1x1x128xi32, #tpu.memory_space<vmem>> -> memref<128xi32, #tpu.memory_space<vmem>>
    %dma_wait3A_729 = arith.constant 0 : i32
    %dma_wait3A_730 = arith.constant 0 : i32
    %dma_wait3A_731 = tpu.memref_slice %arg3[%dma_wait3A_729, %dma_wait3A_730] : memref<100000x64xf32, #tpu.memory_space<hbm>> -> memref<100000x64xf32, #tpu.memory_space<hbm>>
    tpu.wait_indirect_dma semaphore(%arg12 : memref<!tpu.dma_semaphore, #tpu.memory_space<semaphore_mem>>) src(%dma_wait3A_731 : memref<100000x64xf32, #tpu.memory_space<hbm>>) dst(%dma_wait3A_725 : memref<128x64xf32, #tpu.memory_space<vmem>>)
    %dma_wait3A_732 = arith.constant 3 : i32
    %dma_wait3A_733 = arith.constant 0 : i32
    %dma_wait3A_734 = arith.constant 1 : i32
    %dma_wait3A_735 = arith.constant 0 : i32
    %dma_wait3A_736 = arith.constant 128 : i32
    %dma_wait3A_737 = arith.constant 0 : i32
    %dma_wait3A_738 = tpu.memref_slice %arg6[%dma_wait3A_734, %dma_wait3A_735, %dma_wait3A_736, %dma_wait3A_737] : memref<2x2x200x64xf32, #tpu.memory_space<vmem>> -> memref<1x1x72x64xf32, #tpu.memory_space<vmem>>
    %dma_wait3A_739 = tpu.memref_squeeze %dma_wait3A_738 : memref<1x1x72x64xf32, #tpu.memory_space<vmem>> -> memref<72x64xf32, #tpu.memory_space<vmem>>
    %dma_wait3A_740 = arith.constant 128 : i32
    %dma_wait3A_741 = tpu.memref_slice %arg5[%dma_wait3A_732, %dma_wait3A_733, %dma_wait3A_740] : memref<4x2x200xi32, #tpu.memory_space<vmem>> -> memref<1x1x72xi32, #tpu.memory_space<vmem>>
    %dma_wait3A_742 = tpu.memref_squeeze %dma_wait3A_741 : memref<1x1x72xi32, #tpu.memory_space<vmem>> -> memref<72xi32, #tpu.memory_space<vmem>>
    %dma_wait3A_743 = arith.constant 0 : i32
    %dma_wait3A_744 = arith.constant 0 : i32
    %dma_wait3A_745 = tpu.memref_slice %arg3[%dma_wait3A_743, %dma_wait3A_744] : memref<100000x64xf32, #tpu.memory_space<hbm>> -> memref<100000x64xf32, #tpu.memory_space<hbm>>
    tpu.wait_indirect_dma semaphore(%arg12 : memref<!tpu.dma_semaphore, #tpu.memory_space<semaphore_mem>>) src(%dma_wait3A_745 : memref<100000x64xf32, #tpu.memory_space<hbm>>) dst(%dma_wait3A_739 : memref<72x64xf32, #tpu.memory_space<vmem>>)
    %dma_wait3A_746 = arith.constant 3 : i32
    %dma_wait3A_747 = arith.constant 1 : i32
    %dma_wait3A_748 = arith.constant 1 : i32
    %dma_wait3A_749 = arith.constant 1 : i32
    %dma_wait3A_750 = arith.constant 0 : i32
    %dma_wait3A_751 = arith.constant 0 : i32
    %dma_wait3A_752 = tpu.memref_slice %arg6[%dma_wait3A_748, %dma_wait3A_749, %dma_wait3A_750, %dma_wait3A_751] : memref<2x2x200x64xf32, #tpu.memory_space<vmem>> -> memref<1x1x128x64xf32, #tpu.memory_space<vmem>>
    %dma_wait3A_753 = tpu.memref_squeeze %dma_wait3A_752 : memref<1x1x128x64xf32, #tpu.memory_space<vmem>> -> memref<128x64xf32, #tpu.memory_space<vmem>>
    %dma_wait3A_754 = arith.constant 0 : i32
    %dma_wait3A_755 = tpu.memref_slice %arg5[%dma_wait3A_746, %dma_wait3A_747, %dma_wait3A_754] : memref<4x2x200xi32, #tpu.memory_space<vmem>> -> memref<1x1x128xi32, #tpu.memory_space<vmem>>
    %dma_wait3A_756 = tpu.memref_squeeze %dma_wait3A_755 : memref<1x1x128xi32, #tpu.memory_space<vmem>> -> memref<128xi32, #tpu.memory_space<vmem>>
    %dma_wait3A_757 = arith.constant 0 : i32
    %dma_wait3A_758 = arith.constant 0 : i32
    %dma_wait3A_759 = tpu.memref_slice %arg3[%dma_wait3A_757, %dma_wait3A_758] : memref<100000x64xf32, #tpu.memory_space<hbm>> -> memref<100000x64xf32, #tpu.memory_space<hbm>>
    tpu.wait_indirect_dma semaphore(%arg12 : memref<!tpu.dma_semaphore, #tpu.memory_space<semaphore_mem>>) src(%dma_wait3A_759 : memref<100000x64xf32, #tpu.memory_space<hbm>>) dst(%dma_wait3A_753 : memref<128x64xf32, #tpu.memory_space<vmem>>)
    %dma_wait3A_760 = arith.constant 3 : i32
    %dma_wait3A_761 = arith.constant 1 : i32
    %dma_wait3A_762 = arith.constant 1 : i32
    %dma_wait3A_763 = arith.constant 1 : i32
    %dma_wait3A_764 = arith.constant 128 : i32
    %dma_wait3A_765 = arith.constant 0 : i32
    %dma_wait3A_766 = tpu.memref_slice %arg6[%dma_wait3A_762, %dma_wait3A_763, %dma_wait3A_764, %dma_wait3A_765] : memref<2x2x200x64xf32, #tpu.memory_space<vmem>> -> memref<1x1x72x64xf32, #tpu.memory_space<vmem>>
    %dma_wait3A_767 = tpu.memref_squeeze %dma_wait3A_766 : memref<1x1x72x64xf32, #tpu.memory_space<vmem>> -> memref<72x64xf32, #tpu.memory_space<vmem>>
    %dma_wait3A_768 = arith.constant 128 : i32
    %dma_wait3A_769 = tpu.memref_slice %arg5[%dma_wait3A_760, %dma_wait3A_761, %dma_wait3A_768] : memref<4x2x200xi32, #tpu.memory_space<vmem>> -> memref<1x1x72xi32, #tpu.memory_space<vmem>>
    %dma_wait3A_770 = tpu.memref_squeeze %dma_wait3A_769 : memref<1x1x72xi32, #tpu.memory_space<vmem>> -> memref<72xi32, #tpu.memory_space<vmem>>
    %dma_wait3A_771 = arith.constant 0 : i32
    %dma_wait3A_772 = arith.constant 0 : i32
    %dma_wait3A_773 = tpu.memref_slice %arg3[%dma_wait3A_771, %dma_wait3A_772] : memref<100000x64xf32, #tpu.memory_space<hbm>> -> memref<100000x64xf32, #tpu.memory_space<hbm>>
    tpu.wait_indirect_dma semaphore(%arg12 : memref<!tpu.dma_semaphore, #tpu.memory_space<semaphore_mem>>) src(%dma_wait3A_773 : memref<100000x64xf32, #tpu.memory_space<hbm>>) dst(%dma_wait3A_767 : memref<72x64xf32, #tpu.memory_space<vmem>>)
    %add3A_774 = arith.constant 255 : i32
    %add3A_775 = arith.addi %mul3A_4, %add3A_774 : i32
    %dma_start3A_776 = arith.constant 1 : i32
    %dma_start3A_777 = arith.constant 0 : i32
    %dma_start3A_778 = arith.constant 0 : i32
    %dma_start3A_779 = arith.constant 0 : i32
    %dma_start3A_780 = tpu.memref_slice %arg6[%dma_start3A_776, %dma_start3A_777, %dma_start3A_778, %dma_start3A_779] : memref<2x2x200x64xf32, #tpu.memory_space<vmem>> -> memref<1x1x200x64xf32, #tpu.memory_space<vmem>>
    %dma_start3A_781 = tpu.memref_squeeze %dma_start3A_780 : memref<1x1x200x64xf32, #tpu.memory_space<vmem>> -> memref<200x64xf32, #tpu.memory_space<vmem>>
    %dma_start3A_782 = arith.constant 0 : i32
    %dma_start3A_783 = arith.constant 0 : i32
    %dma_start3A_784 = tpu.memref_slice %arg4[%add3A_775, %dma_start3A_782, %dma_start3A_783] : memref<8192x200x128xf32, #tpu.memory_space<hbm>> -> memref<1x200x64xf32, #tpu.memory_space<hbm>>
    %dma_start3A_785 = tpu.memref_squeeze %dma_start3A_784 : memref<1x200x64xf32, #tpu.memory_space<hbm>> -> memref<200x64xf32, #tpu.memory_space<hbm>>
    %dma_start3A_786 = arith.constant 0 : i32
    %dma_start3A_787 = arith.constant 0 : i32
    %dma_start3A_788 = tpu.memref_slice %arg4[%add3A_775, %dma_start3A_786, %dma_start3A_787] : memref<8192x200x128xf32, #tpu.memory_space<hbm>> -> memref<1x200x64xf32, #tpu.memory_space<hbm>>
    %dma_start3A_789 = tpu.memref_squeeze %dma_start3A_788 : memref<1x200x64xf32, #tpu.memory_space<hbm>> -> memref<200x64xf32, #tpu.memory_space<hbm>>
    %dma_start3A_790 = arith.constant 0 : i32
    %dma_start3A_791 = arith.constant 0 : i32
    %dma_start3A_792 = tpu.memref_slice %arg6[%dma_start3A_776, %dma_start3A_777, %dma_start3A_790, %dma_start3A_791] : memref<2x2x200x64xf32, #tpu.memory_space<vmem>> -> memref<1x1x200x64xf32, #tpu.memory_space<vmem>>
    %dma_start3A_793 = tpu.memref_squeeze %dma_start3A_792 : memref<1x1x200x64xf32, #tpu.memory_space<vmem>> -> memref<200x64xf32, #tpu.memory_space<vmem>>
    tpu.enqueue_dma source(%dma_start3A_793 : memref<200x64xf32, #tpu.memory_space<vmem>>) target(%dma_start3A_789 : memref<200x64xf32, #tpu.memory_space<hbm>>) target_semaphore(%arg14 : memref<!tpu.dma_semaphore, #tpu.memory_space<semaphore_mem>>)
    %add3A_794 = arith.constant 255 : i32
    %add3A_795 = arith.addi %mul3A_4, %add3A_794 : i32
    %dma_start3A_796 = arith.constant 1 : i32
    %dma_start3A_797 = arith.constant 1 : i32
    %dma_start3A_798 = arith.constant 0 : i32
    %dma_start3A_799 = arith.constant 0 : i32
    %dma_start3A_800 = tpu.memref_slice %arg6[%dma_start3A_796, %dma_start3A_797, %dma_start3A_798, %dma_start3A_799] : memref<2x2x200x64xf32, #tpu.memory_space<vmem>> -> memref<1x1x200x64xf32, #tpu.memory_space<vmem>>
    %dma_start3A_801 = tpu.memref_squeeze %dma_start3A_800 : memref<1x1x200x64xf32, #tpu.memory_space<vmem>> -> memref<200x64xf32, #tpu.memory_space<vmem>>
    %dma_start3A_802 = arith.constant 0 : i32
    %dma_start3A_803 = arith.constant 64 : i32
    %dma_start3A_804 = tpu.memref_slice %arg4[%add3A_795, %dma_start3A_802, %dma_start3A_803] : memref<8192x200x128xf32, #tpu.memory_space<hbm>> -> memref<1x200x64xf32, #tpu.memory_space<hbm>>
    %dma_start3A_805 = tpu.memref_squeeze %dma_start3A_804 : memref<1x200x64xf32, #tpu.memory_space<hbm>> -> memref<200x64xf32, #tpu.memory_space<hbm>>
    %dma_start3A_806 = arith.constant 0 : i32
    %dma_start3A_807 = arith.constant 64 : i32
    %dma_start3A_808 = tpu.memref_slice %arg4[%add3A_795, %dma_start3A_806, %dma_start3A_807] : memref<8192x200x128xf32, #tpu.memory_space<hbm>> -> memref<1x200x64xf32, #tpu.memory_space<hbm>>
    %dma_start3A_809 = tpu.memref_squeeze %dma_start3A_808 : memref<1x200x64xf32, #tpu.memory_space<hbm>> -> memref<200x64xf32, #tpu.memory_space<hbm>>
    %dma_start3A_810 = arith.constant 0 : i32
    %dma_start3A_811 = arith.constant 0 : i32
    %dma_start3A_812 = tpu.memref_slice %arg6[%dma_start3A_796, %dma_start3A_797, %dma_start3A_810, %dma_start3A_811] : memref<2x2x200x64xf32, #tpu.memory_space<vmem>> -> memref<1x1x200x64xf32, #tpu.memory_space<vmem>>
    %dma_start3A_813 = tpu.memref_squeeze %dma_start3A_812 : memref<1x1x200x64xf32, #tpu.memory_space<vmem>> -> memref<200x64xf32, #tpu.memory_space<vmem>>
    tpu.enqueue_dma source(%dma_start3A_813 : memref<200x64xf32, #tpu.memory_space<vmem>>) target(%dma_start3A_809 : memref<200x64xf32, #tpu.memory_space<hbm>>) target_semaphore(%arg14 : memref<!tpu.dma_semaphore, #tpu.memory_space<semaphore_mem>>)
    %dma_wait3A_814 = arith.constant 0 : i32
    %dma_wait3A_815 = arith.constant 0 : i32
    %dma_wait3A_816 = arith.constant 0 : i32
    %dma_wait3A_817 = arith.constant 0 : i32
    %dma_wait3A_818 = tpu.memref_slice %arg6[%dma_wait3A_814, %dma_wait3A_815, %dma_wait3A_816, %dma_wait3A_817] : memref<2x2x200x64xf32, #tpu.memory_space<vmem>> -> memref<1x1x200x64xf32, #tpu.memory_space<vmem>>
    %dma_wait3A_819 = tpu.memref_squeeze %dma_wait3A_818 : memref<1x1x200x64xf32, #tpu.memory_space<vmem>> -> memref<200x64xf32, #tpu.memory_space<vmem>>
    %dma_wait3A_820 = arith.constant 0 : i32
    %dma_wait3A_821 = arith.constant 0 : i32
    %dma_wait3A_822 = tpu.memref_slice %arg4[%mul3A_4, %dma_wait3A_820, %dma_wait3A_821] : memref<8192x200x128xf32, #tpu.memory_space<hbm>> -> memref<1x200x64xf32, #tpu.memory_space<hbm>>
    %dma_wait3A_823 = tpu.memref_squeeze %dma_wait3A_822 : memref<1x200x64xf32, #tpu.memory_space<hbm>> -> memref<200x64xf32, #tpu.memory_space<hbm>>
    %dma_wait3A_824 = arith.constant 0 : i32
    %dma_wait3A_825 = arith.constant 0 : i32
    %dma_wait3A_826 = tpu.memref_slice %arg4[%mul3A_4, %dma_wait3A_824, %dma_wait3A_825] : memref<8192x200x128xf32, #tpu.memory_space<hbm>> -> memref<1x200x64xf32, #tpu.memory_space<hbm>>
    %dma_wait3A_827 = tpu.memref_squeeze %dma_wait3A_826 : memref<1x200x64xf32, #tpu.memory_space<hbm>> -> memref<200x64xf32, #tpu.memory_space<hbm>>
    %dma_wait3A_828 = arith.constant 0 : i32
    %dma_wait3A_829 = arith.constant 0 : i32
    %dma_wait3A_830 = tpu.memref_slice %arg6[%dma_wait3A_814, %dma_wait3A_815, %dma_wait3A_828, %dma_wait3A_829] : memref<2x2x200x64xf32, #tpu.memory_space<vmem>> -> memref<1x1x200x64xf32, #tpu.memory_space<vmem>>
    %dma_wait3A_831 = tpu.memref_squeeze %dma_wait3A_830 : memref<1x1x200x64xf32, #tpu.memory_space<vmem>> -> memref<200x64xf32, #tpu.memory_space<vmem>>
    tpu.wait_dma2 semaphore(%arg13 : memref<!tpu.dma_semaphore, #tpu.memory_space<semaphore_mem>>) src(%dma_wait3A_831 : memref<200x64xf32, #tpu.memory_space<vmem>>) dst(%dma_wait3A_827 : memref<200x64xf32, #tpu.memory_space<hbm>>)
    %dma_wait3A_832 = arith.constant 0 : i32
    %dma_wait3A_833 = arith.constant 1 : i32
    %dma_wait3A_834 = arith.constant 0 : i32
    %dma_wait3A_835 = arith.constant 0 : i32
    %dma_wait3A_836 = tpu.memref_slice %arg6[%dma_wait3A_832, %dma_wait3A_833, %dma_wait3A_834, %dma_wait3A_835] : memref<2x2x200x64xf32, #tpu.memory_space<vmem>> -> memref<1x1x200x64xf32, #tpu.memory_space<vmem>>
    %dma_wait3A_837 = tpu.memref_squeeze %dma_wait3A_836 : memref<1x1x200x64xf32, #tpu.memory_space<vmem>> -> memref<200x64xf32, #tpu.memory_space<vmem>>
    %dma_wait3A_838 = arith.constant 0 : i32
    %dma_wait3A_839 = arith.constant 64 : i32
    %dma_wait3A_840 = tpu.memref_slice %arg4[%mul3A_4, %dma_wait3A_838, %dma_wait3A_839] : memref<8192x200x128xf32, #tpu.memory_space<hbm>> -> memref<1x200x64xf32, #tpu.memory_space<hbm>>
    %dma_wait3A_841 = tpu.memref_squeeze %dma_wait3A_840 : memref<1x200x64xf32, #tpu.memory_space<hbm>> -> memref<200x64xf32, #tpu.memory_space<hbm>>
    %dma_wait3A_842 = arith.constant 0 : i32
    %dma_wait3A_843 = arith.constant 64 : i32
    %dma_wait3A_844 = tpu.memref_slice %arg4[%mul3A_4, %dma_wait3A_842, %dma_wait3A_843] : memref<8192x200x128xf32, #tpu.memory_space<hbm>> -> memref<1x200x64xf32, #tpu.memory_space<hbm>>
    %dma_wait3A_845 = tpu.memref_squeeze %dma_wait3A_844 : memref<1x200x64xf32, #tpu.memory_space<hbm>> -> memref<200x64xf32, #tpu.memory_space<hbm>>
    %dma_wait3A_846 = arith.constant 0 : i32
    %dma_wait3A_847 = arith.constant 0 : i32
    %dma_wait3A_848 = tpu.memref_slice %arg6[%dma_wait3A_832, %dma_wait3A_833, %dma_wait3A_846, %dma_wait3A_847] : memref<2x2x200x64xf32, #tpu.memory_space<vmem>> -> memref<1x1x200x64xf32, #tpu.memory_space<vmem>>
    %dma_wait3A_849 = tpu.memref_squeeze %dma_wait3A_848 : memref<1x1x200x64xf32, #tpu.memory_space<vmem>> -> memref<200x64xf32, #tpu.memory_space<vmem>>
    tpu.wait_dma2 semaphore(%arg13 : memref<!tpu.dma_semaphore, #tpu.memory_space<semaphore_mem>>) src(%dma_wait3A_849 : memref<200x64xf32, #tpu.memory_space<vmem>>) dst(%dma_wait3A_845 : memref<200x64xf32, #tpu.memory_space<hbm>>)
    %dma_wait3A_850 = arith.constant 1 : i32
    %dma_wait3A_851 = arith.constant 0 : i32
    %dma_wait3A_852 = arith.constant 0 : i32
    %dma_wait3A_853 = arith.constant 0 : i32
    %dma_wait3A_854 = tpu.memref_slice %arg6[%dma_wait3A_850, %dma_wait3A_851, %dma_wait3A_852, %dma_wait3A_853] : memref<2x2x200x64xf32, #tpu.memory_space<vmem>> -> memref<1x1x200x64xf32, #tpu.memory_space<vmem>>
    %dma_wait3A_855 = tpu.memref_squeeze %dma_wait3A_854 : memref<1x1x200x64xf32, #tpu.memory_space<vmem>> -> memref<200x64xf32, #tpu.memory_space<vmem>>
    %dma_wait3A_856 = arith.constant 0 : i32
    %dma_wait3A_857 = arith.constant 0 : i32
    %dma_wait3A_858 = tpu.memref_slice %arg4[%mul3A_4, %dma_wait3A_856, %dma_wait3A_857] : memref<8192x200x128xf32, #tpu.memory_space<hbm>> -> memref<1x200x64xf32, #tpu.memory_space<hbm>>
    %dma_wait3A_859 = tpu.memref_squeeze %dma_wait3A_858 : memref<1x200x64xf32, #tpu.memory_space<hbm>> -> memref<200x64xf32, #tpu.memory_space<hbm>>
    %dma_wait3A_860 = arith.constant 0 : i32
    %dma_wait3A_861 = arith.constant 0 : i32
    %dma_wait3A_862 = tpu.memref_slice %arg4[%mul3A_4, %dma_wait3A_860, %dma_wait3A_861] : memref<8192x200x128xf32, #tpu.memory_space<hbm>> -> memref<1x200x64xf32, #tpu.memory_space<hbm>>
    %dma_wait3A_863 = tpu.memref_squeeze %dma_wait3A_862 : memref<1x200x64xf32, #tpu.memory_space<hbm>> -> memref<200x64xf32, #tpu.memory_space<hbm>>
    %dma_wait3A_864 = arith.constant 0 : i32
    %dma_wait3A_865 = arith.constant 0 : i32
    %dma_wait3A_866 = tpu.memref_slice %arg6[%dma_wait3A_850, %dma_wait3A_851, %dma_wait3A_864, %dma_wait3A_865] : memref<2x2x200x64xf32, #tpu.memory_space<vmem>> -> memref<1x1x200x64xf32, #tpu.memory_space<vmem>>
    %dma_wait3A_867 = tpu.memref_squeeze %dma_wait3A_866 : memref<1x1x200x64xf32, #tpu.memory_space<vmem>> -> memref<200x64xf32, #tpu.memory_space<vmem>>
    tpu.wait_dma2 semaphore(%arg14 : memref<!tpu.dma_semaphore, #tpu.memory_space<semaphore_mem>>) src(%dma_wait3A_867 : memref<200x64xf32, #tpu.memory_space<vmem>>) dst(%dma_wait3A_863 : memref<200x64xf32, #tpu.memory_space<hbm>>)
    %dma_wait3A_868 = arith.constant 1 : i32
    %dma_wait3A_869 = arith.constant 1 : i32
    %dma_wait3A_870 = arith.constant 0 : i32
    %dma_wait3A_871 = arith.constant 0 : i32
    %dma_wait3A_872 = tpu.memref_slice %arg6[%dma_wait3A_868, %dma_wait3A_869, %dma_wait3A_870, %dma_wait3A_871] : memref<2x2x200x64xf32, #tpu.memory_space<vmem>> -> memref<1x1x200x64xf32, #tpu.memory_space<vmem>>
    %dma_wait3A_873 = tpu.memref_squeeze %dma_wait3A_872 : memref<1x1x200x64xf32, #tpu.memory_space<vmem>> -> memref<200x64xf32, #tpu.memory_space<vmem>>
    %dma_wait3A_874 = arith.constant 0 : i32
    %dma_wait3A_875 = arith.constant 64 : i32
    %dma_wait3A_876 = tpu.memref_slice %arg4[%mul3A_4, %dma_wait3A_874, %dma_wait3A_875] : memref<8192x200x128xf32, #tpu.memory_space<hbm>> -> memref<1x200x64xf32, #tpu.memory_space<hbm>>
    %dma_wait3A_877 = tpu.memref_squeeze %dma_wait3A_876 : memref<1x200x64xf32, #tpu.memory_space<hbm>> -> memref<200x64xf32, #tpu.memory_space<hbm>>
    %dma_wait3A_878 = arith.constant 0 : i32
    %dma_wait3A_879 = arith.constant 64 : i32
    %dma_wait3A_880 = tpu.memref_slice %arg4[%mul3A_4, %dma_wait3A_878, %dma_wait3A_879] : memref<8192x200x128xf32, #tpu.memory_space<hbm>> -> memref<1x200x64xf32, #tpu.memory_space<hbm>>
    %dma_wait3A_881 = tpu.memref_squeeze %dma_wait3A_880 : memref<1x200x64xf32, #tpu.memory_space<hbm>> -> memref<200x64xf32, #tpu.memory_space<hbm>>
    %dma_wait3A_882 = arith.constant 0 : i32
    %dma_wait3A_883 = arith.constant 0 : i32
    %dma_wait3A_884 = tpu.memref_slice %arg6[%dma_wait3A_868, %dma_wait3A_869, %dma_wait3A_882, %dma_wait3A_883] : memref<2x2x200x64xf32, #tpu.memory_space<vmem>> -> memref<1x1x200x64xf32, #tpu.memory_space<vmem>>
    %dma_wait3A_885 = tpu.memref_squeeze %dma_wait3A_884 : memref<1x1x200x64xf32, #tpu.memory_space<vmem>> -> memref<200x64xf32, #tpu.memory_space<vmem>>
    tpu.wait_dma2 semaphore(%arg14 : memref<!tpu.dma_semaphore, #tpu.memory_space<semaphore_mem>>) src(%dma_wait3A_885 : memref<200x64xf32, #tpu.memory_space<vmem>>) dst(%dma_wait3A_881 : memref<200x64xf32, #tpu.memory_space<hbm>>)
    %dma_wait3A_886 = arith.constant 0 : i32
    %dma_wait3A_887 = arith.constant 0 : i32
    %dma_wait3A_888 = arith.constant 0 : i32
    %dma_wait3A_889 = tpu.memref_slice %arg5[%dma_wait3A_886, %dma_wait3A_887, %dma_wait3A_888] : memref<4x2x200xi32, #tpu.memory_space<vmem>> -> memref<1x2x200xi32, #tpu.memory_space<vmem>>
    %dma_wait3A_890 = tpu.memref_squeeze %dma_wait3A_889 : memref<1x2x200xi32, #tpu.memory_space<vmem>> -> memref<2x200xi32, #tpu.memory_space<vmem>>
    %dma_wait3A_891 = arith.constant 0 : i32
    %dma_wait3A_892 = tpu.memref_slice %arg2[%mul3A_2, %dma_wait3A_891] : memref<16384x200xi32, #tpu.memory_space<hbm>> -> memref<2x200xi32, #tpu.memory_space<hbm>>
    %dma_wait3A_893 = arith.constant 0 : i32
    %dma_wait3A_894 = arith.constant 0 : i32
    %dma_wait3A_895 = tpu.memref_slice %arg5[%dma_wait3A_886, %dma_wait3A_893, %dma_wait3A_894] : memref<4x2x200xi32, #tpu.memory_space<vmem>> -> memref<1x2x200xi32, #tpu.memory_space<vmem>>
    %dma_wait3A_896 = tpu.memref_squeeze %dma_wait3A_895 : memref<1x2x200xi32, #tpu.memory_space<vmem>> -> memref<2x200xi32, #tpu.memory_space<vmem>>
    %dma_wait3A_897 = arith.constant 0 : i32
    %dma_wait3A_898 = tpu.memref_slice %arg2[%mul3A_2, %dma_wait3A_897] : memref<16384x200xi32, #tpu.memory_space<hbm>> -> memref<2x200xi32, #tpu.memory_space<hbm>>
    tpu.wait_dma2 semaphore(%arg7 : memref<!tpu.dma_semaphore, #tpu.memory_space<semaphore_mem>>) src(%dma_wait3A_898 : memref<2x200xi32, #tpu.memory_space<hbm>>) dst(%dma_wait3A_896 : memref<2x200xi32, #tpu.memory_space<vmem>>)
    return
  }
}

module attributes {stable_mosaic.version = 14 : i64} {
  func.func @body(%arg0: i32, %arg1: i32, %arg2: memref<128x40x128xf32, #tpu.memory_space<vmem>>, %arg3: memref<40x64x256xf32, #tpu.memory_space<vmem>>) attributes {dimension_semantics = [#tpu.dimension_semantics<arbitrary>, #tpu.dimension_semantics<arbitrary>], iteration_bounds = array<i64: 64, 5>, scalar_prefetch = 0 : i64, scratch_operands = 0 : i64, tpu.core_type = #tpu.core_type<tc>, window_params = [{transform_indices = @transform_0, window_bounds = array<i64: 128, 40, 128>}, {transform_indices = @transform_1, window_bounds = array<i64: 40, 64, 256>}]} {
    %get3A = arith.constant 0 : index
    %get3A_0 = arith.constant 0 : index
    %get3A_1 = arith.constant 0 : index
    %get3A_2 = vector.load %arg2[%get3A, %get3A_0, %get3A_1] : memref<128x40x128xf32, #tpu.memory_space<vmem>>, vector<128x40x128xf32>
    %iota3A = tpu.iota {dimensions = array<i32: 0>} : vector<128x256xi32>
    %iota3A_3 = tpu.iota {dimensions = array<i32: 1>} : vector<128x256xi32>
    %mul3A = arith.constant 2 : i32
    %mul3A_4 = vector.broadcast %mul3A : i32 to vector<128x256xi32>
    %mul3A_5 = arith.muli %mul3A_4, %iota3A : vector<128x256xi32>
    %add3A = arith.constant 0 : i32
    %add3A_6 = vector.broadcast %add3A : i32 to vector<128x256xi32>
    %add3A_7 = arith.addi %mul3A_5, %add3A_6 : vector<128x256xi32>
    %eq3A = arith.cmpi eq, %iota3A_3, %add3A_7 : vector<128x256xi32>
    %convert_element_type3A = arith.extui %eq3A : vector<128x256xi1> to vector<128x256xi32>
    %convert_element_type3A_8 = arith.sitofp %convert_element_type3A : vector<128x256xi32> to vector<128x256xf32>
    %slice3A = vector.extract_strided_slice %get3A_2 {offsets = [0, 0, 0], sizes = [128, 40, 64], strides = [1, 1, 1]} : vector<128x40x128xf32> to vector<128x40x64xf32>
    %dot_general3A = arith.constant dense<0.000000e+00> : vector<40x64x256xf32>
    %dot_general3A_9 = tpu.matmul %slice3A, %convert_element_type3A_8, %dot_general3A {dimension_numbers = #tpu.dot_dimension_numbers<[0], [0], [1, 2], [1], [0, 1, 0, 2, 1, 1], [], []>, transpose_lhs_hint = false} : vector<128x40x64xf32>, vector<128x256xf32>, vector<40x64x256xf32> -> vector<40x64x256xf32>
    %mul3A_10 = arith.constant 2 : i32
    %mul3A_11 = vector.broadcast %mul3A_10 : i32 to vector<128x256xi32>
    %mul3A_12 = arith.muli %mul3A_11, %iota3A : vector<128x256xi32>
    %add3A_13 = arith.constant 1 : i32
    %add3A_14 = vector.broadcast %add3A_13 : i32 to vector<128x256xi32>
    %add3A_15 = arith.addi %mul3A_12, %add3A_14 : vector<128x256xi32>
    %eq3A_16 = arith.cmpi eq, %iota3A_3, %add3A_15 : vector<128x256xi32>
    %convert_element_type3A_17 = arith.extui %eq3A_16 : vector<128x256xi1> to vector<128x256xi32>
    %convert_element_type3A_18 = arith.sitofp %convert_element_type3A_17 : vector<128x256xi32> to vector<128x256xf32>
    %slice3A_19 = vector.extract_strided_slice %get3A_2 {offsets = [0, 0, 64], sizes = [128, 40, 64], strides = [1, 1, 1]} : vector<128x40x128xf32> to vector<128x40x64xf32>
    %dot_general3A_20 = arith.constant dense<0.000000e+00> : vector<40x64x256xf32>
    %dot_general3A_21 = tpu.matmul %slice3A_19, %convert_element_type3A_18, %dot_general3A_20 {dimension_numbers = #tpu.dot_dimension_numbers<[0], [0], [1, 2], [1], [0, 1, 0, 2, 1, 1], [], []>, transpose_lhs_hint = false} : vector<128x40x64xf32>, vector<128x256xf32>, vector<40x64x256xf32> -> vector<40x64x256xf32>
    %add3A_22 = arith.addf %dot_general3A_9, %dot_general3A_21 : vector<40x64x256xf32>
    %swap3A = arith.constant 0 : index
    %swap3A_23 = arith.constant 0 : index
    %swap3A_24 = arith.constant 0 : index
    %swap3A_25 = vector.load %arg3[%swap3A, %swap3A_23, %swap3A_24] : memref<40x64x256xf32, #tpu.memory_space<vmem>>, vector<40x64x256xf32>
    tpu.vector_store %arg3[%swap3A, %swap3A_23, %swap3A_24], %add3A_22 {strides = array<i32>} : memref<40x64x256xf32, #tpu.memory_space<vmem>>, vector<40x64x256xf32>,
    return
  }
  func.func @transform_0(%arg0: i32, %arg1: i32) -> (i32, i32, i32) {
    %c0_i32 = arith.constant 0 : i32
    %c0_i32_0 = arith.constant 0 : i32
    return %arg0, %arg1, %c0_i32 : i32, i32, i32
  }
  func.func @transform_1(%arg0: i32, %arg1: i32) -> (i32, i32, i32) {
    %c0_i32 = arith.constant 0 : i32
    %c0_i32_0 = arith.constant 0 : i32
    return %arg1, %c0_i32, %arg0 : i32, i32, i32
  }
}

</mosaic_0001>

<sc_bundles>
// kernel: kernel.4.cloned.1.call-start
scs
__scs_entry_jumppad:
0x0: {  	(pc) =	sbr.rel $0x88, $3  }
0x1: {  	(tag) =	ssettag $0x0;
	lr =	simm.s32 $0x1  }
0x2: {  	[smem:$0x3F9F] =	sst lr;
	_ =	strace $0xD0000000  }
0x3: {  	_ = 	snop  }
0x4: {  	_ = 	snop  }
0x5: {  	_ = 	snop  }
0x6: {  	_ = 	snop  }
0x7: {  	_ = 	snop  }
__scs_overlays_trampoline_lowered:
0x8: {  	[smem:$0x3FAE] =	sst s0  }
0x9: {  	[smem:$0x3FAF] =	sst s1  }
0xa: {  	[smem:$0x3FB0] =	sst s2  }
0xb: {  	[smem:$0x3FB1] =	sst s3  }
0xc: {  	[smem:$0x3FB2] =	sst s4  }
0xd: {  	[smem:$0x3FB3] =	sst s5  }
0xe: {  	[smem:$0x3FB4] =	sst s6  }
0xf: {  	[smem:$0x3FB5] =	sst s7  }
0x10: {  	[smem:$0x3FB6] =	sst s8  }
0x11: {  	[smem:$0x3FB7] =	sst s9;
	s0 =	simm.s32 @!p0 $0x0  }
0x12: {  	s1 =	sld [smem:$0x3F9D];
	s0 =	simm.s32 @p0 $0x1  }
0x13: {  	[smem:$0x3FB8] =	sst s0;
	s0 =	simm.s32 @!p1 $0x0  }
0x14: {  	s2 =	sld [smem:$0x3F9C];
	s0 =	simm.s32 @p1 $0x1  }
0x15: {  	[smem:$0x3FB9] =	sst s0;
	s0 =	simm.s32 @!p2 $0x0  }
0x16: {  	s3 =	sld [smem:$0x3FDB];
	s0 =	simm.s32 @p2 $0x1  }
0x17: {  	s4 =	simm.s32 $0x1BF5;
	[smem:$0x3FBB] =	sst s0  }
0x18: {  	s0 =	sld [smem:$0x3F9E];
	_ =	swait.ge [sflag:s4], $0x0  }
0x19: {  	s7 =	sld [smem:$0x3F9F]  }
0x1a: {  	s8 =	sadd.s32 $0xFFFFE003, lr  }
0x1b: {  	s9 =	sadd.s32 $0xFFFFFEF7, lr;
	s5 =	simm.s32 $0xFFFFFFFF;
	p2 =	slt.u32 s8, $0xFFFFF086  }
0x1c: {  	p1 =	slt.u32 s9, $0xF7A;
	s5 =	simm.s32 @!p2 $0x0  }
0x1d: {  	s5 =	simm.s32 @p1 $0x1;
	p0 =	seq.s32 s7, s2  }
0x1e: {  	s7 =	smul.u32 @!p0 $0xF7A, s2;
	p2 =	seq.s32 @!p0 s5, $0x0  }
0x1f: {  	s9 =	smul.u32 $0xF7A, s1;
	s8 =	simm.s32 @!p0 $0x1BF5;
	p2 =	por !p2, p0  }
0x20: {  	[sflag:s8] =	ssyncset.s32 @!p0 $0xFFFFF086;
	s6 =	sadd.s32 @!p0 s3, s7;
	s7 =	simm.s32 @!p0 $0x108  }
0x21: {  	s3 =	sadd.s32 s3, s9;
	s6 =	sadd.s32 @!p0 $0x88, s6;
	s7 =	simm.s32 @p2 $0x1082  }
0x22: {  	[simem:s7], [sflag:s8] =	dma.local @!p0 [hbm:s6], $0xF7A  }
0x23: {  	s9 =	sor.u32 $0xD0000000, s2;
	s6 =	simm.s32 $0x108;
	_ =	swait.ge @!p0 [sflag:s8], $0x0  }
0x24: {  	s3 =	sadd.s32 $0x88, s3;
	s6 =	simm.s32 @!p1 $0x1082;
	[sflag:s4] =	ssyncset.s32 $0xFFFFF086  }
0x25: {  	[simem:s6], [sflag:s4] =	dma.local [hbm:s3], $0xF7A  }
0x26: {  	[smem:$0x3F9F] =	sst s1;
	(tag) =	ssettag s2;
	_ =	strace s9  }
0x27: {  	s1 =	sld [smem:$0x3FAF]  }
0x28: {  	s2 =	sld [smem:$0x3FB0]  }
0x29: {  	s4 =	sld [smem:$0x3FB2]  }
0x2a: {  	p0 =	seq.s32 s5, $0x0;
	s5 =	sld [smem:$0x3FB3]  }
0x2b: {  	s6 =	sld [smem:$0x3FB4]  }
0x2c: {  	s7 =	sld [smem:$0x3FB5]  }
0x2d: {  	s3 =	simm.s32 $0x108;
	s8 =	sld [smem:$0x3FB6]  }
0x2e: {  	s3 =	simm.s32 @!p0 $0x1082;
	s9 =	sld [smem:$0x3FB7]  }
0x2f: {  	lr =	sadd.s32 s0, s3;
	s0 =	sld [smem:$0x3FAE]  }
0x30: {  	s3 =	sld [smem:$0x3FB1]  }
0x31: {  	[smem:$0x3FBA] =	sst s10  }
0x32: {  	s10 =	sld [smem:$0x3FB8];
	_ =	sdelay $0x3  }
0x33: {  	p0 =	seq.s32 s10, $0x1;
	s10 =	sld [smem:$0x3FBA];
	_ =	sdelay $0x3  }
0x34: {  	[smem:$0x3FBA] =	sst s10  }
0x35: {  	s10 =	sld [smem:$0x3FB9];
	_ =	sdelay $0x3  }
0x36: {  	p1 =	seq.s32 s10, $0x1;
	s10 =	sld [smem:$0x3FBA];
	_ =	sdelay $0x3  }
0x37: {  	[smem:$0x3FBA] =	sst s10  }
0x38: {  	s10 =	sld [smem:$0x3FBB]  }
0x39: {  	_ = 	snop;
	(pc) =	sbr.ind lr, $3  }
0x3a: {  	_ = 	snop  }
0x3b: {  	_ = 	snop  }
0x3c: {  	p2 =	seq.s32 s10, $0x1;
	s10 =	sld [smem:$0x3FBA]  }
0x3d: {  	_ =	shalt  }
0x3e: {  	_ =	shalt  }
0x3f: {  	_ =	shalt  }
0x40: {  	_ =	shalt  }
0x41: {  	_ =	shalt  }
0x42: {  	_ =	shalt  }
0x43: {  	_ =	shalt  }
0x44: {  	_ =	shalt  }
0x45: {  	_ =	shalt  }
0x46: {  	_ =	shalt  }
0x47: {  	_ =	shalt  }
0x48: {  	_ =	shalt  }
0x49: {  	_ =	shalt  }
0x4a: {  	_ =	shalt  }
0x4b: {  	_ =	shalt  }
0x4c: {  	_ =	shalt  }
0x4d: {  	_ =	shalt  }
0x4e: {  	_ =	shalt  }
0x4f: {  	_ =	shalt  }
0x50: {  	_ =	shalt  }
0x51: {  	_ =	shalt  }
0x52: {  	_ =	shalt  }
0x53: {  	_ =	shalt  }
0x54: {  	_ =	shalt  }
0x55: {  	_ =	shalt  }
0x56: {  	_ =	shalt  }
0x57: {  	_ =	shalt  }
0x58: {  	_ =	shalt  }
0x59: {  	_ =	shalt  }
0x5a: {  	_ =	shalt  }
0x5b: {  	_ =	shalt  }
0x5c: {  	_ =	shalt  }
0x5d: {  	_ =	shalt  }
0x5e: {  	_ =	shalt  }
0x5f: {  	_ =	shalt  }
0x60: {  	_ =	shalt  }
0x61: {  	_ =	shalt  }
0x62: {  	_ =	shalt  }
0x63: {  	_ =	shalt  }
0x64: {  	_ =	shalt  }
0x65: {  	_ =	shalt  }
0x66: {  	_ =	shalt  }
0x67: {  	_ =	shalt  }
0x68: {  	_ =	shalt  }
0x69: {  	_ =	shalt  }
0x6a: {  	_ =	shalt  }
0x6b: {  	_ =	shalt  }
0x6c: {  	_ =	shalt  }
0x6d: {  	_ =	shalt  }
0x6e: {  	_ =	shalt  }
0x6f: {  	_ =	shalt  }
0x70: {  	_ =	shalt  }
0x71: {  	_ =	shalt  }
0x72: {  	_ =	shalt  }
0x73: {  	_ =	shalt  }
0x74: {  	_ =	shalt  }
0x75: {  	_ =	shalt  }
0x76: {  	_ =	shalt  }
0x77: {  	_ =	shalt  }
0x78: {  	_ =	shalt  }
0x79: {  	_ =	shalt  }
0x7a: {  	_ =	shalt  }
0x7b: {  	_ =	shalt  }
0x7c: {  	_ =	shalt  }
0x7d: {  	_ =	shalt  }
0x7e: {  	_ =	shalt  }
0x7f: {  	_ =	shalt  }
0x80: {  	_ =	shalt  }
0x81: {  	_ =	shalt  }
0x82: {  	_ =	shalt  }
0x83: {  	_ =	shalt  }
0x84: {  	_ =	shalt  }
0x85: {  	_ =	shalt  }
0x86: {  	_ =	shalt  }
0x87: {  	_ =	shalt  }
.Lfunc_end0:
.L_simem_size_0:
called_computation_lowered:
.L_overlay_start_0:
0x88: {  	s2 =	sld [smem:$0x3FD9]  }
0x89: {  	s3 =	sld [smem:$0x3FFE];
	_ =	sdelay $0x1  }
0x8a: {  	s1 =	srdreg.scid  }
0x8b: {  	s0 =	sand.u32 $0x1, s1  }
0x8c: {  	s16 =	sshll.u32 s0, $0xA;
	s2 =	sadd.s32 s3, s2  }
0x8d: {  	s2 =	sadd.s32 s2, s16  }
0x8e: {  	[smem:$0x3FC6] =	sst s2  }
0x8f: {  	_ = 	snop  }
0x90: {  	(tm) =	ssettm $0x1  }
0x91: {  	s17 =	sld [smem:$0x3FFB];
	_ =	sdelay $0x3  }
0x92: {  	_ =	strace s17  }
0x93: {  	s2 =	sld [smem:$0x3FFC];
	_ =	sdelay $0x3  }
0x94: {  	_ =	strace s2  }
0x95: {  	s2 =	sld [smem:$0x3FFD];
	_ =	sdelay $0x3  }
0x96: {  	_ =	strace s2  }
0x97: {  	_ =	strace $0x8FFFFFFF  }
0x98: {  	s18 =	sld [smem:$0x3FDB];
	_ =	sdelay $0x1  }
0x99: {  	s19 =	simm.s32 $_scs_section_size  }
0x9a: {  	s4 =	simm.s32 $_size__tile_overlayer_lowered;
	s5 =	simm.s32 $_tile_overlayer_lowered  }
0x9b: {  	s22 =	simm.s32 $0x1BFF;
	s21 =	sshll.u32 s5, $0x1;
	s2 =	sadd.s32 s19, s18  }
0x9c: {  	s6 =	simm.s32 $0x0;
	s20 =	sshll.u32 s4, $0x1;
	s4 =	sadd.s32 s21, s2  }
0x9d: {  	[timem:s6], [sflag:s22] =	dma.local [hbm:s4], s20  }
0x9e: {  	_ =	swait.ge [sflag:s22], s20  }
0x9f: {  	s3 =	ssub.s32 $0x0, s20;
	[sflag:s22] =	ssyncset.done $0x0  }
0xa0: {  	[sflag:s22] =	ssyncadd.s32 s3;
	_ =	sdelay $0x1  }
0xa1: {  	s23 =	simm.s32 $0x1B8B  }
0xa2: {  	_ =	swait.ge [sflag:s23], $0x1  }
0xa3: {  	[sflag:s23] =	ssyncset.done $0x0  }
0xa4: {  	s25 =	simm.s32 $0x1B8E;
	s24 =	sld [smem:$0x3FFE];
	[sflag:s23] =	ssyncadd.s32 $0xFFFFFFFF  }
0xa5: {  	s26 =	simm.s32 $execute0_lowered;
	[smem:$0x3FD2] =	sst s25  }
0xa6: {  	s4 =	sshll.u32 s26, $0x1;
	_ =	strace $0x80000046;
	[dreg:$0x1] =	wrdreg $0xFFFFFFFF  }
0xa7: {  	s28 =	simm.s32 $_size_execute0_lowered;
	s2 =	sadd.s32 s2, s4;
	[dreg:$0x0] =	wrdreg $0x0  }
0xa8: {  	s4 =	sshll.u32 s28, $0x1;
	[dreg:$0x2] =	wrdreg s2  }
0xa9: {  	[dreg:$0x3] =	wrdreg s4  }
0xaa: {  	[dreg:$0x4] =	wrdreg $0xC0  }
0xab: {  	_ =	task [dreg:s6], $0x5FFFF  }
0xac: {  	[dreg:$0x1] =	wrdreg $0xFFFFFFFF  }
0xad: {  	[dreg:$0x0] =	wrdreg $0x60  }
0xae: {  	[dreg:$0x2] =	wrdreg s24  }
0xaf: {  	[dreg:$0x3] =	wrdreg $0x9  }
0xb0: {  	_ =	task.clear_ibuf [dreg:s6], $0x4FFFF;
	_ =	strace $0x90000046  }
0xb1: {  	s29 =	simm.s32 $0x9;
	_ =	strace $0x80000048  }
0xb2: {  	_ =	swait.ge [sflag:s29], $0x1  }
0xb3: {  	[sflag:s29] =	ssyncadd.s32 $0xFFFFFFFF  }
0xb4: {  	_ =	strace $0x90000048  }
0xb5: {  	_ =	sfence  }
0xb6: {  	s30 =	sld [smem:$0x0];
	_ =	sdelay $0x2  }
0xb7: {  	s31 =	sshll.u32 s1, $0xD;
	s1 =	sshrl.u32 s1, $0x2  }
0xb8: {  	s3 =	sand.u32 $0x4000, s31;
	s1 =	sadd.s32 s1, s30  }
0xb9: {  	s0 =	sor.u32 s3, s0;
	s1 =	sshll.u32 s1, $0x11  }
0xba: {  	s0 =	sor.u32 s1, s0  }
0xbb: {  	s0 =	sadd.s32 $0x8F2B, s0  }
0xbc: {  	[sflag:s0] =	ssyncadd.remote.s32 $0x1  }
0xbd: {  	_ =	sfence.sel $0xFFFF  }
0xbe: {  	[dreg:$0x0] =	wrdreg $0xFFFFFFFF;
	(pc) =	sbr.abs _section_cstart, $3  }
0xbf: {  	[dreg:$0x1] =	wrdreg $0xFFFFFFFF  }
0xc0: {  	_ =	task.clear_ibuf [dreg:s6], $0x2FFFF;
	_ =	strace $0x9FFFFFFF  }
0xc1: {  	(tm) =	ssettm $0x7FFFFFFF  }
tec
execute0_lowered:
.L_overlay_start_1:
0x0: {  	(tag) =	ssettag $0x1  }
0x1: {  	s0 =	rddreg [dreg:$0x0]  }
0x2: {  	s2 =	simm.s32 $0x0;
	s1 =	srdreg.scid;
	s10 =	stileid.u32  }
0x3: {  	s29 =	simm.s32 $0x3840;
	s31 =	simm.s32 $0x5840;
	s11 =	simm.s32 $0x9C40  }
0x4: {  	s28 =	simm.s32 $0x8;
	s30 =	simm.s32 $0x4;
	[smem:$0x7FF] =	sst s2  }
0x5: {  	s1 =	sand.u32 $0x1, s1;
	s3 =	sshll.u32 s10, $0x1;
	s17 =	smul.u32 $0x190000, s10  }
0x6: {  	s4 =	sadd.s32 $0x64400, s0;
	s22 =	smul.u32 $0x6400, s10;
	s10 =	simm.s32 $0x2D8  }
0x7: {  	_ =	strace $0x80000047;
	s5 =	sor.u32 s1, s3;
	s19 =	smul.u32 $0xC8000, s1  }
0x8: {  	s3 =	sadd.s32 $0x400, s0;
	s6 =	ssub.s32 $0x2, s1;
	s1 =	smul.u32 $0x3200, s1  }
0x9: {  	s0 =	sadd.s32 $0x127A00, s0;
	s7 =	smul.u32 $0x3200, s5;
	s8 =	sshrl.u32 s6, $0x1  }
0xa: {  	s9 =	smul.u32 $0x640000, s5;
	s5 =	sshll.u32 s5, $0x9;
	s25 =	sadd.s32 s22, s3  }
0xb: {  	s22 =	simm.s32 $0x1;
	[dreg:$0x2] =	wrdreg s5;
	s5 =	simm.s32 $0x0  }
0xc: {  	s6 =	ssub.s32 s6, s8;
	s7 =	sadd.s32 s3, s7;
	[dreg:$0x13] =	wrdreg s5  }
0xd: {  	s1 =	sadd.s32 s1, s25;
	s6 =	smax.u32 s6, $0x1;
	[dreg:$0x4] =	wrdreg s7  }
0xe: {  	s25 =	simm.s32 $0x48;
	s26 =	sadd.s32 $0x15E, s1;
	[dreg:$0x11] =	wrdreg s6  }
0xf: {  	s8 =	simm.s32 $0x148;
	s13 =	sadd.s32 $0x32, s7;
	[dreg:$0x12] =	wrdreg s26  }
0x10: {  	s12 =	sshrl.u32 s9, $0x3;
	s14 =	sadd.s32 $0x64, s7;
	[dreg:$0x5] =	wrdreg s13  }
0x11: {  	s1 =	simm.s32 $0x2;
	s15 =	sadd.s32 $0x96, s7;
	[dreg:$0x6] =	wrdreg s14  }
0x12: {  	s9 =	sadd.s32 s0, s12;
	s7 =	sadd.s32 $0xC8, s7;
	[dreg:$0x8] =	wrdreg s15  }
0x13: {  	s0 =	sadd.s32 s17, s0;
	s12 =	simm.s32 $0x190;
	[dreg:$0xa] =	wrdreg s7  }
0x14: {  	s26 =	simm.s32 $0x2640;
	s16 =	sadd.s32 $0x8, s9;
	[dreg:$0x7] =	wrdreg s9  }
0x15: {  	s6 =	simm.s32 $0x6A40;
	s18 =	sadd.s32 $0xC5A80, s9;
	[dreg:$0x9] =	wrdreg s16  }
0x16: {  	s17 =	simm.s32 $0x3;
	s20 =	sadd.s32 $0xC5A88, s9;
	[dreg:$0xb] =	wrdreg s18  }
0x17: {  	s21 =	sadd.s32 $0xC6700, s9;
	s23 =	sadd.s32 $0xC6708, s9;
	[dreg:$0xc] =	wrdreg s20  }
0x18: {  	s24 =	sadd.s32 $0xC7380, s9;
	s9 =	sadd.s32 $0xC7388, s9;
	[dreg:$0xd] =	wrdreg s21  }
0x19: {  	s0 =	sadd.s32 s19, s0;
	s7 =	simm.s32 $0x258;
	[dreg:$0xe] =	wrdreg s23  }
0x1a: {  	s13 =	simm.s32 $0xBC40;
	s14 =	simm.s32 $0x5;
	[dreg:$0xf] =	wrdreg s24  }
0x1b: {  	s15 =	simm.s32 $0x40;
	s19 =	simm.s32 $0x6;
	[dreg:$0x10] =	wrdreg s9  }
0x1c: {  	[dreg:$0x3] =	wrdreg s0;
	s21 =	simm.s32 $0x320;
	s23 =	simm.s32 $0x80  }
0x1d: {  	s24 =	simm.s32 $0x640;
	s20 =	simm.s32 $0xC8;
	s0 =	simm.s32 $0x4B0  }
0x1e: {  	s18 =	simm.s32 $0x210;
	s9 =	simm.s32 $0x8A40;
	s16 =	simm.s32 $0x7  }
.LBB2_1:
0x1f: {  	s5 =	rddreg [dreg:$0x4]  }
0x20: {  	[tilespmem:s2], [sflag:$0x1] =	stream.linear.gather [hbm4b:s5+s2], $0x190, $0x38;
	[tilespmem:$0xCE40] =	vst v63  }
0x21: {  	s5 =	rddreg [dreg:$0x5]  }
0x22: {  	[tilespmem:s12], [sflag:$0x2] =	stream.linear.gather [hbm4b:s5+s2], $0x190, $0x38;
	[tilespmem:$0xCE40] =	vst v63  }
0x23: {  	s5 =	rddreg [dreg:$0x6]  }
0x24: {  	[tilespmem:s21], [sflag:$0x3] =	stream.linear.gather [hbm4b:s5+s2], $0x190, $0x38;
	[tilespmem:$0xCE40] =	vst v63  }
0x25: {  	_ =	swait.ge [sflag:s22], $0x190  }
0x26: {  	[sflag:s22] =	ssyncset.done $0x0  }
0x27: {  	[sflag:s22] =	ssyncadd.s32 $0xFFFFFE70  }
0x28: {  	[tilespmem:s24], [sflag:$0x5] =	stream.indirect.gather [hbm4b:s4+s23], $0x40, s2, s23, $0xb8;
	[tilespmem:$0xCE40] =	vst v63  }
0x29: {  	_ = 	snop  }
0x2a: {  	[tilespmem:s26], [sflag:$0x5] =	stream.indirect.gather [hbm4b:s4+s25], $0x40, s23, s25, $0xb8;
	[tilespmem:$0xCE40] =	vst v63  }
0x2b: {  	_ = 	snop  }
0x2c: {  	[tilespmem:s29], [sflag:$0x5] =	stream.indirect.gather [hbm4b:s4+s23], $0x40, s20, s23, $0xb8;
	[tilespmem:$0xCE40] =	vst v63  }
0x2d: {  	_ = 	snop  }
0x2e: {  	[tilespmem:s31], [sflag:$0x5] =	stream.indirect.gather [hbm4b:s4+s25], $0x40, s8, s25, $0xb8;
	[tilespmem:$0xCE40] =	vst v63  }
0x2f: {  	s5 =	rddreg [dreg:$0x8]  }
0x30: {  	[tilespmem:s0], [sflag:$0x4] =	stream.linear.gather [hbm4b:s5+s2], $0x190, $0x38;
	[tilespmem:$0xCE40] =	vst v63  }
0x31: {  	_ =	swait.ge [sflag:s1], $0x190  }
0x32: {  	[sflag:s1] =	ssyncset.done $0x0  }
0x33: {  	[sflag:s1] =	ssyncadd.s32 $0xFFFFFE70  }
0x34: {  	[tilespmem:s6], [sflag:$0x6] =	stream.indirect.gather [hbm4b:s4+s23], $0x40, s12, s23, $0xb8;
	[tilespmem:$0xCE40] =	vst v63  }
0x35: {  	_ = 	snop  }
0x36: {  	[tilespmem:s9], [sflag:$0x6] =	stream.indirect.gather [hbm4b:s4+s25], $0x40, s18, s25, $0xb8;
	[tilespmem:$0xCE40] =	vst v63  }
0x37: {  	_ = 	snop  }
0x38: {  	[tilespmem:s11], [sflag:$0x6] =	stream.indirect.gather [hbm4b:s4+s23], $0x40, s7, s23, $0xb8;
	[tilespmem:$0xCE40] =	vst v63  }
0x39: {  	_ = 	snop  }
0x3a: {  	[tilespmem:s13], [sflag:$0x6] =	stream.indirect.gather [hbm4b:s4+s25], $0x40, s10, s25, $0xb8;
	[tilespmem:$0xCE40] =	vst v63  }
0x3b: {  	_ =	swait.ge [sflag:s14], $0x2000  }
0x3c: {  	[sflag:s14] =	ssyncset.done $0x0  }
0x3d: {  	[sflag:s14] =	ssyncadd.s32 $0xFFFFE000  }
0x3e: {  	_ =	swait.ge [sflag:s14], $0x1200  }
0x3f: {  	[sflag:s14] =	ssyncset.done $0x0  }
0x40: {  	[sflag:s14] =	ssyncadd.s32 $0xFFFFEE00  }
0x41: {  	_ =	swait.ge [sflag:s14], $0x2000  }
0x42: {  	[sflag:s14] =	ssyncset.done $0x0  }
0x43: {  	[sflag:s14] =	ssyncadd.s32 $0xFFFFE000  }
0x44: {  	_ =	swait.ge [sflag:s14], $0x1200  }
0x45: {  	[sflag:s14] =	ssyncset.done $0x0  }
0x46: {  	s7 =	rddreg [dreg:$0x7];
	[sflag:s14] =	ssyncadd.s32 $0xFFFFEE00  }
0x47: {  	[hbm4b:s7+s15] =	stream.strided.scatter [tilespmem:s24], [sflag:$0x7], $0x3200, s23, s15, $0x38;
	[tilespmem:$0xCE40] =	vst v63  }
0x48: {  	s10 =	rddreg [dreg:$0x9]  }
0x49: {  	[hbm4b:s10+s15] =	stream.strided.scatter [tilespmem:s29], [sflag:$0x7], $0x3200, s23, s15, $0x38;
	[tilespmem:$0xCE40] =	vst v63  }
0x4a: {  	s7 =	rddreg [dreg:$0xa]  }
0x4b: {  	[tilespmem:s2], [sflag:$0x1] =	stream.linear.gather [hbm4b:s7+s2], $0x190, $0x38;
	[tilespmem:$0xCE40] =	vst v63  }
0x4c: {  	_ =	swait.ge [sflag:s16], $0x3200  }
0x4d: {  	[sflag:s16] =	ssyncset.done $0x0  }
0x4e: {  	[sflag:s16] =	ssyncadd.s32 $0xFFFFCE00  }
0x4f: {  	_ =	swait.ge [sflag:s16], $0x3200  }
0x50: {  	[sflag:s16] =	ssyncset.done $0x0  }
0x51: {  	[sflag:s16] =	ssyncadd.s32 $0xFFFFCE00  }
0x52: {  	_ =	swait.ge [sflag:s17], $0x190  }
0x53: {  	[sflag:s17] =	ssyncset.done $0x0  }
0x54: {  	[sflag:s17] =	ssyncadd.s32 $0xFFFFFE70  }
0x55: {  	[tilespmem:s24], [sflag:$0x5] =	stream.indirect.gather [hbm4b:s4+s23], $0x40, s21, s23, $0xb8;
	[tilespmem:$0xCE40] =	vst v63  }
0x56: {  	s10 =	simm.s32 $0x3A0  }
0x57: {  	[tilespmem:s26], [sflag:$0x5] =	stream.indirect.gather [hbm4b:s4+s25], $0x40, s10, s25, $0xb8;
	[tilespmem:$0xCE40] =	vst v63  }
0x58: {  	s7 =	simm.s32 $0x3E8  }
0x59: {  	[tilespmem:s29], [sflag:$0x5] =	stream.indirect.gather [hbm4b:s4+s23], $0x40, s7, s23, $0xb8;
	[tilespmem:$0xCE40] =	vst v63  }
0x5a: {  	s10 =	simm.s32 $0x468  }
0x5b: {  	[tilespmem:s31], [sflag:$0x5] =	stream.indirect.gather [hbm4b:s4+s25], $0x40, s10, s25, $0xb8;
	[tilespmem:$0xCE40] =	vst v63  }
0x5c: {  	_ =	swait.ge [sflag:s19], $0x2000  }
0x5d: {  	[sflag:s19] =	ssyncset.done $0x0  }
0x5e: {  	[sflag:s19] =	ssyncadd.s32 $0xFFFFE000  }
0x5f: {  	_ =	swait.ge [sflag:s19], $0x1200  }
0x60: {  	[sflag:s19] =	ssyncset.done $0x0  }
0x61: {  	[sflag:s19] =	ssyncadd.s32 $0xFFFFEE00  }
0x62: {  	_ =	swait.ge [sflag:s19], $0x2000  }
0x63: {  	[sflag:s19] =	ssyncset.done $0x0  }
0x64: {  	[sflag:s19] =	ssyncadd.s32 $0xFFFFE000  }
0x65: {  	_ =	swait.ge [sflag:s19], $0x1200  }
0x66: {  	s7 =	rddreg [dreg:$0x3]  }
0x67: {  	[sflag:s19] =	ssyncset.done $0x0;
	s5 =	sadd.s32 $0x0, s7  }
0x68: {  	[sflag:s19] =	ssyncadd.s32 $0xFFFFEE00;
	s10 =	sadd.s32 $0xC80, s5  }
0x69: {  	[hbm4b:s10+s15] =	stream.strided.scatter [tilespmem:s6], [sflag:$0x8], $0x3200, s23, s15, $0x38;
	[tilespmem:$0xCE40] =	vst v63  }
0x6a: {  	s10 =	sadd.s32 $0xC88, s5  }
0x6b: {  	[hbm4b:s10+s15] =	stream.strided.scatter [tilespmem:s11], [sflag:$0x8], $0x3200, s23, s15, $0x38;
	[tilespmem:$0xCE40] =	vst v63  }
0x6c: {  	s10 =	rddreg [dreg:$0x12]  }
0x6d: {  	s7 =	sadd.s32 $0xFFFFFF9C, s10  }
0x6e: {  	[tilespmem:s12], [sflag:$0x2] =	stream.linear.gather [hbm4b:s7+s2], $0x190, $0x38;
	[tilespmem:$0xCE40] =	vst v63  }
0x6f: {  	_ =	swait.ge [sflag:s28], $0x3200  }
0x70: {  	[sflag:s28] =	ssyncset.done $0x0  }
0x71: {  	[sflag:s28] =	ssyncadd.s32 $0xFFFFCE00  }
0x72: {  	_ =	swait.ge [sflag:s28], $0x3200  }
0x73: {  	[sflag:s28] =	ssyncset.done $0x0  }
0x74: {  	[sflag:s28] =	ssyncadd.s32 $0xFFFFCE00  }
0x75: {  	_ =	swait.ge [sflag:s30], $0x190  }
0x76: {  	[sflag:s30] =	ssyncset.done $0x0  }
0x77: {  	[sflag:s30] =	ssyncadd.s32 $0xFFFFFE70  }
0x78: {  	[tilespmem:s6], [sflag:$0x6] =	stream.indirect.gather [hbm4b:s4+s23], $0x40, s0, s23, $0xb8;
	[tilespmem:$0xCE40] =	vst v63  }
0x79: {  	s7 =	simm.s32 $0x530  }
0x7a: {  	[tilespmem:s9], [sflag:$0x6] =	stream.indirect.gather [hbm4b:s4+s25], $0x40, s7, s25, $0xb8;
	[tilespmem:$0xCE40] =	vst v63  }
0x7b: {  	s7 =	simm.s32 $0x578  }
0x7c: {  	[tilespmem:s11], [sflag:$0x6] =	stream.indirect.gather [hbm4b:s4+s23], $0x40, s7, s23, $0xb8;
	[tilespmem:$0xCE40] =	vst v63  }
0x7d: {  	s7 =	simm.s32 $0x5F8  }
0x7e: {  	[tilespmem:s13], [sflag:$0x6] =	stream.indirect.gather [hbm4b:s4+s25], $0x40, s7, s25, $0xb8;
	[tilespmem:$0xCE40] =	vst v63  }
0x7f: {  	_ =	swait.ge [sflag:s14], $0x2000  }
0x80: {  	[sflag:s14] =	ssyncset.done $0x0  }
0x81: {  	[sflag:s14] =	ssyncadd.s32 $0xFFFFE000  }
0x82: {  	_ =	swait.ge [sflag:s14], $0x1200  }
0x83: {  	[sflag:s14] =	ssyncset.done $0x0  }
0x84: {  	[sflag:s14] =	ssyncadd.s32 $0xFFFFEE00  }
0x85: {  	_ =	swait.ge [sflag:s14], $0x2000  }
0x86: {  	[sflag:s14] =	ssyncset.done $0x0  }
0x87: {  	[sflag:s14] =	ssyncadd.s32 $0xFFFFE000  }
0x88: {  	_ =	swait.ge [sflag:s14], $0x1200  }
0x89: {  	[sflag:s14] =	ssyncset.done $0x0  }
0x8a: {  	s7 =	sadd.s32 $0x1900, s5;
	[sflag:s14] =	ssyncadd.s32 $0xFFFFEE00  }
0x8b: {  	[hbm4b:s7+s15] =	stream.strided.scatter [tilespmem:s24], [sflag:$0x7], $0x3200, s23, s15, $0x38;
	[tilespmem:$0xCE40] =	vst v63  }
0x8c: {  	s7 =	sadd.s32 $0x1908, s5  }
0x8d: {  	[hbm4b:s7+s15] =	stream.strided.scatter [tilespmem:s29], [sflag:$0x7], $0x3200, s23, s15, $0x38;
	[tilespmem:$0xCE40] =	vst v63  }
0x8e: {  	s7 =	sadd.s32 $0xFFFFFFCE, s10  }
0x8f: {  	[tilespmem:s21], [sflag:$0x3] =	stream.linear.gather [hbm4b:s7+s2], $0x190, $0x38;
	[tilespmem:$0xCE40] =	vst v63  }
0x90: {  	_ =	swait.ge [sflag:s16], $0x3200  }
0x91: {  	[sflag:s16] =	ssyncset.done $0x0  }
0x92: {  	[sflag:s16] =	ssyncadd.s32 $0xFFFFCE00  }
0x93: {  	_ =	swait.ge [sflag:s16], $0x3200  }
0x94: {  	[sflag:s16] =	ssyncset.done $0x0  }
0x95: {  	[sflag:s16] =	ssyncadd.s32 $0xFFFFCE00  }
0x96: {  	_ =	swait.ge [sflag:s22], $0x190  }
0x97: {  	[sflag:s22] =	ssyncset.done $0x0  }
0x98: {  	[sflag:s22] =	ssyncadd.s32 $0xFFFFFE70  }
0x99: {  	[tilespmem:s24], [sflag:$0x5] =	stream.indirect.gather [hbm4b:s4+s23], $0x40, s2, s23, $0xb8;
	[tilespmem:$0xCE40] =	vst v63  }
0x9a: {  	_ = 	snop  }
0x9b: {  	[tilespmem:s26], [sflag:$0x5] =	stream.indirect.gather [hbm4b:s4+s25], $0x40, s23, s25, $0xb8;
	[tilespmem:$0xCE40] =	vst v63  }
0x9c: {  	_ = 	snop  }
0x9d: {  	[tilespmem:s29], [sflag:$0x5] =	stream.indirect.gather [hbm4b:s4+s23], $0x40, s20, s23, $0xb8;
	[tilespmem:$0xCE40] =	vst v63  }
0x9e: {  	_ = 	snop  }
0x9f: {  	[tilespmem:s31], [sflag:$0x5] =	stream.indirect.gather [hbm4b:s4+s25], $0x40, s8, s25, $0xb8;
	[tilespmem:$0xCE40] =	vst v63  }
0xa0: {  	_ =	swait.ge [sflag:s19], $0x2000  }
0xa1: {  	[sflag:s19] =	ssyncset.done $0x0  }
0xa2: {  	[sflag:s19] =	ssyncadd.s32 $0xFFFFE000  }
0xa3: {  	_ =	swait.ge [sflag:s19], $0x1200  }
0xa4: {  	[sflag:s19] =	ssyncset.done $0x0  }
0xa5: {  	[sflag:s19] =	ssyncadd.s32 $0xFFFFEE00  }
0xa6: {  	_ =	swait.ge [sflag:s19], $0x2000  }
0xa7: {  	[sflag:s19] =	ssyncset.done $0x0  }
0xa8: {  	[sflag:s19] =	ssyncadd.s32 $0xFFFFE000  }
0xa9: {  	_ =	swait.ge [sflag:s19], $0x1200  }
0xaa: {  	[sflag:s19] =	ssyncset.done $0x0  }
0xab: {  	s8 =	sadd.s32 $0x2580, s5;
	[sflag:s19] =	ssyncadd.s32 $0xFFFFEE00  }
0xac: {  	[hbm4b:s8+s15] =	stream.strided.scatter [tilespmem:s6], [sflag:$0x8], $0x3200, s23, s15, $0x38;
	[tilespmem:$0xCE40] =	vst v63  }
0xad: {  	s8 =	sadd.s32 $0x2588, s5  }
0xae: {  	[hbm4b:s8+s15] =	stream.strided.scatter [tilespmem:s11], [sflag:$0x8], $0x3200, s23, s15, $0x38;
	[tilespmem:$0xCE40] =	vst v63  }
0xaf: {  	_ = 	snop  }
0xb0: {  	[tilespmem:s0], [sflag:$0x4] =	stream.linear.gather [hbm4b:s10+s2], $0x190, $0x38;
	[tilespmem:$0xCE40] =	vst v63  }
0xb1: {  	_ =	swait.ge [sflag:s28], $0x3200  }
0xb2: {  	[sflag:s28] =	ssyncset.done $0x0  }
0xb3: {  	[sflag:s28] =	ssyncadd.s32 $0xFFFFCE00  }
0xb4: {  	_ =	swait.ge [sflag:s28], $0x3200  }
0xb5: {  	[sflag:s28] =	ssyncset.done $0x0  }
0xb6: {  	[sflag:s28] =	ssyncadd.s32 $0xFFFFCE00  }
0xb7: {  	_ =	swait.ge [sflag:s1], $0x190  }
0xb8: {  	[sflag:s1] =	ssyncset.done $0x0  }
0xb9: {  	[sflag:s1] =	ssyncadd.s32 $0xFFFFFE70  }
0xba: {  	[tilespmem:s6], [sflag:$0x6] =	stream.indirect.gather [hbm4b:s4+s23], $0x40, s12, s23, $0xb8;
	[tilespmem:$0xCE40] =	vst v63  }
0xbb: {  	_ = 	snop  }
0xbc: {  	[tilespmem:s9], [sflag:$0x6] =	stream.indirect.gather [hbm4b:s4+s25], $0x40, s18, s25, $0xb8;
	[tilespmem:$0xCE40] =	vst v63  }
0xbd: {  	s8 =	simm.s32 $0x258  }
0xbe: {  	[tilespmem:s11], [sflag:$0x6] =	stream.indirect.gather [hbm4b:s4+s23], $0x40, s8, s23, $0xb8;
	[tilespmem:$0xCE40] =	vst v63  }
0xbf: {  	s18 =	simm.s32 $0x2D8  }
0xc0: {  	[tilespmem:s13], [sflag:$0x6] =	stream.indirect.gather [hbm4b:s4+s25], $0x40, s18, s25, $0xb8;
	[tilespmem:$0xCE40] =	vst v63  }
0xc1: {  	_ =	swait.ge [sflag:s14], $0x2000  }
0xc2: {  	[sflag:s14] =	ssyncset.done $0x0  }
0xc3: {  	[sflag:s14] =	ssyncadd.s32 $0xFFFFE000  }
0xc4: {  	_ =	swait.ge [sflag:s14], $0x1200  }
0xc5: {  	[sflag:s14] =	ssyncset.done $0x0  }
0xc6: {  	[sflag:s14] =	ssyncadd.s32 $0xFFFFEE00  }
0xc7: {  	_ =	swait.ge [sflag:s14], $0x2000  }
0xc8: {  	[sflag:s14] =	ssyncset.done $0x0  }
0xc9: {  	[sflag:s14] =	ssyncadd.s32 $0xFFFFE000  }
0xca: {  	s7 =	simm.s32 $0x10;
	_ =	swait.ge [sflag:s14], $0x1200  }
0xcb: {  	s7 =	sand.u32 $0x1F8, s7;
	[sflag:s14] =	ssyncset.done $0x0;
	s8 =	rddreg [dreg:$0x2]  }
0xcc: {  	s18 =	sadd.s32 $0x3200, s5;
	[sflag:s14] =	ssyncadd.s32 $0xFFFFEE00;
	s7 =	sor.u32 s8, s7  }
0xcd: {  	[hbm4b:s18+s15] =	stream.strided.scatter [tilespmem:s24], [sflag:$0x7], $0x3200, s23, s15, $0x38;
	[tilespmem:$0xCE40] =	vst v63  }
0xce: {  	s5 =	sadd.s32 $0x3208, s5;
	s8 =	sadd.s32 $0xC8, s10;
	s7 =	smul.u32 $0x19, s7  }
0xcf: {  	[hbm4b:s5+s15] =	stream.strided.scatter [tilespmem:s29], [sflag:$0x7], $0x3200, s23, s15, $0x38;
	[tilespmem:$0xCE40] =	vst v63  }
0xd0: {  	s18 =	simm.s32 $0x3200;
	s7 =	sadd.s32 s3, s7;
	s5 =	simm.s32 $0x18  }
.LBB2_2:
0xd1: {  	[tilespmem:s2], [sflag:$0x1] =	stream.linear.gather [hbm4b:s7+s2], $0x190, $0x38;
	[tilespmem:$0xCE40] =	vst v63  }
0xd2: {  	_ =	swait.ge [sflag:s16], $0x3200  }
0xd3: {  	[sflag:s16] =	ssyncset.done $0x0  }
0xd4: {  	[sflag:s16] =	ssyncadd.s32 $0xFFFFCE00  }
0xd5: {  	_ =	swait.ge [sflag:s16], $0x3200  }
0xd6: {  	[sflag:s16] =	ssyncset.done $0x0  }
0xd7: {  	[sflag:s16] =	ssyncadd.s32 $0xFFFFCE00  }
0xd8: {  	_ =	swait.ge [sflag:s17], $0x190  }
0xd9: {  	[sflag:s17] =	ssyncset.done $0x0  }
0xda: {  	[sflag:s17] =	ssyncadd.s32 $0xFFFFFE70  }
0xdb: {  	[tilespmem:s24], [sflag:$0x5] =	stream.indirect.gather [hbm4b:s4+s23], $0x40, s21, s23, $0xb8;
	[tilespmem:$0xCE40] =	vst v63  }
0xdc: {  	s10 =	simm.s32 $0x3A0  }
0xdd: {  	[tilespmem:s26], [sflag:$0x5] =	stream.indirect.gather [hbm4b:s4+s25], $0x40, s10, s25, $0xb8;
	[tilespmem:$0xCE40] =	vst v63  }
0xde: {  	s10 =	simm.s32 $0x3E8  }
0xdf: {  	[tilespmem:s29], [sflag:$0x5] =	stream.indirect.gather [hbm4b:s4+s23], $0x40, s10, s23, $0xb8;
	[tilespmem:$0xCE40] =	vst v63  }
0xe0: {  	s10 =	simm.s32 $0x468  }
0xe1: {  	[tilespmem:s31], [sflag:$0x5] =	stream.indirect.gather [hbm4b:s4+s25], $0x40, s10, s25, $0xb8;
	[tilespmem:$0xCE40] =	vst v63  }
0xe2: {  	_ =	swait.ge [sflag:s19], $0x2000  }
0xe3: {  	[sflag:s19] =	ssyncset.done $0x0  }
0xe4: {  	[sflag:s19] =	ssyncadd.s32 $0xFFFFE000  }
0xe5: {  	_ =	swait.ge [sflag:s19], $0x1200  }
0xe6: {  	[sflag:s19] =	ssyncset.done $0x0  }
0xe7: {  	[sflag:s19] =	ssyncadd.s32 $0xFFFFEE00  }
0xe8: {  	_ =	swait.ge [sflag:s19], $0x2000  }
0xe9: {  	[sflag:s19] =	ssyncset.done $0x0  }
0xea: {  	[sflag:s19] =	ssyncadd.s32 $0xFFFFE000  }
0xeb: {  	_ =	swait.ge [sflag:s19], $0x1200  }
0xec: {  	s7 =	smov.u32 s18;
	s10 =	rddreg [dreg:$0x3]  }
0xed: {  	[sflag:s19] =	ssyncset.done $0x0;
	s7 =	sadd.s32 s7, s10  }
0xee: {  	[sflag:s19] =	ssyncadd.s32 $0xFFFFEE00;
	s10 =	sadd.s32 $0xC80, s7  }
0xef: {  	[hbm4b:s10+s15] =	stream.strided.scatter [tilespmem:s6], [sflag:$0x8], $0x3200, s23, s15, $0x38;
	[tilespmem:$0xCE40] =	vst v63  }
0xf0: {  	s10 =	sadd.s32 $0xC88, s7  }
0xf1: {  	[hbm4b:s10+s15] =	stream.strided.scatter [tilespmem:s11], [sflag:$0x8], $0x3200, s23, s15, $0x38;
	[tilespmem:$0xCE40] =	vst v63  }
0xf2: {  	s10 =	sadd.s32 $0xFFFFFF9C, s8  }
0xf3: {  	[tilespmem:s12], [sflag:$0x2] =	stream.linear.gather [hbm4b:s10+s2], $0x190, $0x38;
	[tilespmem:$0xCE40] =	vst v63  }
0xf4: {  	_ =	swait.ge [sflag:s28], $0x3200  }
0xf5: {  	[sflag:s28] =	ssyncset.done $0x0  }
0xf6: {  	[sflag:s28] =	ssyncadd.s32 $0xFFFFCE00  }
0xf7: {  	_ =	swait.ge [sflag:s28], $0x3200  }
0xf8: {  	[sflag:s28] =	ssyncset.done $0x0  }
0xf9: {  	[sflag:s28] =	ssyncadd.s32 $0xFFFFCE00  }
0xfa: {  	_ =	swait.ge [sflag:s30], $0x190  }
0xfb: {  	[sflag:s30] =	ssyncset.done $0x0  }
0xfc: {  	[sflag:s30] =	ssyncadd.s32 $0xFFFFFE70  }
0xfd: {  	[tilespmem:s6], [sflag:$0x6] =	stream.indirect.gather [hbm4b:s4+s23], $0x40, s0, s23, $0xb8;
	[tilespmem:$0xCE40] =	vst v63  }
0xfe: {  	s10 =	simm.s32 $0x530  }
0xff: {  	[tilespmem:s9], [sflag:$0x6] =	stream.indirect.gather [hbm4b:s4+s25], $0x40, s10, s25, $0xb8;
	[tilespmem:$0xCE40] =	vst v63  }
0x100: {  	s10 =	simm.s32 $0x578  }
0x101: {  	[tilespmem:s11], [sflag:$0x6] =	stream.indirect.gather [hbm4b:s4+s23], $0x40, s10, s23, $0xb8;
	[tilespmem:$0xCE40] =	vst v63  }
0x102: {  	s10 =	simm.s32 $0x5F8  }
0x103: {  	[tilespmem:s13], [sflag:$0x6] =	stream.indirect.gather [hbm4b:s4+s25], $0x40, s10, s25, $0xb8;
	[tilespmem:$0xCE40] =	vst v63  }
0x104: {  	_ =	swait.ge [sflag:s14], $0x2000  }
0x105: {  	[sflag:s14] =	ssyncset.done $0x0  }
0x106: {  	[sflag:s14] =	ssyncadd.s32 $0xFFFFE000  }
0x107: {  	_ =	swait.ge [sflag:s14], $0x1200  }
0x108: {  	[sflag:s14] =	ssyncset.done $0x0  }
0x109: {  	[sflag:s14] =	ssyncadd.s32 $0xFFFFEE00  }
0x10a: {  	_ =	swait.ge [sflag:s14], $0x2000  }
0x10b: {  	[sflag:s14] =	ssyncset.done $0x0  }
0x10c: {  	[sflag:s14] =	ssyncadd.s32 $0xFFFFE000  }
0x10d: {  	_ =	swait.ge [sflag:s14], $0x1200  }
0x10e: {  	[sflag:s14] =	ssyncset.done $0x0  }
0x10f: {  	s10 =	sadd.s32 $0x1900, s7;
	[sflag:s14] =	ssyncadd.s32 $0xFFFFEE00  }
0x110: {  	[hbm4b:s10+s15] =	stream.strided.scatter [tilespmem:s24], [sflag:$0x7], $0x3200, s23, s15, $0x38;
	[tilespmem:$0xCE40] =	vst v63  }
0x111: {  	s10 =	sadd.s32 $0x1908, s7  }
0x112: {  	[hbm4b:s10+s15] =	stream.strided.scatter [tilespmem:s29], [sflag:$0x7], $0x3200, s23, s15, $0x38;
	[tilespmem:$0xCE40] =	vst v63  }
0x113: {  	s10 =	sadd.s32 $0xFFFFFFCE, s8  }
0x114: {  	[tilespmem:s21], [sflag:$0x3] =	stream.linear.gather [hbm4b:s10+s2], $0x190, $0x38;
	[tilespmem:$0xCE40] =	vst v63  }
0x115: {  	_ =	swait.ge [sflag:s16], $0x3200  }
0x116: {  	[sflag:s16] =	ssyncset.done $0x0  }
0x117: {  	[sflag:s16] =	ssyncadd.s32 $0xFFFFCE00  }
0x118: {  	_ =	swait.ge [sflag:s16], $0x3200  }
0x119: {  	[sflag:s16] =	ssyncset.done $0x0  }
0x11a: {  	[sflag:s16] =	ssyncadd.s32 $0xFFFFCE00  }
0x11b: {  	_ =	swait.ge [sflag:s22], $0x190  }
0x11c: {  	[sflag:s22] =	ssyncset.done $0x0  }
0x11d: {  	[sflag:s22] =	ssyncadd.s32 $0xFFFFFE70  }
0x11e: {  	[tilespmem:s24], [sflag:$0x5] =	stream.indirect.gather [hbm4b:s4+s23], $0x40, s2, s23, $0xb8;
	[tilespmem:$0xCE40] =	vst v63  }
0x11f: {  	_ = 	snop  }
0x120: {  	[tilespmem:s26], [sflag:$0x5] =	stream.indirect.gather [hbm4b:s4+s25], $0x40, s23, s25, $0xb8;
	[tilespmem:$0xCE40] =	vst v63  }
0x121: {  	_ = 	snop  }
0x122: {  	[tilespmem:s29], [sflag:$0x5] =	stream.indirect.gather [hbm4b:s4+s23], $0x40, s20, s23, $0xb8;
	[tilespmem:$0xCE40] =	vst v63  }
0x123: {  	s20 =	simm.s32 $0x148  }
0x124: {  	[tilespmem:s31], [sflag:$0x5] =	stream.indirect.gather [hbm4b:s4+s25], $0x40, s20, s25, $0xb8;
	[tilespmem:$0xCE40] =	vst v63  }
0x125: {  	_ =	swait.ge [sflag:s19], $0x2000  }
0x126: {  	[sflag:s19] =	ssyncset.done $0x0  }
0x127: {  	[sflag:s19] =	ssyncadd.s32 $0xFFFFE000  }
0x128: {  	_ =	swait.ge [sflag:s19], $0x1200  }
0x129: {  	[sflag:s19] =	ssyncset.done $0x0  }
0x12a: {  	[sflag:s19] =	ssyncadd.s32 $0xFFFFEE00  }
0x12b: {  	_ =	swait.ge [sflag:s19], $0x2000  }
0x12c: {  	[sflag:s19] =	ssyncset.done $0x0  }
0x12d: {  	[sflag:s19] =	ssyncadd.s32 $0xFFFFE000  }
0x12e: {  	_ =	swait.ge [sflag:s19], $0x1200  }
0x12f: {  	[sflag:s19] =	ssyncset.done $0x0  }
0x130: {  	s20 =	sadd.s32 $0x2580, s7;
	[sflag:s19] =	ssyncadd.s32 $0xFFFFEE00  }
0x131: {  	[hbm4b:s20+s15] =	stream.strided.scatter [tilespmem:s6], [sflag:$0x8], $0x3200, s23, s15, $0x38;
	[tilespmem:$0xCE40] =	vst v63  }
0x132: {  	s20 =	sadd.s32 $0x2588, s7  }
0x133: {  	[hbm4b:s20+s15] =	stream.strided.scatter [tilespmem:s11], [sflag:$0x8], $0x3200, s23, s15, $0x38;
	[tilespmem:$0xCE40] =	vst v63  }
0x134: {  	_ = 	snop  }
0x135: {  	[tilespmem:s0], [sflag:$0x4] =	stream.linear.gather [hbm4b:s8+s2], $0x190, $0x38;
	[tilespmem:$0xCE40] =	vst v63  }
0x136: {  	_ =	swait.ge [sflag:s28], $0x3200  }
0x137: {  	[sflag:s28] =	ssyncset.done $0x0  }
0x138: {  	[sflag:s28] =	ssyncadd.s32 $0xFFFFCE00  }
0x139: {  	_ =	swait.ge [sflag:s28], $0x3200  }
0x13a: {  	[sflag:s28] =	ssyncset.done $0x0  }
0x13b: {  	[sflag:s28] =	ssyncadd.s32 $0xFFFFCE00  }
0x13c: {  	_ =	swait.ge [sflag:s1], $0x190  }
0x13d: {  	[sflag:s1] =	ssyncset.done $0x0  }
0x13e: {  	[sflag:s1] =	ssyncadd.s32 $0xFFFFFE70  }
0x13f: {  	[tilespmem:s6], [sflag:$0x6] =	stream.indirect.gather [hbm4b:s4+s23], $0x40, s12, s23, $0xb8;
	[tilespmem:$0xCE40] =	vst v63  }
0x140: {  	s20 =	simm.s32 $0x210  }
0x141: {  	[tilespmem:s9], [sflag:$0x6] =	stream.indirect.gather [hbm4b:s4+s25], $0x40, s20, s25, $0xb8;
	[tilespmem:$0xCE40] =	vst v63  }
0x142: {  	s12 =	simm.s32 $0x258  }
0x143: {  	[tilespmem:s11], [sflag:$0x6] =	stream.indirect.gather [hbm4b:s4+s23], $0x40, s12, s23, $0xb8;
	[tilespmem:$0xCE40] =	vst v63  }
0x144: {  	s20 =	simm.s32 $0x2D8  }
0x145: {  	[tilespmem:s13], [sflag:$0x6] =	stream.indirect.gather [hbm4b:s4+s25], $0x40, s20, s25, $0xb8;
	[tilespmem:$0xCE40] =	vst v63  }
0x146: {  	_ =	swait.ge [sflag:s14], $0x2000  }
0x147: {  	[sflag:s14] =	ssyncset.done $0x0  }
0x148: {  	[sflag:s14] =	ssyncadd.s32 $0xFFFFE000  }
0x149: {  	_ =	swait.ge [sflag:s14], $0x1200  }
0x14a: {  	[sflag:s14] =	ssyncset.done $0x0  }
0x14b: {  	[sflag:s14] =	ssyncadd.s32 $0xFFFFEE00  }
0x14c: {  	_ =	swait.ge [sflag:s14], $0x2000  }
0x14d: {  	[sflag:s14] =	ssyncset.done $0x0  }
0x14e: {  	p0 =	sne.s32 s18, $0xC1C00;
	s18 =	sadd.s32 $0x3200, s18;
	[sflag:s14] =	ssyncadd.s32 $0xFFFFE000  }
0x14f: {  	s8 =	sadd.s32 $0xC8, s8;
	s12 =	sadd.s32 $0x3200, s7;
	_ =	swait.ge [sflag:s14], $0x1200  }
0x150: {  	s20 =	sand.u32 $0x1F8, s5;
	[sflag:s14] =	ssyncset.done $0x0;
	s10 =	rddreg [dreg:$0x2]  }
.Ltmp0:
0x151: {  	[sflag:s14] =	ssyncadd.s32 $0xFFFFEE00;
	s10 =	sor.u32 s10, s20;
	(pc) =	sbr.rel @p0 .LBB2_2-.Ltmp0, $4  }
0x152: {  	[hbm4b:s12+s15] =	stream.strided.scatter [tilespmem:s24], [sflag:$0x7], $0x3200, s23, s15, $0x38;
	[tilespmem:$0xCE40] =	vst v63  }
0x153: {  	s7 =	sadd.s32 $0x3208, s7;
	s5 =	sadd.s32 $0x8, s5;
	s10 =	smul.u32 $0x19, s10  }
0x154: {  	[hbm4b:s7+s15] =	stream.strided.scatter [tilespmem:s29], [sflag:$0x7], $0x3200, s23, s15, $0x38;
	[tilespmem:$0xCE40] =	vst v63  }
0x155: {  	s20 =	simm.s32 $0xC8;
	s12 =	simm.s32 $0x190;
	s7 =	sadd.s32 s3, s10  }
0x156: {  	[tilespmem:s2], [sflag:$0x1] =	stream.linear.gather [hbm4b:s7+s2], $0x190, $0x38;
	[tilespmem:$0xCE40] =	vst v63  }
0x157: {  	_ =	swait.ge [sflag:s16], $0x3200  }
0x158: {  	[sflag:s16] =	ssyncset.done $0x0  }
0x159: {  	[sflag:s16] =	ssyncadd.s32 $0xFFFFCE00  }
0x15a: {  	_ =	swait.ge [sflag:s16], $0x3200  }
0x15b: {  	[sflag:s16] =	ssyncset.done $0x0  }
0x15c: {  	[sflag:s16] =	ssyncadd.s32 $0xFFFFCE00  }
0x15d: {  	_ =	swait.ge [sflag:s17], $0x190  }
0x15e: {  	[sflag:s17] =	ssyncset.done $0x0  }
0x15f: {  	[sflag:s17] =	ssyncadd.s32 $0xFFFFFE70  }
0x160: {  	[tilespmem:s24], [sflag:$0x5] =	stream.indirect.gather [hbm4b:s4+s23], $0x40, s21, s23, $0xb8;
	[tilespmem:$0xCE40] =	vst v63  }
0x161: {  	s5 =	simm.s32 $0x3A0  }
0x162: {  	[tilespmem:s26], [sflag:$0x5] =	stream.indirect.gather [hbm4b:s4+s25], $0x40, s5, s25, $0xb8;
	[tilespmem:$0xCE40] =	vst v63  }
0x163: {  	s18 =	simm.s32 $0x3E8  }
0x164: {  	[tilespmem:s29], [sflag:$0x5] =	stream.indirect.gather [hbm4b:s4+s23], $0x40, s18, s23, $0xb8;
	[tilespmem:$0xCE40] =	vst v63  }
0x165: {  	s7 =	simm.s32 $0x468  }
0x166: {  	[tilespmem:s31], [sflag:$0x5] =	stream.indirect.gather [hbm4b:s4+s25], $0x40, s7, s25, $0xb8;
	[tilespmem:$0xCE40] =	vst v63  }
0x167: {  	_ =	swait.ge [sflag:s19], $0x2000  }
0x168: {  	[sflag:s19] =	ssyncset.done $0x0  }
0x169: {  	[sflag:s19] =	ssyncadd.s32 $0xFFFFE000  }
0x16a: {  	_ =	swait.ge [sflag:s19], $0x1200  }
0x16b: {  	[sflag:s19] =	ssyncset.done $0x0  }
0x16c: {  	[sflag:s19] =	ssyncadd.s32 $0xFFFFEE00  }
0x16d: {  	_ =	swait.ge [sflag:s19], $0x2000  }
0x16e: {  	[sflag:s19] =	ssyncset.done $0x0  }
0x16f: {  	[sflag:s19] =	ssyncadd.s32 $0xFFFFE000  }
0x170: {  	_ =	swait.ge [sflag:s19], $0x1200  }
0x171: {  	[sflag:s19] =	ssyncset.done $0x0  }
0x172: {  	s8 =	rddreg [dreg:$0xb];
	[sflag:s19] =	ssyncadd.s32 $0xFFFFEE00  }
0x173: {  	[hbm4b:s8+s15] =	stream.strided.scatter [tilespmem:s6], [sflag:$0x8], $0x3200, s23, s15, $0x38;
	[tilespmem:$0xCE40] =	vst v63  }
0x174: {  	s10 =	rddreg [dreg:$0xc]  }
0x175: {  	[hbm4b:s10+s15] =	stream.strided.scatter [tilespmem:s11], [sflag:$0x8], $0x3200, s23, s15, $0x38;
	[tilespmem:$0xCE40] =	vst v63  }
0x176: {  	_ =	swait.ge [sflag:s28], $0x3200  }
0x177: {  	[sflag:s28] =	ssyncset.done $0x0  }
0x178: {  	[sflag:s28] =	ssyncadd.s32 $0xFFFFCE00  }
0x179: {  	_ =	swait.ge [sflag:s28], $0x3200  }
0x17a: {  	[sflag:s28] =	ssyncset.done $0x0  }
0x17b: {  	[sflag:s28] =	ssyncadd.s32 $0xFFFFCE00  }
0x17c: {  	_ =	swait.ge [sflag:s30], $0x190  }
0x17d: {  	[sflag:s30] =	ssyncset.done $0x0  }
0x17e: {  	[sflag:s30] =	ssyncadd.s32 $0xFFFFFE70  }
0x17f: {  	[tilespmem:s6], [sflag:$0x6] =	stream.indirect.gather [hbm4b:s4+s23], $0x40, s0, s23, $0xb8;
	[tilespmem:$0xCE40] =	vst v63  }
0x180: {  	s18 =	simm.s32 $0x530  }
0x181: {  	[tilespmem:s9], [sflag:$0x6] =	stream.indirect.gather [hbm4b:s4+s25], $0x40, s18, s25, $0xb8;
	[tilespmem:$0xCE40] =	vst v63  }
0x182: {  	s7 =	simm.s32 $0x578  }
0x183: {  	[tilespmem:s11], [sflag:$0x6] =	stream.indirect.gather [hbm4b:s4+s23], $0x40, s7, s23, $0xb8;
	[tilespmem:$0xCE40] =	vst v63  }
0x184: {  	s8 =	simm.s32 $0x5F8  }
0x185: {  	[tilespmem:s13], [sflag:$0x6] =	stream.indirect.gather [hbm4b:s4+s25], $0x40, s8, s25, $0xb8;
	[tilespmem:$0xCE40] =	vst v63  }
0x186: {  	_ =	swait.ge [sflag:s14], $0x2000  }
0x187: {  	[sflag:s14] =	ssyncset.done $0x0  }
0x188: {  	[sflag:s14] =	ssyncadd.s32 $0xFFFFE000  }
0x189: {  	_ =	swait.ge [sflag:s14], $0x1200  }
0x18a: {  	[sflag:s14] =	ssyncset.done $0x0  }
0x18b: {  	[sflag:s14] =	ssyncadd.s32 $0xFFFFEE00  }
0x18c: {  	_ =	swait.ge [sflag:s14], $0x2000  }
0x18d: {  	[sflag:s14] =	ssyncset.done $0x0  }
0x18e: {  	[sflag:s14] =	ssyncadd.s32 $0xFFFFE000  }
0x18f: {  	_ =	swait.ge [sflag:s14], $0x1200  }
0x190: {  	[sflag:s14] =	ssyncset.done $0x0  }
0x191: {  	s10 =	rddreg [dreg:$0xd];
	[sflag:s14] =	ssyncadd.s32 $0xFFFFEE00  }
0x192: {  	[hbm4b:s10+s15] =	stream.strided.scatter [tilespmem:s24], [sflag:$0x7], $0x3200, s23, s15, $0x38;
	[tilespmem:$0xCE40] =	vst v63  }
0x193: {  	s18 =	rddreg [dreg:$0xe]  }
0x194: {  	[hbm4b:s18+s15] =	stream.strided.scatter [tilespmem:s29], [sflag:$0x7], $0x3200, s23, s15, $0x38;
	[tilespmem:$0xCE40] =	vst v63  }
0x195: {  	_ =	swait.ge [sflag:s19], $0x2000  }
0x196: {  	[sflag:s19] =	ssyncset.done $0x0  }
0x197: {  	[sflag:s19] =	ssyncadd.s32 $0xFFFFE000  }
0x198: {  	_ =	swait.ge [sflag:s19], $0x1200  }
0x199: {  	[sflag:s19] =	ssyncset.done $0x0  }
0x19a: {  	[sflag:s19] =	ssyncadd.s32 $0xFFFFEE00  }
0x19b: {  	_ =	swait.ge [sflag:s19], $0x2000  }
0x19c: {  	[sflag:s19] =	ssyncset.done $0x0  }
0x19d: {  	[sflag:s19] =	ssyncadd.s32 $0xFFFFE000  }
0x19e: {  	_ =	swait.ge [sflag:s19], $0x1200  }
0x19f: {  	[sflag:s19] =	ssyncset.done $0x0  }
0x1a0: {  	s7 =	rddreg [dreg:$0xf];
	[sflag:s19] =	ssyncadd.s32 $0xFFFFEE00  }
0x1a1: {  	[hbm4b:s7+s15] =	stream.strided.scatter [tilespmem:s6], [sflag:$0x8], $0x3200, s23, s15, $0x38;
	[tilespmem:$0xCE40] =	vst v63  }
0x1a2: {  	s8 =	rddreg [dreg:$0x10]  }
0x1a3: {  	[hbm4b:s8+s15] =	stream.strided.scatter [tilespmem:s11], [sflag:$0x8], $0x3200, s23, s15, $0x38;
	[tilespmem:$0xCE40] =	vst v63  }
0x1a4: {  	_ =	swait.ge [sflag:s16], $0x3200  }
0x1a5: {  	[sflag:s16] =	ssyncset.done $0x0  }
0x1a6: {  	[sflag:s16] =	ssyncadd.s32 $0xFFFFCE00  }
0x1a7: {  	_ =	swait.ge [sflag:s16], $0x3200  }
0x1a8: {  	[sflag:s16] =	ssyncset.done $0x0  }
0x1a9: {  	[sflag:s16] =	ssyncadd.s32 $0xFFFFCE00  }
0x1aa: {  	_ =	swait.ge [sflag:s28], $0x3200  }
0x1ab: {  	[sflag:s28] =	ssyncset.done $0x0  }
0x1ac: {  	[sflag:s28] =	ssyncadd.s32 $0xFFFFCE00  }
0x1ad: {  	_ =	swait.ge [sflag:s28], $0x3200  }
0x1ae: {  	[sflag:s28] =	ssyncset.done $0x0  }
0x1af: {  	[sflag:s28] =	ssyncadd.s32 $0xFFFFCE00  }
0x1b0: {  	_ =	swait.ge [sflag:s22], $0x190  }
0x1b1: {  	s10 =	rddreg [dreg:$0x13]  }
0x1b2: {  	s18 =	rddreg [dreg:$0x11];
	s7 =	sadd.s32 $0x1, s10  }
0x1b3: {  	p0 =	sne.s32 s7, s18  }
.Ltmp1:
0x1b4: {  	_ = 	snop;
	(pc) =	sbr.rel @p0 .LBB2_1-.Ltmp1, $4  }
0x1b5: {  	_ = 	snop  }
0x1b6: {  	[sflag:s22] =	ssyncset.done $0x0  }
0x1b7: {  	s8 =	simm.s32 $0x148;
	[sflag:s22] =	ssyncadd.s32 $0xFFFFFE70;
	s10 =	simm.s32 $0x2D8  }
0x1b8: {  	[dreg:$0x13] =	wrdreg s7;
	s18 =	simm.s32 $0x210;
	s7 =	simm.s32 $0x258  }
0x1b9: {  	_ =	sfence.sel $0x180000  }
0x1ba: {  	[bflag:$0x0] =	sbarrier.arrive $0xFFFF  }
0x1bb: {  	_ =	strace $0x90000047  }
0x1bc: {  	s0 =	stileid.u32;
	[bflag:$0x2] =	sbarrier.arrive $0xFFFF  }
0x1bd: {  	p0 =	sne.s32 s0, $0x0;
	s0 =	rddreg [dreg:$0x1]  }
0x1be: {  	s0 =	sadd.s32 @!p0 $0x100000, s0  }
0x1bf: {  	[sflag:s0] =	ssyncadd.tile.s32 @!p0 $0x1;
	_ =	shalt  }
.Lfunc_end2:
_tile_overlayer_lowered:
.L_overlay_start_2:
0x1c0: {  	(tag) =	ssettag $0x2  }
0x1c1: {  	s0 =	rddreg [dreg:$0x0];
	s2 =	stileid.u32  }
0x1c2: {  	s1 =	rddreg [dreg:$0x1];
	p0 =	sne.s32 s2, $0x0  }
0x1c3: {  	s3 =	rddreg [dreg:$0x2];
	[bflag:$0x3] =	sbarrier.arrive $0xFFFF;
	s2 =	simm.s32 @!p0 $0x1C09  }
0x1c4: {  	[timem:s3], [sflag:s2] =	dma.local @!p0 [hbm:s0], s1  }
0x1c5: {  	s0 =	simm.s32 @!p0 $0x9  }
0x1c6: {  	_ =	swait.ge @!p0 [sflag:s0], s1  }
0x1c7: {  	s1 =	ssub.s32 @!p0 $0x0, s1;
	[sflag:s0] =	ssyncset.done @!p0 $0x0  }
0x1c8: {  	[sflag:s0] =	ssyncadd.s32 @!p0 s1  }
0x1c9: {  	[bflag:$0x3] =	sbarrier.arrive $0xFFFF  }
0x1ca: {  	_ =	shalt  }

</sc_bundles>
